<compile_context>
chip_gen: v7x
topology: tpu7x:2x2x1
jax: 0.10.2.dev20260603
libtpu: 0.0.44.dev20260713+nightly
codegen_flags: <defaults>
</compile_context>

<pallas_src>
import functools

import jax
import jax.numpy as jnp
from jax import lax
from jax.experimental import pallas as pl
from jax.experimental.pallas import tpu as pltpu
from jax.experimental.pallas import tpu_sc as plsc

NC = 2
NS = 16
CH = 128
IB = 8
NB = 2
LN = 16
BLK = 512


def _sc_segment_sums(N_PAD, D, FCH):
    RPT = N_PAD // NS

    mesh = plsc.VectorSubcoreMesh(core_axis_name="c", subcore_axis_name="s")

    @functools.partial(
        pl.kernel,
        out_type=(
            jax.ShapeDtypeStruct((NC, N_PAD, D), jnp.float32),
            jax.ShapeDtypeStruct((NC, NS, N_PAD), jnp.float32),
        ),
        mesh=mesh,
        compiler_params=pltpu.CompilerParams(needs_layout_passes=False),
        scratch_types=[
            pltpu.VMEM_SHARED((N_PAD, D), jnp.float32),
            pltpu.VMEM((4 * IB, CH // 4), jnp.int32),
            pltpu.VMEM((IB, CH), jnp.int32),
            pltpu.VMEM((NB, CH, D), jnp.float32),
            pltpu.VMEM((N_PAD,), jnp.float32),
            [pltpu.SemaphoreType.DMA] * NB,
            [pltpu.SemaphoreType.DMA] * NB,
        ],
    )
    def seg(xh_hbm, src_hbm, dstf_hbm,
            acc_out, hist_out,
            acc_sh, sidx, didx, rows, hist, gsems, ssems):
        c = lax.axis_index("c")
        s = lax.axis_index("s")
        rbase = s * RPT

        zv = jnp.zeros((LN,), jnp.float32)

        def zrow(i, carry):
            def zcol(j, carry2):
                rows[0, i, pl.ds(j * LN, LN)] = zv
                return carry2

            return lax.fori_loop(0, D // LN, zcol, carry)

        lax.fori_loop(0, CH, zrow, 0)

        def zhist(i, carry):
            hist[pl.ds(i * LN, LN)] = zv
            return carry

        lax.fori_loop(0, N_PAD // LN, zhist, 0)

        def zinit(k, carry):
            pltpu.sync_copy(rows.at[0], acc_sh.at[pl.ds(rbase + k * CH, CH)])
            return carry

        lax.fori_loop(0, RPT // CH, zinit, 0)
        plsc.subcore_barrier()

        ones16 = jnp.ones((LN,), jnp.float32)

        def fouter(jo, carry):
            pltpu.sync_copy(src_hbm.at[c, s, pl.ds(jo * 4 * IB, 4 * IB)],
                            sidx)
            pltpu.sync_copy(dstf_hbm.at[s, pl.ds(jo * IB, IB)], didx)

            def gat(t, q):
                return tuple(
                    pltpu.async_copy(xh_hbm.at[sidx.at[4 * t + hh]],
                                     rows.at[q, pl.ds(hh * (CH // 4),
                                                      CH // 4)],
                                     gsems[q])
                    for hh in range(4)
                )

            pend_g = [gat(q, q) for q in range(NB)]
            pend_s = [None] * NB
            for j in range(IB):
                q = j % NB
                for dsc in pend_g[q]:
                    dsc.wait()
                pend_s[q] = pltpu.async_copy(
                    rows.at[q], acc_sh.at[didx.at[j]], ssems[q], add=True)
                for k in range(CH // LN):
                    idx = didx[j, pl.ds(k * LN, LN)]
                    plsc.addupdate_scatter(hist, [idx], ones16)
                if j >= NB - 1 and j + 1 < IB:
                    qn = (j + 1) % NB
                    pend_s[qn].wait()
                    pend_g[qn] = gat(j + 1, qn)
            for t in range(NB):
                pend_s[(IB - NB + t) % NB].wait()
            return carry

        lax.fori_loop(0, FCH // IB, fouter, 0)

        pltpu.sync_copy(hist, hist_out.at[c, s])
        plsc.subcore_barrier()

        def wback(k, carry):
            r0 = rbase + k * CH
            pltpu.sync_copy(acc_sh.at[pl.ds(r0, CH)], rows.at[0])
            pltpu.sync_copy(rows.at[0], acc_out.at[c, pl.ds(r0, CH)])
            return carry

        lax.fori_loop(0, RPT // CH, wback, 0)

    return seg


def _tc_gates(acc_ref, hist_ref, h_ref, w_ref, b_ref, o_ref):
    D = h_ref.shape[1]
    hs = jnp.concatenate([hist_ref[0], hist_ref[1]], axis=0)
    ones = jnp.full((2 * NS, 1), 0.5, jnp.float32)
    deg = jax.lax.dot_general(hs, ones, (((0,), (0,)), ((), ())),
                              preferred_element_type=jnp.float32)
    r = 1.0 / jnp.maximum(deg, 1.0)
    agg = jnp.concatenate([acc_ref[0] * r, acc_ref[1] * r], axis=1)
    pre = jnp.dot(agg, w_ref[...], preferred_element_type=jnp.float32) + b_ref[...]
    u = jax.nn.sigmoid(pre[:, :D])
    cc = jnp.tanh(pre[:, D:])
    o_ref[...] = u * h_ref[...] + (1.0 - u) * cc


def kernel(x, h, edge_index, W_rx, b_rx, W_rh, b_rh, W_ux, b_ux, W_uh, b_uh,
           W_cx, b_cx, W_ch, b_ch):
    N, D = x.shape
    E = edge_index.shape[1]

    N_PAD = ((N + BLK - 1) // BLK) * BLK
    if N_PAD == N:
        N_PAD += BLK
    EQ = NS * CH * IB
    E_PAD = ((E + EQ - 1) // EQ) * EQ
    FCH = E_PAD // (NS * CH)

    src = edge_index[0]
    dst = edge_index[1]
    pad_e = E_PAD - E
    src_p = jnp.concatenate([src, jnp.zeros((pad_e,), jnp.int32)])
    dst_p = jnp.concatenate([dst, jnp.full((pad_e,), N, jnp.int32)])

    xh = jnp.concatenate([x, h], axis=0)
    src2 = jnp.stack([src_p, src_p + N]).reshape(NC, NS, 4 * FCH, CH // 4)
    dstf = dst_p.reshape(NS, FCH, CH)

    acc, hists = _sc_segment_sums(N_PAD, D, FCH)(xh, src2, dstf)

    Wcat = jnp.concatenate(
        [jnp.concatenate([W_ux, W_cx], axis=1),
         jnp.concatenate([W_uh, W_ch], axis=1)], axis=0)
    bcat = jnp.concatenate([b_ux + b_uh, b_cx + b_ch]).reshape(1, 2 * D)
    h_pad = jnp.pad(h, ((0, N_PAD - N), (0, 0)))

    out = pl.pallas_call(
        _tc_gates,
        grid=(N_PAD // BLK,),
        in_specs=[
            pl.BlockSpec((NC, BLK, D), lambda i: (0, i, 0)),
            pl.BlockSpec((NC, NS, BLK), lambda i: (0, 0, i)),
            pl.BlockSpec((BLK, D), lambda i: (i, 0)),
            pl.BlockSpec((2 * D, 2 * D), lambda i: (0, 0)),
            pl.BlockSpec((1, 2 * D), lambda i: (0, 0)),
        ],
        out_specs=pl.BlockSpec((BLK, D), lambda i: (i, 0)),
        out_shape=jax.ShapeDtypeStruct((N_PAD, D), jnp.float32),
    )(acc, hists, h_pad, Wcat, bcat)
    return out[:N]

# --- scband reference (transcript-rebuilt; emitter-appended) ---
"""Pipeline reference for scband-graph-grucell-54236847014268 (READ-ONLY COPY).

The authoritative reference and input builder live on the scoring server;
editing this copy changes nothing except your own understanding.
"""

import jax, jax.numpy as jnp
import numpy as np

N = 10000
E = 320000
D_IN = 128
D_OUT = 128


def _w(key, d_in, d_out):
    return jax.random.normal(key, (d_in, d_out), dtype=jnp.float32) / np.sqrt(d_in)


def setup_inputs(seed: int = 0) -> dict:
    key = jax.random.key(seed)
    ks = jax.random.split(key, 16)
    x = jax.random.normal(ks[0], (N, D_IN), dtype=jnp.float32)
    h = jax.random.normal(ks[1], (N, D_OUT), dtype=jnp.float32)
    edge_index = jax.random.randint(ks[2], (2, E), 0, N, dtype=jnp.int32)
    inp = {"x": x, "h": h, "edge_index": edge_index}
    names = ["rx", "rh", "ux", "uh", "cx", "ch"]
    for i, nm in enumerate(names):
        d_in = D_IN if nm.endswith("x") else D_OUT
        inp["W_" + nm] = _w(ks[3 + i], d_in, D_OUT)
        inp["b_" + nm] = jnp.zeros((D_OUT,), dtype=jnp.float32)
    return inp


def _graphconv(feat, W, b, src, dst):
    # mean-aggregation GraphConv: gather src features, scatter-add to dst, normalize by in-degree, linear
    msg = feat[src]
    agg = jax.ops.segment_sum(msg, dst, num_segments=N)
    deg = jax.ops.segment_sum(jnp.ones((src.shape[0], 1), dtype=feat.dtype), dst, num_segments=N)
    agg = agg / jnp.clip(deg, 1.0)
    return agg @ W + b


def reference(x, h, edge_index, W_rx, b_rx, W_rh, b_rh, W_ux, b_ux, W_uh, b_uh, W_cx, b_cx, W_ch, b_ch):
    src = edge_index[0]
    dst = edge_index[1]
    r = jax.nn.sigmoid(_graphconv(x, W_rx, b_rx, src, dst) + _graphconv(h, W_rh, b_rh, src, dst))
    u = jax.nn.sigmoid(_graphconv(x, W_ux, b_ux, src, dst) + _graphconv(h, W_uh, b_uh, src, dst))
    h_ = r * h  # computed (faithful to original), note original passes h (not h_) to c_h_net
    c = jnp.tanh(_graphconv(x, W_cx, b_cx, src, dst) + _graphconv(h, W_ch, b_ch, src, dst))
    new_h = u * h + (1.0 - u) * c
    return new_h

if __name__ == "__main__":
    import jax
    _d = setup_inputs()
    print(jax.jit(kernel)(*tuple(_d.values())))

</pallas_src>

<mosaic_0001>
#map = affine_map<(d0, d1) -> (0, 0)>
#map1 = affine_map<(d0, d1) -> (0, 0, 0, 0)>
#map2 = affine_map<(d0, d1) -> (0, 0, 0)>
module attributes {stable_mosaic.version = 14 : i64} {
  func.func @seg(%arg0: i32, %arg1: i32, %arg2: memref<20000x128xf32, #tpu.memory_space<hbm>>, %arg3: memref<2x16x640x32xi32, #tpu.memory_space<hbm>>, %arg4: memref<16x160x128xi32, #tpu.memory_space<hbm>>, %arg5: memref<2x10240x128xf32, #tpu.memory_space<hbm>>, %arg6: memref<2x16x10240xf32, #tpu.memory_space<hbm>>, %arg7: memref<10240x128xf32, #tpu.memory_space<vmem_shared>>, %arg8: memref<32x32xi32, #tpu.memory_space<vmem>>, %arg9: memref<8x128xi32, #tpu.memory_space<vmem>>, %arg10: memref<2x128x128xf32, #tpu.memory_space<vmem>>, %arg11: memref<10240xf32, #tpu.memory_space<vmem>>, %arg12: memref<!tpu.dma_semaphore, #tpu.memory_space<semaphore_mem>>, %arg13: memref<!tpu.dma_semaphore, #tpu.memory_space<semaphore_mem>>, %arg14: memref<!tpu.dma_semaphore, #tpu.memory_space<semaphore_mem>>, %arg15: memref<!tpu.dma_semaphore, #tpu.memory_space<semaphore_mem>>) attributes {dimension_semantics = [#tpu.dimension_semantics<core_parallel>, #tpu.dimension_semantics<subcore_parallel>], iteration_bounds = array<i64: 2, 16>, scalar_prefetch = 0 : i64, scratch_operands = 9 : i64, tpu.core_type = #tpu.core_type<sc_vector_subcore>, window_params = [{transform_indices = #map}, {transform_indices = #map1}, {transform_indices = #map2}, {transform_indices = #map2}, {transform_indices = #map2}]} {
    %mul3A = arith.constant 640 : i32
    %mul3A_0 = arith.muli %arg1, %mul3A : i32
    %broadcast_in_dim3A = arith.constant 0.000000e+00 : f32
    %broadcast_in_dim3A_1 = vector.broadcast %broadcast_in_dim3A : f32 to vector<16xf32>
    %scan3A = arith.constant 0 : i32
    %scan3A_2 = arith.constant 0 : i32
    %scan3A_3 = arith.constant 128 : i32
    %scan3A_4 = arith.addi %scan3A_2, %scan3A_3 : i32
    %scan3A_5 = arith.constant 1 : i32
    scf.for %scan3A_34 = %scan3A_2 to %scan3A_4 step %scan3A_5  : i32 {
      %scan3A_35 = arith.constant 0 : i32
      %scan3A_36 = arith.constant 8 : i32
      %scan3A_37 = arith.addi %scan3A_35, %scan3A_36 : i32
      %scan3A_38 = arith.constant 1 : i32
      scf.for %scan3A_40 = %scan3A_35 to %scan3A_37 step %scan3A_38  : i32 {
        %mul3A_41 = arith.constant 16 : i32
        %mul3A_42 = arith.muli %scan3A_40, %mul3A_41 : i32
        %swap3A = arith.constant 0 : i32
        %swap3A_43 = arith.index_cast %swap3A : i32 to index
        %swap3A_44 = arith.index_cast %scan3A_34 : i32 to index
        %swap3A_45 = arith.index_cast %mul3A_42 : i32 to index
        %swap3A_46 = tpu.vector_load %arg10[%swap3A_43, %swap3A_44, %swap3A_45] {strides = array<i32>} : memref<2x128x128xf32, #tpu.memory_space<vmem>>, vector<16xf32>,
        tpu.vector_store %arg10[%swap3A_43, %swap3A_44, %swap3A_45], %broadcast_in_dim3A_1 {strides = array<i32>} : memref<2x128x128xf32, #tpu.memory_space<vmem>>, vector<16xf32>,
      }
      %scan3A_39 = arith.constant 8 : i32
    }
    %scan3A_6 = arith.constant 128 : i32
    %scan3A_7 = arith.constant 0 : i32
    %scan3A_8 = arith.constant 0 : i32
    %scan3A_9 = arith.constant 640 : i32
    %scan3A_10 = arith.addi %scan3A_8, %scan3A_9 : i32
    %scan3A_11 = arith.constant 1 : i32
    scf.for %scan3A_34 = %scan3A_8 to %scan3A_10 step %scan3A_11  : i32 {
      %mul3A_35 = arith.constant 16 : i32
      %mul3A_36 = arith.muli %scan3A_34, %mul3A_35 : i32
      %swap3A = arith.index_cast %mul3A_36 : i32 to index
      %swap3A_37 = tpu.vector_load %arg11[%swap3A] {strides = array<i32>} : memref<10240xf32, #tpu.memory_space<vmem>>, vector<16xf32>,
      tpu.vector_store %arg11[%swap3A], %broadcast_in_dim3A_1 {strides = array<i32>} : memref<10240xf32, #tpu.memory_space<vmem>>, vector<16xf32>,
    }
    %scan3A_12 = arith.constant 640 : i32
    %scan3A_13 = arith.constant 0 : i32
    %scan3A_14 = arith.constant 0 : i32
    %scan3A_15 = arith.constant 5 : i32
    %scan3A_16 = arith.addi %scan3A_14, %scan3A_15 : i32
    %scan3A_17 = arith.constant 1 : i32
    scf.for %scan3A_34 = %scan3A_14 to %scan3A_16 step %scan3A_17  : i32 {
      %mul3A_35 = arith.constant 128 : i32
      %mul3A_36 = arith.muli %scan3A_34, %mul3A_35 : i32
      %add3A = arith.addi %mul3A_0, %mul3A_36 : i32
      %run_scoped3A = arith.constant 0 : i32
      "tpu.region"() ({
        %run_scoped3A_37 = tpu.sem_alloc : memref<!tpu.dma_semaphore, #tpu.memory_space<semaphore_mem>>
        %dma_start3A = arith.constant 0 : i32
        %dma_start3A_38 = arith.constant 0 : i32
        %dma_start3A_39 = tpu.memref_slice %arg10[%run_scoped3A, %dma_start3A, %dma_start3A_38] : memref<2x128x128xf32, #tpu.memory_space<vmem>> -> memref<1x128x128xf32, #tpu.memory_space<vmem>>
        %dma_start3A_40 = tpu.memref_squeeze %dma_start3A_39 : memref<1x128x128xf32, #tpu.memory_space<vmem>> -> memref<128x128xf32, #tpu.memory_space<vmem>>
        %dma_start3A_41 = arith.constant 0 : i32
        %dma_start3A_42 = tpu.memref_slice %arg7[%add3A, %dma_start3A_41] : memref<10240x128xf32, #tpu.memory_space<vmem_shared>> -> memref<128x128xf32, #tpu.memory_space<vmem_shared>>
        %dma_start3A_43 = arith.constant 0 : i32
        %dma_start3A_44 = tpu.memref_slice %arg7[%add3A, %dma_start3A_43] : memref<10240x128xf32, #tpu.memory_space<vmem_shared>> -> memref<128x128xf32, #tpu.memory_space<vmem_shared>>
        %dma_start3A_45 = arith.constant 0 : i32
        %dma_start3A_46 = arith.constant 0 : i32
        %dma_start3A_47 = tpu.memref_slice %arg10[%run_scoped3A, %dma_start3A_45, %dma_start3A_46] : memref<2x128x128xf32, #tpu.memory_space<vmem>> -> memref<1x128x128xf32, #tpu.memory_space<vmem>>
        %dma_start3A_48 = tpu.memref_squeeze %dma_start3A_47 : memref<1x128x128xf32, #tpu.memory_space<vmem>> -> memref<128x128xf32, #tpu.memory_space<vmem>>
        tpu.enqueue_dma source(%dma_start3A_48 : memref<128x128xf32, #tpu.memory_space<vmem>>) target(%dma_start3A_44 : memref<128x128xf32, #tpu.memory_space<vmem_shared>>) target_semaphore(%run_scoped3A_37 : memref<!tpu.dma_semaphore, #tpu.memory_space<semaphore_mem>>)
        %dma_wait3A = arith.constant 0 : i32
        %dma_wait3A_49 = arith.constant 0 : i32
        %dma_wait3A_50 = tpu.memref_slice %arg10[%run_scoped3A, %dma_wait3A, %dma_wait3A_49] : memref<2x128x128xf32, #tpu.memory_space<vmem>> -> memref<1x128x128xf32, #tpu.memory_space<vmem>>
        %dma_wait3A_51 = tpu.memref_squeeze %dma_wait3A_50 : memref<1x128x128xf32, #tpu.memory_space<vmem>> -> memref<128x128xf32, #tpu.memory_space<vmem>>
        %dma_wait3A_52 = arith.constant 0 : i32
        %dma_wait3A_53 = tpu.memref_slice %arg7[%add3A, %dma_wait3A_52] : memref<10240x128xf32, #tpu.memory_space<vmem_shared>> -> memref<128x128xf32, #tpu.memory_space<vmem_shared>>
        %dma_wait3A_54 = arith.constant 0 : i32
        %dma_wait3A_55 = tpu.memref_slice %arg7[%add3A, %dma_wait3A_54] : memref<10240x128xf32, #tpu.memory_space<vmem_shared>> -> memref<128x128xf32, #tpu.memory_space<vmem_shared>>
        %dma_wait3A_56 = arith.constant 0 : i32
        %dma_wait3A_57 = arith.constant 0 : i32
        %dma_wait3A_58 = tpu.memref_slice %arg10[%run_scoped3A, %dma_wait3A_56, %dma_wait3A_57] : memref<2x128x128xf32, #tpu.memory_space<vmem>> -> memref<1x128x128xf32, #tpu.memory_space<vmem>>
        %dma_wait3A_59 = tpu.memref_squeeze %dma_wait3A_58 : memref<1x128x128xf32, #tpu.memory_space<vmem>> -> memref<128x128xf32, #tpu.memory_space<vmem>>
        tpu.wait_dma2 semaphore(%run_scoped3A_37 : memref<!tpu.dma_semaphore, #tpu.memory_space<semaphore_mem>>) src(%dma_wait3A_59 : memref<128x128xf32, #tpu.memory_space<vmem>>) dst(%dma_wait3A_55 : memref<128x128xf32, #tpu.memory_space<vmem_shared>>)
        tpu.yield
      }) : () -> ()
    }
    %scan3A_18 = arith.constant 5 : i32
    %barrier3A = arith.constant 0 : index
    tpu.barrier barrier_id(%barrier3A)
    %broadcast_in_dim3A_19 = arith.constant 1.000000e+00 : f32
    %broadcast_in_dim3A_20 = vector.broadcast %broadcast_in_dim3A_19 : f32 to vector<16xf32>
    %scan3A_21 = arith.constant 0 : i32
    %scan3A_22 = arith.constant 0 : i32
    %scan3A_23 = arith.constant 20 : i32
    %scan3A_24 = arith.addi %scan3A_22, %scan3A_23 : i32
    %scan3A_25 = arith.constant 1 : i32
    scf.for %scan3A_34 = %scan3A_22 to %scan3A_24 step %scan3A_25  : i32 {
      %mul3A_35 = arith.constant 4 : i32
      %mul3A_36 = arith.muli %scan3A_34, %mul3A_35 : i32
      %mul3A_37 = arith.constant 8 : i32
      %mul3A_38 = arith.muli %mul3A_36, %mul3A_37 : i32
      "tpu.region"() ({
        %run_scoped3A = tpu.sem_alloc : memref<!tpu.dma_semaphore, #tpu.memory_space<semaphore_mem>>
        %dma_start3A_1254 = arith.constant 0 : i32
        %dma_start3A_1255 = tpu.memref_slice %arg3[%arg0, %arg1, %mul3A_38, %dma_start3A_1254] : memref<2x16x640x32xi32, #tpu.memory_space<hbm>> -> memref<1x1x32x32xi32, #tpu.memory_space<hbm>>
        %dma_start3A_1256 = tpu.memref_squeeze %dma_start3A_1255 : memref<1x1x32x32xi32, #tpu.memory_space<hbm>> -> memref<32x32xi32, #tpu.memory_space<hbm>>
        %dma_start3A_1257 = arith.constant 0 : i32
        %dma_start3A_1258 = tpu.memref_slice %arg3[%arg0, %arg1, %mul3A_38, %dma_start3A_1257] : memref<2x16x640x32xi32, #tpu.memory_space<hbm>> -> memref<1x1x32x32xi32, #tpu.memory_space<hbm>>
        %dma_start3A_1259 = tpu.memref_squeeze %dma_start3A_1258 : memref<1x1x32x32xi32, #tpu.memory_space<hbm>> -> memref<32x32xi32, #tpu.memory_space<hbm>>
        tpu.enqueue_dma source(%dma_start3A_1259 : memref<32x32xi32, #tpu.memory_space<hbm>>) target(%arg8 : memref<32x32xi32, #tpu.memory_space<vmem>>) target_semaphore(%run_scoped3A : memref<!tpu.dma_semaphore, #tpu.memory_space<semaphore_mem>>)
        %dma_wait3A_1260 = arith.constant 0 : i32
        %dma_wait3A_1261 = tpu.memref_slice %arg3[%arg0, %arg1, %mul3A_38, %dma_wait3A_1260] : memref<2x16x640x32xi32, #tpu.memory_space<hbm>> -> memref<1x1x32x32xi32, #tpu.memory_space<hbm>>
        %dma_wait3A_1262 = tpu.memref_squeeze %dma_wait3A_1261 : memref<1x1x32x32xi32, #tpu.memory_space<hbm>> -> memref<32x32xi32, #tpu.memory_space<hbm>>
        %dma_wait3A_1263 = arith.constant 0 : i32
        %dma_wait3A_1264 = tpu.memref_slice %arg3[%arg0, %arg1, %mul3A_38, %dma_wait3A_1263] : memref<2x16x640x32xi32, #tpu.memory_space<hbm>> -> memref<1x1x32x32xi32, #tpu.memory_space<hbm>>
        %dma_wait3A_1265 = tpu.memref_squeeze %dma_wait3A_1264 : memref<1x1x32x32xi32, #tpu.memory_space<hbm>> -> memref<32x32xi32, #tpu.memory_space<hbm>>
        tpu.wait_dma2 semaphore(%run_scoped3A : memref<!tpu.dma_semaphore, #tpu.memory_space<semaphore_mem>>) src(%dma_wait3A_1265 : memref<32x32xi32, #tpu.memory_space<hbm>>) dst(%arg8 : memref<32x32xi32, #tpu.memory_space<vmem>>)
        tpu.yield
      }) : () -> ()
      %mul3A_39 = arith.constant 8 : i32
      %mul3A_40 = arith.muli %scan3A_34, %mul3A_39 : i32
      "tpu.region"() ({
        %run_scoped3A = tpu.sem_alloc : memref<!tpu.dma_semaphore, #tpu.memory_space<semaphore_mem>>
        %dma_start3A_1254 = arith.constant 0 : i32
        %dma_start3A_1255 = tpu.memref_slice %arg4[%arg1, %mul3A_40, %dma_start3A_1254] : memref<16x160x128xi32, #tpu.memory_space<hbm>> -> memref<1x8x128xi32, #tpu.memory_space<hbm>>
        %dma_start3A_1256 = tpu.memref_squeeze %dma_start3A_1255 : memref<1x8x128xi32, #tpu.memory_space<hbm>> -> memref<8x128xi32, #tpu.memory_space<hbm>>
        %dma_start3A_1257 = arith.constant 0 : i32
        %dma_start3A_1258 = tpu.memref_slice %arg4[%arg1, %mul3A_40, %dma_start3A_1257] : memref<16x160x128xi32, #tpu.memory_space<hbm>> -> memref<1x8x128xi32, #tpu.memory_space<hbm>>
        %dma_start3A_1259 = tpu.memref_squeeze %dma_start3A_1258 : memref<1x8x128xi32, #tpu.memory_space<hbm>> -> memref<8x128xi32, #tpu.memory_space<hbm>>
        tpu.enqueue_dma source(%dma_start3A_1259 : memref<8x128xi32, #tpu.memory_space<hbm>>) target(%arg9 : memref<8x128xi32, #tpu.memory_space<vmem>>) target_semaphore(%run_scoped3A : memref<!tpu.dma_semaphore, #tpu.memory_space<semaphore_mem>>)
        %dma_wait3A_1260 = arith.constant 0 : i32
        %dma_wait3A_1261 = tpu.memref_slice %arg4[%arg1, %mul3A_40, %dma_wait3A_1260] : memref<16x160x128xi32, #tpu.memory_space<hbm>> -> memref<1x8x128xi32, #tpu.memory_space<hbm>>
        %dma_wait3A_1262 = tpu.memref_squeeze %dma_wait3A_1261 : memref<1x8x128xi32, #tpu.memory_space<hbm>> -> memref<8x128xi32, #tpu.memory_space<hbm>>
        %dma_wait3A_1263 = arith.constant 0 : i32
        %dma_wait3A_1264 = tpu.memref_slice %arg4[%arg1, %mul3A_40, %dma_wait3A_1263] : memref<16x160x128xi32, #tpu.memory_space<hbm>> -> memref<1x8x128xi32, #tpu.memory_space<hbm>>
        %dma_wait3A_1265 = tpu.memref_squeeze %dma_wait3A_1264 : memref<1x8x128xi32, #tpu.memory_space<hbm>> -> memref<8x128xi32, #tpu.memory_space<hbm>>
        tpu.wait_dma2 semaphore(%run_scoped3A : memref<!tpu.dma_semaphore, #tpu.memory_space<semaphore_mem>>) src(%dma_wait3A_1265 : memref<8x128xi32, #tpu.memory_space<hbm>>) dst(%arg9 : memref<8x128xi32, #tpu.memory_space<vmem>>)
        tpu.yield
      }) : () -> ()
      %dma_start3A = arith.constant 0 : i32
      %dma_start3A_41 = arith.constant 0 : i32
      %dma_start3A_42 = arith.constant 0 : i32
      %dma_start3A_43 = arith.constant 0 : i32
      %dma_start3A_44 = tpu.memref_slice %arg10[%dma_start3A_41, %dma_start3A_42, %dma_start3A_43] : memref<2x128x128xf32, #tpu.memory_space<vmem>> -> memref<1x32x128xf32, #tpu.memory_space<vmem>>
      %dma_start3A_45 = tpu.memref_squeeze %dma_start3A_44 : memref<1x32x128xf32, #tpu.memory_space<vmem>> -> memref<32x128xf32, #tpu.memory_space<vmem>>
      %dma_start3A_46 = arith.constant 0 : i32
      %dma_start3A_47 = tpu.memref_slice %arg8[%dma_start3A, %dma_start3A_46] : memref<32x32xi32, #tpu.memory_space<vmem>> -> memref<1x32xi32, #tpu.memory_space<vmem>>
      %dma_start3A_48 = tpu.memref_squeeze %dma_start3A_47 : memref<1x32xi32, #tpu.memory_space<vmem>> -> memref<32xi32, #tpu.memory_space<vmem>>
      %dma_start3A_49 = arith.constant 0 : i32
      %dma_start3A_50 = arith.constant 0 : i32
      %dma_start3A_51 = tpu.memref_slice %arg2[%dma_start3A_49, %dma_start3A_50] : memref<20000x128xf32, #tpu.memory_space<hbm>> -> memref<20000x128xf32, #tpu.memory_space<hbm>>
      tpu.enqueue_indirect_dma source(%dma_start3A_51 : memref<20000x128xf32, #tpu.memory_space<hbm>>) target(%dma_start3A_45 : memref<32x128xf32, #tpu.memory_space<vmem>>) offsets(%dma_start3A_48 : memref<32xi32, #tpu.memory_space<vmem>>) semaphore(%arg12 : memref<!tpu.dma_semaphore, #tpu.memory_space<semaphore_mem>>)
      %dma_start3A_52 = arith.constant 1 : i32
      %dma_start3A_53 = arith.constant 0 : i32
      %dma_start3A_54 = arith.constant 32 : i32
      %dma_start3A_55 = arith.constant 0 : i32
      %dma_start3A_56 = tpu.memref_slice %arg10[%dma_start3A_53, %dma_start3A_54, %dma_start3A_55] : memref<2x128x128xf32, #tpu.memory_space<vmem>> -> memref<1x32x128xf32, #tpu.memory_space<vmem>>
      %dma_start3A_57 = tpu.memref_squeeze %dma_start3A_56 : memref<1x32x128xf32, #tpu.memory_space<vmem>> -> memref<32x128xf32, #tpu.memory_space<vmem>>
      %dma_start3A_58 = arith.constant 0 : i32
      %dma_start3A_59 = tpu.memref_slice %arg8[%dma_start3A_52, %dma_start3A_58] : memref<32x32xi32, #tpu.memory_space<vmem>> -> memref<1x32xi32, #tpu.memory_space<vmem>>
      %dma_start3A_60 = tpu.memref_squeeze %dma_start3A_59 : memref<1x32xi32, #tpu.memory_space<vmem>> -> memref<32xi32, #tpu.memory_space<vmem>>
      %dma_start3A_61 = arith.constant 0 : i32
      %dma_start3A_62 = arith.constant 0 : i32
      %dma_start3A_63 = tpu.memref_slice %arg2[%dma_start3A_61, %dma_start3A_62] : memref<20000x128xf32, #tpu.memory_space<hbm>> -> memref<20000x128xf32, #tpu.memory_space<hbm>>
      tpu.enqueue_indirect_dma source(%dma_start3A_63 : memref<20000x128xf32, #tpu.memory_space<hbm>>) target(%dma_start3A_57 : memref<32x128xf32, #tpu.memory_space<vmem>>) offsets(%dma_start3A_60 : memref<32xi32, #tpu.memory_space<vmem>>) semaphore(%arg12 : memref<!tpu.dma_semaphore, #tpu.memory_space<semaphore_mem>>)
      %dma_start3A_64 = arith.constant 2 : i32
      %dma_start3A_65 = arith.constant 0 : i32
      %dma_start3A_66 = arith.constant 64 : i32
      %dma_start3A_67 = arith.constant 0 : i32
      %dma_start3A_68 = tpu.memref_slice %arg10[%dma_start3A_65, %dma_start3A_66, %dma_start3A_67] : memref<2x128x128xf32, #tpu.memory_space<vmem>> -> memref<1x32x128xf32, #tpu.memory_space<vmem>>
      %dma_start3A_69 = tpu.memref_squeeze %dma_start3A_68 : memref<1x32x128xf32, #tpu.memory_space<vmem>> -> memref<32x128xf32, #tpu.memory_space<vmem>>
      %dma_start3A_70 = arith.constant 0 : i32
      %dma_start3A_71 = tpu.memref_slice %arg8[%dma_start3A_64, %dma_start3A_70] : memref<32x32xi32, #tpu.memory_space<vmem>> -> memref<1x32xi32, #tpu.memory_space<vmem>>
      %dma_start3A_72 = tpu.memref_squeeze %dma_start3A_71 : memref<1x32xi32, #tpu.memory_space<vmem>> -> memref<32xi32, #tpu.memory_space<vmem>>
      %dma_start3A_73 = arith.constant 0 : i32
      %dma_start3A_74 = arith.constant 0 : i32
      %dma_start3A_75 = tpu.memref_slice %arg2[%dma_start3A_73, %dma_start3A_74] : memref<20000x128xf32, #tpu.memory_space<hbm>> -> memref<20000x128xf32, #tpu.memory_space<hbm>>
      tpu.enqueue_indirect_dma source(%dma_start3A_75 : memref<20000x128xf32, #tpu.memory_space<hbm>>) target(%dma_start3A_69 : memref<32x128xf32, #tpu.memory_space<vmem>>) offsets(%dma_start3A_72 : memref<32xi32, #tpu.memory_space<vmem>>) semaphore(%arg12 : memref<!tpu.dma_semaphore, #tpu.memory_space<semaphore_mem>>)
      %dma_start3A_76 = arith.constant 3 : i32
      %dma_start3A_77 = arith.constant 0 : i32
      %dma_start3A_78 = arith.constant 96 : i32
      %dma_start3A_79 = arith.constant 0 : i32
      %dma_start3A_80 = tpu.memref_slice %arg10[%dma_start3A_77, %dma_start3A_78, %dma_start3A_79] : memref<2x128x128xf32, #tpu.memory_space<vmem>> -> memref<1x32x128xf32, #tpu.memory_space<vmem>>
      %dma_start3A_81 = tpu.memref_squeeze %dma_start3A_80 : memref<1x32x128xf32, #tpu.memory_space<vmem>> -> memref<32x128xf32, #tpu.memory_space<vmem>>
      %dma_start3A_82 = arith.constant 0 : i32
      %dma_start3A_83 = tpu.memref_slice %arg8[%dma_start3A_76, %dma_start3A_82] : memref<32x32xi32, #tpu.memory_space<vmem>> -> memref<1x32xi32, #tpu.memory_space<vmem>>
      %dma_start3A_84 = tpu.memref_squeeze %dma_start3A_83 : memref<1x32xi32, #tpu.memory_space<vmem>> -> memref<32xi32, #tpu.memory_space<vmem>>
      %dma_start3A_85 = arith.constant 0 : i32
      %dma_start3A_86 = arith.constant 0 : i32
      %dma_start3A_87 = tpu.memref_slice %arg2[%dma_start3A_85, %dma_start3A_86] : memref<20000x128xf32, #tpu.memory_space<hbm>> -> memref<20000x128xf32, #tpu.memory_space<hbm>>
      tpu.enqueue_indirect_dma source(%dma_start3A_87 : memref<20000x128xf32, #tpu.memory_space<hbm>>) target(%dma_start3A_81 : memref<32x128xf32, #tpu.memory_space<vmem>>) offsets(%dma_start3A_84 : memref<32xi32, #tpu.memory_space<vmem>>) semaphore(%arg12 : memref<!tpu.dma_semaphore, #tpu.memory_space<semaphore_mem>>)
      %dma_start3A_88 = arith.constant 4 : i32
      %dma_start3A_89 = arith.constant 1 : i32
      %dma_start3A_90 = arith.constant 0 : i32
      %dma_start3A_91 = arith.constant 0 : i32
      %dma_start3A_92 = tpu.memref_slice %arg10[%dma_start3A_89, %dma_start3A_90, %dma_start3A_91] : memref<2x128x128xf32, #tpu.memory_space<vmem>> -> memref<1x32x128xf32, #tpu.memory_space<vmem>>
      %dma_start3A_93 = tpu.memref_squeeze %dma_start3A_92 : memref<1x32x128xf32, #tpu.memory_space<vmem>> -> memref<32x128xf32, #tpu.memory_space<vmem>>
      %dma_start3A_94 = arith.constant 0 : i32
      %dma_start3A_95 = tpu.memref_slice %arg8[%dma_start3A_88, %dma_start3A_94] : memref<32x32xi32, #tpu.memory_space<vmem>> -> memref<1x32xi32, #tpu.memory_space<vmem>>
      %dma_start3A_96 = tpu.memref_squeeze %dma_start3A_95 : memref<1x32xi32, #tpu.memory_space<vmem>> -> memref<32xi32, #tpu.memory_space<vmem>>
      %dma_start3A_97 = arith.constant 0 : i32
      %dma_start3A_98 = arith.constant 0 : i32
      %dma_start3A_99 = tpu.memref_slice %arg2[%dma_start3A_97, %dma_start3A_98] : memref<20000x128xf32, #tpu.memory_space<hbm>> -> memref<20000x128xf32, #tpu.memory_space<hbm>>
      tpu.enqueue_indirect_dma source(%dma_start3A_99 : memref<20000x128xf32, #tpu.memory_space<hbm>>) target(%dma_start3A_93 : memref<32x128xf32, #tpu.memory_space<vmem>>) offsets(%dma_start3A_96 : memref<32xi32, #tpu.memory_space<vmem>>) semaphore(%arg13 : memref<!tpu.dma_semaphore, #tpu.memory_space<semaphore_mem>>)
      %dma_start3A_100 = arith.constant 5 : i32
      %dma_start3A_101 = arith.constant 1 : i32
      %dma_start3A_102 = arith.constant 32 : i32
      %dma_start3A_103 = arith.constant 0 : i32
      %dma_start3A_104 = tpu.memref_slice %arg10[%dma_start3A_101, %dma_start3A_102, %dma_start3A_103] : memref<2x128x128xf32, #tpu.memory_space<vmem>> -> memref<1x32x128xf32, #tpu.memory_space<vmem>>
      %dma_start3A_105 = tpu.memref_squeeze %dma_start3A_104 : memref<1x32x128xf32, #tpu.memory_space<vmem>> -> memref<32x128xf32, #tpu.memory_space<vmem>>
      %dma_start3A_106 = arith.constant 0 : i32
      %dma_start3A_107 = tpu.memref_slice %arg8[%dma_start3A_100, %dma_start3A_106] : memref<32x32xi32, #tpu.memory_space<vmem>> -> memref<1x32xi32, #tpu.memory_space<vmem>>
      %dma_start3A_108 = tpu.memref_squeeze %dma_start3A_107 : memref<1x32xi32, #tpu.memory_space<vmem>> -> memref<32xi32, #tpu.memory_space<vmem>>
      %dma_start3A_109 = arith.constant 0 : i32
      %dma_start3A_110 = arith.constant 0 : i32
      %dma_start3A_111 = tpu.memref_slice %arg2[%dma_start3A_109, %dma_start3A_110] : memref<20000x128xf32, #tpu.memory_space<hbm>> -> memref<20000x128xf32, #tpu.memory_space<hbm>>
      tpu.enqueue_indirect_dma source(%dma_start3A_111 : memref<20000x128xf32, #tpu.memory_space<hbm>>) target(%dma_start3A_105 : memref<32x128xf32, #tpu.memory_space<vmem>>) offsets(%dma_start3A_108 : memref<32xi32, #tpu.memory_space<vmem>>) semaphore(%arg13 : memref<!tpu.dma_semaphore, #tpu.memory_space<semaphore_mem>>)
      %dma_start3A_112 = arith.constant 6 : i32
      %dma_start3A_113 = arith.constant 1 : i32
      %dma_start3A_114 = arith.constant 64 : i32
      %dma_start3A_115 = arith.constant 0 : i32
      %dma_start3A_116 = tpu.memref_slice %arg10[%dma_start3A_113, %dma_start3A_114, %dma_start3A_115] : memref<2x128x128xf32, #tpu.memory_space<vmem>> -> memref<1x32x128xf32, #tpu.memory_space<vmem>>
      %dma_start3A_117 = tpu.memref_squeeze %dma_start3A_116 : memref<1x32x128xf32, #tpu.memory_space<vmem>> -> memref<32x128xf32, #tpu.memory_space<vmem>>
      %dma_start3A_118 = arith.constant 0 : i32
      %dma_start3A_119 = tpu.memref_slice %arg8[%dma_start3A_112, %dma_start3A_118] : memref<32x32xi32, #tpu.memory_space<vmem>> -> memref<1x32xi32, #tpu.memory_space<vmem>>
      %dma_start3A_120 = tpu.memref_squeeze %dma_start3A_119 : memref<1x32xi32, #tpu.memory_space<vmem>> -> memref<32xi32, #tpu.memory_space<vmem>>
      %dma_start3A_121 = arith.constant 0 : i32
      %dma_start3A_122 = arith.constant 0 : i32
      %dma_start3A_123 = tpu.memref_slice %arg2[%dma_start3A_121, %dma_start3A_122] : memref<20000x128xf32, #tpu.memory_space<hbm>> -> memref<20000x128xf32, #tpu.memory_space<hbm>>
      tpu.enqueue_indirect_dma source(%dma_start3A_123 : memref<20000x128xf32, #tpu.memory_space<hbm>>) target(%dma_start3A_117 : memref<32x128xf32, #tpu.memory_space<vmem>>) offsets(%dma_start3A_120 : memref<32xi32, #tpu.memory_space<vmem>>) semaphore(%arg13 : memref<!tpu.dma_semaphore, #tpu.memory_space<semaphore_mem>>)
      %dma_start3A_124 = arith.constant 7 : i32
      %dma_start3A_125 = arith.constant 1 : i32
      %dma_start3A_126 = arith.constant 96 : i32
      %dma_start3A_127 = arith.constant 0 : i32
      %dma_start3A_128 = tpu.memref_slice %arg10[%dma_start3A_125, %dma_start3A_126, %dma_start3A_127] : memref<2x128x128xf32, #tpu.memory_space<vmem>> -> memref<1x32x128xf32, #tpu.memory_space<vmem>>
      %dma_start3A_129 = tpu.memref_squeeze %dma_start3A_128 : memref<1x32x128xf32, #tpu.memory_space<vmem>> -> memref<32x128xf32, #tpu.memory_space<vmem>>
      %dma_start3A_130 = arith.constant 0 : i32
      %dma_start3A_131 = tpu.memref_slice %arg8[%dma_start3A_124, %dma_start3A_130] : memref<32x32xi32, #tpu.memory_space<vmem>> -> memref<1x32xi32, #tpu.memory_space<vmem>>
      %dma_start3A_132 = tpu.memref_squeeze %dma_start3A_131 : memref<1x32xi32, #tpu.memory_space<vmem>> -> memref<32xi32, #tpu.memory_space<vmem>>
      %dma_start3A_133 = arith.constant 0 : i32
      %dma_start3A_134 = arith.constant 0 : i32
      %dma_start3A_135 = tpu.memref_slice %arg2[%dma_start3A_133, %dma_start3A_134] : memref<20000x128xf32, #tpu.memory_space<hbm>> -> memref<20000x128xf32, #tpu.memory_space<hbm>>
      tpu.enqueue_indirect_dma source(%dma_start3A_135 : memref<20000x128xf32, #tpu.memory_space<hbm>>) target(%dma_start3A_129 : memref<32x128xf32, #tpu.memory_space<vmem>>) offsets(%dma_start3A_132 : memref<32xi32, #tpu.memory_space<vmem>>) semaphore(%arg13 : memref<!tpu.dma_semaphore, #tpu.memory_space<semaphore_mem>>)
      %dma_wait3A = arith.constant 0 : i32
      %dma_wait3A_136 = arith.constant 0 : i32
      %dma_wait3A_137 = arith.constant 0 : i32
      %dma_wait3A_138 = arith.constant 0 : i32
      %dma_wait3A_139 = tpu.memref_slice %arg10[%dma_wait3A_136, %dma_wait3A_137, %dma_wait3A_138] : memref<2x128x128xf32, #tpu.memory_space<vmem>> -> memref<1x32x128xf32, #tpu.memory_space<vmem>>
      %dma_wait3A_140 = tpu.memref_squeeze %dma_wait3A_139 : memref<1x32x128xf32, #tpu.memory_space<vmem>> -> memref<32x128xf32, #tpu.memory_space<vmem>>
      %dma_wait3A_141 = arith.constant 0 : i32
      %dma_wait3A_142 = tpu.memref_slice %arg8[%dma_wait3A, %dma_wait3A_141] : memref<32x32xi32, #tpu.memory_space<vmem>> -> memref<1x32xi32, #tpu.memory_space<vmem>>
      %dma_wait3A_143 = tpu.memref_squeeze %dma_wait3A_142 : memref<1x32xi32, #tpu.memory_space<vmem>> -> memref<32xi32, #tpu.memory_space<vmem>>
      %dma_wait3A_144 = arith.constant 0 : i32
      %dma_wait3A_145 = arith.constant 0 : i32
      %dma_wait3A_146 = tpu.memref_slice %arg2[%dma_wait3A_144, %dma_wait3A_145] : memref<20000x128xf32, #tpu.memory_space<hbm>> -> memref<20000x128xf32, #tpu.memory_space<hbm>>
      tpu.wait_indirect_dma semaphore(%arg12 : memref<!tpu.dma_semaphore, #tpu.memory_space<semaphore_mem>>) src(%dma_wait3A_146 : memref<20000x128xf32, #tpu.memory_space<hbm>>) dst(%dma_wait3A_140 : memref<32x128xf32, #tpu.memory_space<vmem>>)
      %dma_wait3A_147 = arith.constant 1 : i32
      %dma_wait3A_148 = arith.constant 0 : i32
      %dma_wait3A_149 = arith.constant 32 : i32
      %dma_wait3A_150 = arith.constant 0 : i32
      %dma_wait3A_151 = tpu.memref_slice %arg10[%dma_wait3A_148, %dma_wait3A_149, %dma_wait3A_150] : memref<2x128x128xf32, #tpu.memory_space<vmem>> -> memref<1x32x128xf32, #tpu.memory_space<vmem>>
      %dma_wait3A_152 = tpu.memref_squeeze %dma_wait3A_151 : memref<1x32x128xf32, #tpu.memory_space<vmem>> -> memref<32x128xf32, #tpu.memory_space<vmem>>
      %dma_wait3A_153 = arith.constant 0 : i32
      %dma_wait3A_154 = tpu.memref_slice %arg8[%dma_wait3A_147, %dma_wait3A_153] : memref<32x32xi32, #tpu.memory_space<vmem>> -> memref<1x32xi32, #tpu.memory_space<vmem>>
      %dma_wait3A_155 = tpu.memref_squeeze %dma_wait3A_154 : memref<1x32xi32, #tpu.memory_space<vmem>> -> memref<32xi32, #tpu.memory_space<vmem>>
      %dma_wait3A_156 = arith.constant 0 : i32
      %dma_wait3A_157 = arith.constant 0 : i32
      %dma_wait3A_158 = tpu.memref_slice %arg2[%dma_wait3A_156, %dma_wait3A_157] : memref<20000x128xf32, #tpu.memory_space<hbm>> -> memref<20000x128xf32, #tpu.memory_space<hbm>>
      tpu.wait_indirect_dma semaphore(%arg12 : memref<!tpu.dma_semaphore, #tpu.memory_space<semaphore_mem>>) src(%dma_wait3A_158 : memref<20000x128xf32, #tpu.memory_space<hbm>>) dst(%dma_wait3A_152 : memref<32x128xf32, #tpu.memory_space<vmem>>)
      %dma_wait3A_159 = arith.constant 2 : i32
      %dma_wait3A_160 = arith.constant 0 : i32
      %dma_wait3A_161 = arith.constant 64 : i32
      %dma_wait3A_162 = arith.constant 0 : i32
      %dma_wait3A_163 = tpu.memref_slice %arg10[%dma_wait3A_160, %dma_wait3A_161, %dma_wait3A_162] : memref<2x128x128xf32, #tpu.memory_space<vmem>> -> memref<1x32x128xf32, #tpu.memory_space<vmem>>
      %dma_wait3A_164 = tpu.memref_squeeze %dma_wait3A_163 : memref<1x32x128xf32, #tpu.memory_space<vmem>> -> memref<32x128xf32, #tpu.memory_space<vmem>>
      %dma_wait3A_165 = arith.constant 0 : i32
      %dma_wait3A_166 = tpu.memref_slice %arg8[%dma_wait3A_159, %dma_wait3A_165] : memref<32x32xi32, #tpu.memory_space<vmem>> -> memref<1x32xi32, #tpu.memory_space<vmem>>
      %dma_wait3A_167 = tpu.memref_squeeze %dma_wait3A_166 : memref<1x32xi32, #tpu.memory_space<vmem>> -> memref<32xi32, #tpu.memory_space<vmem>>
      %dma_wait3A_168 = arith.constant 0 : i32
      %dma_wait3A_169 = arith.constant 0 : i32
      %dma_wait3A_170 = tpu.memref_slice %arg2[%dma_wait3A_168, %dma_wait3A_169] : memref<20000x128xf32, #tpu.memory_space<hbm>> -> memref<20000x128xf32, #tpu.memory_space<hbm>>
      tpu.wait_indirect_dma semaphore(%arg12 : memref<!tpu.dma_semaphore, #tpu.memory_space<semaphore_mem>>) src(%dma_wait3A_170 : memref<20000x128xf32, #tpu.memory_space<hbm>>) dst(%dma_wait3A_164 : memref<32x128xf32, #tpu.memory_space<vmem>>)
      %dma_wait3A_171 = arith.constant 3 : i32
      %dma_wait3A_172 = arith.constant 0 : i32
      %dma_wait3A_173 = arith.constant 96 : i32
      %dma_wait3A_174 = arith.constant 0 : i32
      %dma_wait3A_175 = tpu.memref_slice %arg10[%dma_wait3A_172, %dma_wait3A_173, %dma_wait3A_174] : memref<2x128x128xf32, #tpu.memory_space<vmem>> -> memref<1x32x128xf32, #tpu.memory_space<vmem>>
      %dma_wait3A_176 = tpu.memref_squeeze %dma_wait3A_175 : memref<1x32x128xf32, #tpu.memory_space<vmem>> -> memref<32x128xf32, #tpu.memory_space<vmem>>
      %dma_wait3A_177 = arith.constant 0 : i32
      %dma_wait3A_178 = tpu.memref_slice %arg8[%dma_wait3A_171, %dma_wait3A_177] : memref<32x32xi32, #tpu.memory_space<vmem>> -> memref<1x32xi32, #tpu.memory_space<vmem>>
      %dma_wait3A_179 = tpu.memref_squeeze %dma_wait3A_178 : memref<1x32xi32, #tpu.memory_space<vmem>> -> memref<32xi32, #tpu.memory_space<vmem>>
      %dma_wait3A_180 = arith.constant 0 : i32
      %dma_wait3A_181 = arith.constant 0 : i32
      %dma_wait3A_182 = tpu.memref_slice %arg2[%dma_wait3A_180, %dma_wait3A_181] : memref<20000x128xf32, #tpu.memory_space<hbm>> -> memref<20000x128xf32, #tpu.memory_space<hbm>>
      tpu.wait_indirect_dma semaphore(%arg12 : memref<!tpu.dma_semaphore, #tpu.memory_space<semaphore_mem>>) src(%dma_wait3A_182 : memref<20000x128xf32, #tpu.memory_space<hbm>>) dst(%dma_wait3A_176 : memref<32x128xf32, #tpu.memory_space<vmem>>)
      %dma_start3A_183 = arith.constant 0 : i32
      %dma_start3A_184 = arith.constant 0 : i32
      %dma_start3A_185 = arith.constant 0 : i32
      %dma_start3A_186 = arith.constant 0 : i32
      %dma_start3A_187 = tpu.memref_slice %arg10[%dma_start3A_183, %dma_start3A_185, %dma_start3A_186] : memref<2x128x128xf32, #tpu.memory_space<vmem>> -> memref<1x128x128xf32, #tpu.memory_space<vmem>>
      %dma_start3A_188 = tpu.memref_squeeze %dma_start3A_187 : memref<1x128x128xf32, #tpu.memory_space<vmem>> -> memref<128x128xf32, #tpu.memory_space<vmem>>
      %dma_start3A_189 = arith.constant 0 : i32
      %dma_start3A_190 = tpu.memref_slice %arg9[%dma_start3A_184, %dma_start3A_189] : memref<8x128xi32, #tpu.memory_space<vmem>> -> memref<1x128xi32, #tpu.memory_space<vmem>>
      %dma_start3A_191 = tpu.memref_squeeze %dma_start3A_190 : memref<1x128xi32, #tpu.memory_space<vmem>> -> memref<128xi32, #tpu.memory_space<vmem>>
      %dma_start3A_192 = arith.constant 0 : i32
      %dma_start3A_193 = arith.constant 0 : i32
      %dma_start3A_194 = tpu.memref_slice %arg7[%dma_start3A_192, %dma_start3A_193] : memref<10240x128xf32, #tpu.memory_space<vmem_shared>> -> memref<10240x128xf32, #tpu.memory_space<vmem_shared>>
      tpu.enqueue_indirect_dma source(%dma_start3A_188 : memref<128x128xf32, #tpu.memory_space<vmem>>) target(%dma_start3A_194 : memref<10240x128xf32, #tpu.memory_space<vmem_shared>>) offsets(%dma_start3A_191 : memref<128xi32, #tpu.memory_space<vmem>>) semaphore(%arg14 : memref<!tpu.dma_semaphore, #tpu.memory_space<semaphore_mem>>) {add = true}
      %get3A = arith.constant 0 : i32
      %get3A_195 = arith.index_cast %get3A : i32 to index
      %get3A_196 = arith.constant 0 : index
      %get3A_197 = tpu.vector_load %arg9[%get3A_195, %get3A_196] {strides = array<i32>} : memref<8x128xi32, #tpu.memory_space<vmem>>, vector<16xi32>,
      tpu.vector_store_idx %arg11[%get3A_197], %broadcast_in_dim3A_20 {add = true} : memref<10240xf32, #tpu.memory_space<vmem>>[vector<16xi32>], vector<16xf32>,
      %get3A_198 = arith.constant 0 : i32
      %get3A_199 = arith.index_cast %get3A_198 : i32 to index
      %get3A_200 = arith.constant 16 : index
      %get3A_201 = tpu.vector_load %arg9[%get3A_199, %get3A_200] {strides = array<i32>} : memref<8x128xi32, #tpu.memory_space<vmem>>, vector<16xi32>,
      tpu.vector_store_idx %arg11[%get3A_201], %broadcast_in_dim3A_20 {add = true} : memref<10240xf32, #tpu.memory_space<vmem>>[vector<16xi32>], vector<16xf32>,
      %get3A_202 = arith.constant 0 : i32
      %get3A_203 = arith.index_cast %get3A_202 : i32 to index
      %get3A_204 = arith.constant 32 : index
      %get3A_205 = tpu.vector_load %arg9[%get3A_203, %get3A_204] {strides = array<i32>} : memref<8x128xi32, #tpu.memory_space<vmem>>, vector<16xi32>,
      tpu.vector_store_idx %arg11[%get3A_205], %broadcast_in_dim3A_20 {add = true} : memref<10240xf32, #tpu.memory_space<vmem>>[vector<16xi32>], vector<16xf32>,
      %get3A_206 = arith.constant 0 : i32
      %get3A_207 = arith.index_cast %get3A_206 : i32 to index
      %get3A_208 = arith.constant 48 : index
      %get3A_209 = tpu.vector_load %arg9[%get3A_207, %get3A_208] {strides = array<i32>} : memref<8x128xi32, #tpu.memory_space<vmem>>, vector<16xi32>,
      tpu.vector_store_idx %arg11[%get3A_209], %broadcast_in_dim3A_20 {add = true} : memref<10240xf32, #tpu.memory_space<vmem>>[vector<16xi32>], vector<16xf32>,
      %get3A_210 = arith.constant 0 : i32
      %get3A_211 = arith.index_cast %get3A_210 : i32 to index
      %get3A_212 = arith.constant 64 : index
      %get3A_213 = tpu.vector_load %arg9[%get3A_211, %get3A_212] {strides = array<i32>} : memref<8x128xi32, #tpu.memory_space<vmem>>, vector<16xi32>,
      tpu.vector_store_idx %arg11[%get3A_213], %broadcast_in_dim3A_20 {add = true} : memref<10240xf32, #tpu.memory_space<vmem>>[vector<16xi32>], vector<16xf32>,
      %get3A_214 = arith.constant 0 : i32
      %get3A_215 = arith.index_cast %get3A_214 : i32 to index
      %get3A_216 = arith.constant 80 : index
      %get3A_217 = tpu.vector_load %arg9[%get3A_215, %get3A_216] {strides = array<i32>} : memref<8x128xi32, #tpu.memory_space<vmem>>, vector<16xi32>,
      tpu.vector_store_idx %arg11[%get3A_217], %broadcast_in_dim3A_20 {add = true} : memref<10240xf32, #tpu.memory_space<vmem>>[vector<16xi32>], vector<16xf32>,
      %get3A_218 = arith.constant 0 : i32
      %get3A_219 = arith.index_cast %get3A_218 : i32 to index
      %get3A_220 = arith.constant 96 : index
      %get3A_221 = tpu.vector_load %arg9[%get3A_219, %get3A_220] {strides = array<i32>} : memref<8x128xi32, #tpu.memory_space<vmem>>, vector<16xi32>,
      tpu.vector_store_idx %arg11[%get3A_221], %broadcast_in_dim3A_20 {add = true} : memref<10240xf32, #tpu.memory_space<vmem>>[vector<16xi32>], vector<16xf32>,
      %get3A_222 = arith.constant 0 : i32
      %get3A_223 = arith.index_cast %get3A_222 : i32 to index
      %get3A_224 = arith.constant 112 : index
      %get3A_225 = tpu.vector_load %arg9[%get3A_223, %get3A_224] {strides = array<i32>} : memref<8x128xi32, #tpu.memory_space<vmem>>, vector<16xi32>,
      tpu.vector_store_idx %arg11[%get3A_225], %broadcast_in_dim3A_20 {add = true} : memref<10240xf32, #tpu.memory_space<vmem>>[vector<16xi32>], vector<16xf32>,
      %dma_wait3A_226 = arith.constant 4 : i32
      %dma_wait3A_227 = arith.constant 1 : i32
      %dma_wait3A_228 = arith.constant 0 : i32
      %dma_wait3A_229 = arith.constant 0 : i32
      %dma_wait3A_230 = tpu.memref_slice %arg10[%dma_wait3A_227, %dma_wait3A_228, %dma_wait3A_229] : memref<2x128x128xf32, #tpu.memory_space<vmem>> -> memref<1x32x128xf32, #tpu.memory_space<vmem>>
      %dma_wait3A_231 = tpu.memref_squeeze %dma_wait3A_230 : memref<1x32x128xf32, #tpu.memory_space<vmem>> -> memref<32x128xf32, #tpu.memory_space<vmem>>
      %dma_wait3A_232 = arith.constant 0 : i32
      %dma_wait3A_233 = tpu.memref_slice %arg8[%dma_wait3A_226, %dma_wait3A_232] : memref<32x32xi32, #tpu.memory_space<vmem>> -> memref<1x32xi32, #tpu.memory_space<vmem>>
      %dma_wait3A_234 = tpu.memref_squeeze %dma_wait3A_233 : memref<1x32xi32, #tpu.memory_space<vmem>> -> memref<32xi32, #tpu.memory_space<vmem>>
      %dma_wait3A_235 = arith.constant 0 : i32
      %dma_wait3A_236 = arith.constant 0 : i32
      %dma_wait3A_237 = tpu.memref_slice %arg2[%dma_wait3A_235, %dma_wait3A_236] : memref<20000x128xf32, #tpu.memory_space<hbm>> -> memref<20000x128xf32, #tpu.memory_space<hbm>>
      tpu.wait_indirect_dma semaphore(%arg13 : memref<!tpu.dma_semaphore, #tpu.memory_space<semaphore_mem>>) src(%dma_wait3A_237 : memref<20000x128xf32, #tpu.memory_space<hbm>>) dst(%dma_wait3A_231 : memref<32x128xf32, #tpu.memory_space<vmem>>)
      %dma_wait3A_238 = arith.constant 5 : i32
      %dma_wait3A_239 = arith.constant 1 : i32
      %dma_wait3A_240 = arith.constant 32 : i32
      %dma_wait3A_241 = arith.constant 0 : i32
      %dma_wait3A_242 = tpu.memref_slice %arg10[%dma_wait3A_239, %dma_wait3A_240, %dma_wait3A_241] : memref<2x128x128xf32, #tpu.memory_space<vmem>> -> memref<1x32x128xf32, #tpu.memory_space<vmem>>
      %dma_wait3A_243 = tpu.memref_squeeze %dma_wait3A_242 : memref<1x32x128xf32, #tpu.memory_space<vmem>> -> memref<32x128xf32, #tpu.memory_space<vmem>>
      %dma_wait3A_244 = arith.constant 0 : i32
      %dma_wait3A_245 = tpu.memref_slice %arg8[%dma_wait3A_238, %dma_wait3A_244] : memref<32x32xi32, #tpu.memory_space<vmem>> -> memref<1x32xi32, #tpu.memory_space<vmem>>
      %dma_wait3A_246 = tpu.memref_squeeze %dma_wait3A_245 : memref<1x32xi32, #tpu.memory_space<vmem>> -> memref<32xi32, #tpu.memory_space<vmem>>
      %dma_wait3A_247 = arith.constant 0 : i32
      %dma_wait3A_248 = arith.constant 0 : i32
      %dma_wait3A_249 = tpu.memref_slice %arg2[%dma_wait3A_247, %dma_wait3A_248] : memref<20000x128xf32, #tpu.memory_space<hbm>> -> memref<20000x128xf32, #tpu.memory_space<hbm>>
      tpu.wait_indirect_dma semaphore(%arg13 : memref<!tpu.dma_semaphore, #tpu.memory_space<semaphore_mem>>) src(%dma_wait3A_249 : memref<20000x128xf32, #tpu.memory_space<hbm>>) dst(%dma_wait3A_243 : memref<32x128xf32, #tpu.memory_space<vmem>>)
      %dma_wait3A_250 = arith.constant 6 : i32
      %dma_wait3A_251 = arith.constant 1 : i32
      %dma_wait3A_252 = arith.constant 64 : i32
      %dma_wait3A_253 = arith.constant 0 : i32
      %dma_wait3A_254 = tpu.memref_slice %arg10[%dma_wait3A_251, %dma_wait3A_252, %dma_wait3A_253] : memref<2x128x128xf32, #tpu.memory_space<vmem>> -> memref<1x32x128xf32, #tpu.memory_space<vmem>>
      %dma_wait3A_255 = tpu.memref_squeeze %dma_wait3A_254 : memref<1x32x128xf32, #tpu.memory_space<vmem>> -> memref<32x128xf32, #tpu.memory_space<vmem>>
      %dma_wait3A_256 = arith.constant 0 : i32
      %dma_wait3A_257 = tpu.memref_slice %arg8[%dma_wait3A_250, %dma_wait3A_256] : memref<32x32xi32, #tpu.memory_space<vmem>> -> memref<1x32xi32, #tpu.memory_space<vmem>>
      %dma_wait3A_258 = tpu.memref_squeeze %dma_wait3A_257 : memref<1x32xi32, #tpu.memory_space<vmem>> -> memref<32xi32, #tpu.memory_space<vmem>>
      %dma_wait3A_259 = arith.constant 0 : i32
      %dma_wait3A_260 = arith.constant 0 : i32
      %dma_wait3A_261 = tpu.memref_slice %arg2[%dma_wait3A_259, %dma_wait3A_260] : memref<20000x128xf32, #tpu.memory_space<hbm>> -> memref<20000x128xf32, #tpu.memory_space<hbm>>
      tpu.wait_indirect_dma semaphore(%arg13 : memref<!tpu.dma_semaphore, #tpu.memory_space<semaphore_mem>>) src(%dma_wait3A_261 : memref<20000x128xf32, #tpu.memory_space<hbm>>) dst(%dma_wait3A_255 : memref<32x128xf32, #tpu.memory_space<vmem>>)
      %dma_wait3A_262 = arith.constant 7 : i32
      %dma_wait3A_263 = arith.constant 1 : i32
      %dma_wait3A_264 = arith.constant 96 : i32
      %dma_wait3A_265 = arith.constant 0 : i32
      %dma_wait3A_266 = tpu.memref_slice %arg10[%dma_wait3A_263, %dma_wait3A_264, %dma_wait3A_265] : memref<2x128x128xf32, #tpu.memory_space<vmem>> -> memref<1x32x128xf32, #tpu.memory_space<vmem>>
      %dma_wait3A_267 = tpu.memref_squeeze %dma_wait3A_266 : memref<1x32x128xf32, #tpu.memory_space<vmem>> -> memref<32x128xf32, #tpu.memory_space<vmem>>
      %dma_wait3A_268 = arith.constant 0 : i32
      %dma_wait3A_269 = tpu.memref_slice %arg8[%dma_wait3A_262, %dma_wait3A_268] : memref<32x32xi32, #tpu.memory_space<vmem>> -> memref<1x32xi32, #tpu.memory_space<vmem>>
      %dma_wait3A_270 = tpu.memref_squeeze %dma_wait3A_269 : memref<1x32xi32, #tpu.memory_space<vmem>> -> memref<32xi32, #tpu.memory_space<vmem>>
      %dma_wait3A_271 = arith.constant 0 : i32
      %dma_wait3A_272 = arith.constant 0 : i32
      %dma_wait3A_273 = tpu.memref_slice %arg2[%dma_wait3A_271, %dma_wait3A_272] : memref<20000x128xf32, #tpu.memory_space<hbm>> -> memref<20000x128xf32, #tpu.memory_space<hbm>>
      tpu.wait_indirect_dma semaphore(%arg13 : memref<!tpu.dma_semaphore, #tpu.memory_space<semaphore_mem>>) src(%dma_wait3A_273 : memref<20000x128xf32, #tpu.memory_space<hbm>>) dst(%dma_wait3A_267 : memref<32x128xf32, #tpu.memory_space<vmem>>)
      %dma_start3A_274 = arith.constant 1 : i32
      %dma_start3A_275 = arith.constant 1 : i32
      %dma_start3A_276 = arith.constant 0 : i32
      %dma_start3A_277 = arith.constant 0 : i32
      %dma_start3A_278 = tpu.memref_slice %arg10[%dma_start3A_274, %dma_start3A_276, %dma_start3A_277] : memref<2x128x128xf32, #tpu.memory_space<vmem>> -> memref<1x128x128xf32, #tpu.memory_space<vmem>>
      %dma_start3A_279 = tpu.memref_squeeze %dma_start3A_278 : memref<1x128x128xf32, #tpu.memory_space<vmem>> -> memref<128x128xf32, #tpu.memory_space<vmem>>
      %dma_start3A_280 = arith.constant 0 : i32
      %dma_start3A_281 = tpu.memref_slice %arg9[%dma_start3A_275, %dma_start3A_280] : memref<8x128xi32, #tpu.memory_space<vmem>> -> memref<1x128xi32, #tpu.memory_space<vmem>>
      %dma_start3A_282 = tpu.memref_squeeze %dma_start3A_281 : memref<1x128xi32, #tpu.memory_space<vmem>> -> memref<128xi32, #tpu.memory_space<vmem>>
      %dma_start3A_283 = arith.constant 0 : i32
      %dma_start3A_284 = arith.constant 0 : i32
      %dma_start3A_285 = tpu.memref_slice %arg7[%dma_start3A_283, %dma_start3A_284] : memref<10240x128xf32, #tpu.memory_space<vmem_shared>> -> memref<10240x128xf32, #tpu.memory_space<vmem_shared>>
      tpu.enqueue_indirect_dma source(%dma_start3A_279 : memref<128x128xf32, #tpu.memory_space<vmem>>) target(%dma_start3A_285 : memref<10240x128xf32, #tpu.memory_space<vmem_shared>>) offsets(%dma_start3A_282 : memref<128xi32, #tpu.memory_space<vmem>>) semaphore(%arg15 : memref<!tpu.dma_semaphore, #tpu.memory_space<semaphore_mem>>) {add = true}
      %get3A_286 = arith.constant 1 : i32
      %get3A_287 = arith.index_cast %get3A_286 : i32 to index
      %get3A_288 = arith.constant 0 : index
      %get3A_289 = tpu.vector_load %arg9[%get3A_287, %get3A_288] {strides = array<i32>} : memref<8x128xi32, #tpu.memory_space<vmem>>, vector<16xi32>,
      tpu.vector_store_idx %arg11[%get3A_289], %broadcast_in_dim3A_20 {add = true} : memref<10240xf32, #tpu.memory_space<vmem>>[vector<16xi32>], vector<16xf32>,
      %get3A_290 = arith.constant 1 : i32
      %get3A_291 = arith.index_cast %get3A_290 : i32 to index
      %get3A_292 = arith.constant 16 : index
      %get3A_293 = tpu.vector_load %arg9[%get3A_291, %get3A_292] {strides = array<i32>} : memref<8x128xi32, #tpu.memory_space<vmem>>, vector<16xi32>,
      tpu.vector_store_idx %arg11[%get3A_293], %broadcast_in_dim3A_20 {add = true} : memref<10240xf32, #tpu.memory_space<vmem>>[vector<16xi32>], vector<16xf32>,
      %get3A_294 = arith.constant 1 : i32
      %get3A_295 = arith.index_cast %get3A_294 : i32 to index
      %get3A_296 = arith.constant 32 : index
      %get3A_297 = tpu.vector_load %arg9[%get3A_295, %get3A_296] {strides = array<i32>} : memref<8x128xi32, #tpu.memory_space<vmem>>, vector<16xi32>,
      tpu.vector_store_idx %arg11[%get3A_297], %broadcast_in_dim3A_20 {add = true} : memref<10240xf32, #tpu.memory_space<vmem>>[vector<16xi32>], vector<16xf32>,
      %get3A_298 = arith.constant 1 : i32
      %get3A_299 = arith.index_cast %get3A_298 : i32 to index
      %get3A_300 = arith.constant 48 : index
      %get3A_301 = tpu.vector_load %arg9[%get3A_299, %get3A_300] {strides = array<i32>} : memref<8x128xi32, #tpu.memory_space<vmem>>, vector<16xi32>,
      tpu.vector_store_idx %arg11[%get3A_301], %broadcast_in_dim3A_20 {add = true} : memref<10240xf32, #tpu.memory_space<vmem>>[vector<16xi32>], vector<16xf32>,
      %get3A_302 = arith.constant 1 : i32
      %get3A_303 = arith.index_cast %get3A_302 : i32 to index
      %get3A_304 = arith.constant 64 : index
      %get3A_305 = tpu.vector_load %arg9[%get3A_303, %get3A_304] {strides = array<i32>} : memref<8x128xi32, #tpu.memory_space<vmem>>, vector<16xi32>,
      tpu.vector_store_idx %arg11[%get3A_305], %broadcast_in_dim3A_20 {add = true} : memref<10240xf32, #tpu.memory_space<vmem>>[vector<16xi32>], vector<16xf32>,
      %get3A_306 = arith.constant 1 : i32
      %get3A_307 = arith.index_cast %get3A_306 : i32 to index
      %get3A_308 = arith.constant 80 : index
      %get3A_309 = tpu.vector_load %arg9[%get3A_307, %get3A_308] {strides = array<i32>} : memref<8x128xi32, #tpu.memory_space<vmem>>, vector<16xi32>,
      tpu.vector_store_idx %arg11[%get3A_309], %broadcast_in_dim3A_20 {add = true} : memref<10240xf32, #tpu.memory_space<vmem>>[vector<16xi32>], vector<16xf32>,
      %get3A_310 = arith.constant 1 : i32
      %get3A_311 = arith.index_cast %get3A_310 : i32 to index
      %get3A_312 = arith.constant 96 : index
      %get3A_313 = tpu.vector_load %arg9[%get3A_311, %get3A_312] {strides = array<i32>} : memref<8x128xi32, #tpu.memory_space<vmem>>, vector<16xi32>,
      tpu.vector_store_idx %arg11[%get3A_313], %broadcast_in_dim3A_20 {add = true} : memref<10240xf32, #tpu.memory_space<vmem>>[vector<16xi32>], vector<16xf32>,
      %get3A_314 = arith.constant 1 : i32
      %get3A_315 = arith.index_cast %get3A_314 : i32 to index
      %get3A_316 = arith.constant 112 : index
      %get3A_317 = tpu.vector_load %arg9[%get3A_315, %get3A_316] {strides = array<i32>} : memref<8x128xi32, #tpu.memory_space<vmem>>, vector<16xi32>,
      tpu.vector_store_idx %arg11[%get3A_317], %broadcast_in_dim3A_20 {add = true} : memref<10240xf32, #tpu.memory_space<vmem>>[vector<16xi32>], vector<16xf32>,
      %dma_wait3A_318 = arith.constant 0 : i32
      %dma_wait3A_319 = arith.constant 0 : i32
      %dma_wait3A_320 = arith.constant 0 : i32
      %dma_wait3A_321 = arith.constant 0 : i32
      %dma_wait3A_322 = tpu.memref_slice %arg10[%dma_wait3A_318, %dma_wait3A_320, %dma_wait3A_321] : memref<2x128x128xf32, #tpu.memory_space<vmem>> -> memref<1x128x128xf32, #tpu.memory_space<vmem>>
      %dma_wait3A_323 = tpu.memref_squeeze %dma_wait3A_322 : memref<1x128x128xf32, #tpu.memory_space<vmem>> -> memref<128x128xf32, #tpu.memory_space<vmem>>
      %dma_wait3A_324 = arith.constant 0 : i32
      %dma_wait3A_325 = tpu.memref_slice %arg9[%dma_wait3A_319, %dma_wait3A_324] : memref<8x128xi32, #tpu.memory_space<vmem>> -> memref<1x128xi32, #tpu.memory_space<vmem>>
      %dma_wait3A_326 = tpu.memref_squeeze %dma_wait3A_325 : memref<1x128xi32, #tpu.memory_space<vmem>> -> memref<128xi32, #tpu.memory_space<vmem>>
      %dma_wait3A_327 = arith.constant 0 : i32
      %dma_wait3A_328 = arith.constant 0 : i32
      %dma_wait3A_329 = tpu.memref_slice %arg7[%dma_wait3A_327, %dma_wait3A_328] : memref<10240x128xf32, #tpu.memory_space<vmem_shared>> -> memref<10240x128xf32, #tpu.memory_space<vmem_shared>>
      tpu.wait_indirect_dma semaphore(%arg14 : memref<!tpu.dma_semaphore, #tpu.memory_space<semaphore_mem>>) src(%dma_wait3A_323 : memref<128x128xf32, #tpu.memory_space<vmem>>) dst(%dma_wait3A_329 : memref<10240x128xf32, #tpu.memory_space<vmem_shared>>)
      %dma_start3A_330 = arith.constant 8 : i32
      %dma_start3A_331 = arith.constant 0 : i32
      %dma_start3A_332 = arith.constant 0 : i32
      %dma_start3A_333 = arith.constant 0 : i32
      %dma_start3A_334 = tpu.memref_slice %arg10[%dma_start3A_331, %dma_start3A_332, %dma_start3A_333] : memref<2x128x128xf32, #tpu.memory_space<vmem>> -> memref<1x32x128xf32, #tpu.memory_space<vmem>>
      %dma_start3A_335 = tpu.memref_squeeze %dma_start3A_334 : memref<1x32x128xf32, #tpu.memory_space<vmem>> -> memref<32x128xf32, #tpu.memory_space<vmem>>
      %dma_start3A_336 = arith.constant 0 : i32
      %dma_start3A_337 = tpu.memref_slice %arg8[%dma_start3A_330, %dma_start3A_336] : memref<32x32xi32, #tpu.memory_space<vmem>> -> memref<1x32xi32, #tpu.memory_space<vmem>>
      %dma_start3A_338 = tpu.memref_squeeze %dma_start3A_337 : memref<1x32xi32, #tpu.memory_space<vmem>> -> memref<32xi32, #tpu.memory_space<vmem>>
      %dma_start3A_339 = arith.constant 0 : i32
      %dma_start3A_340 = arith.constant 0 : i32
      %dma_start3A_341 = tpu.memref_slice %arg2[%dma_start3A_339, %dma_start3A_340] : memref<20000x128xf32, #tpu.memory_space<hbm>> -> memref<20000x128xf32, #tpu.memory_space<hbm>>
      tpu.enqueue_indirect_dma source(%dma_start3A_341 : memref<20000x128xf32, #tpu.memory_space<hbm>>) target(%dma_start3A_335 : memref<32x128xf32, #tpu.memory_space<vmem>>) offsets(%dma_start3A_338 : memref<32xi32, #tpu.memory_space<vmem>>) semaphore(%arg12 : memref<!tpu.dma_semaphore, #tpu.memory_space<semaphore_mem>>)
      %dma_start3A_342 = arith.constant 9 : i32
      %dma_start3A_343 = arith.constant 0 : i32
      %dma_start3A_344 = arith.constant 32 : i32
      %dma_start3A_345 = arith.constant 0 : i32
      %dma_start3A_346 = tpu.memref_slice %arg10[%dma_start3A_343, %dma_start3A_344, %dma_start3A_345] : memref<2x128x128xf32, #tpu.memory_space<vmem>> -> memref<1x32x128xf32, #tpu.memory_space<vmem>>
      %dma_start3A_347 = tpu.memref_squeeze %dma_start3A_346 : memref<1x32x128xf32, #tpu.memory_space<vmem>> -> memref<32x128xf32, #tpu.memory_space<vmem>>
      %dma_start3A_348 = arith.constant 0 : i32
      %dma_start3A_349 = tpu.memref_slice %arg8[%dma_start3A_342, %dma_start3A_348] : memref<32x32xi32, #tpu.memory_space<vmem>> -> memref<1x32xi32, #tpu.memory_space<vmem>>
      %dma_start3A_350 = tpu.memref_squeeze %dma_start3A_349 : memref<1x32xi32, #tpu.memory_space<vmem>> -> memref<32xi32, #tpu.memory_space<vmem>>
      %dma_start3A_351 = arith.constant 0 : i32
      %dma_start3A_352 = arith.constant 0 : i32
      %dma_start3A_353 = tpu.memref_slice %arg2[%dma_start3A_351, %dma_start3A_352] : memref<20000x128xf32, #tpu.memory_space<hbm>> -> memref<20000x128xf32, #tpu.memory_space<hbm>>
      tpu.enqueue_indirect_dma source(%dma_start3A_353 : memref<20000x128xf32, #tpu.memory_space<hbm>>) target(%dma_start3A_347 : memref<32x128xf32, #tpu.memory_space<vmem>>) offsets(%dma_start3A_350 : memref<32xi32, #tpu.memory_space<vmem>>) semaphore(%arg12 : memref<!tpu.dma_semaphore, #tpu.memory_space<semaphore_mem>>)
      %dma_start3A_354 = arith.constant 10 : i32
      %dma_start3A_355 = arith.constant 0 : i32
      %dma_start3A_356 = arith.constant 64 : i32
      %dma_start3A_357 = arith.constant 0 : i32
      %dma_start3A_358 = tpu.memref_slice %arg10[%dma_start3A_355, %dma_start3A_356, %dma_start3A_357] : memref<2x128x128xf32, #tpu.memory_space<vmem>> -> memref<1x32x128xf32, #tpu.memory_space<vmem>>
      %dma_start3A_359 = tpu.memref_squeeze %dma_start3A_358 : memref<1x32x128xf32, #tpu.memory_space<vmem>> -> memref<32x128xf32, #tpu.memory_space<vmem>>
      %dma_start3A_360 = arith.constant 0 : i32
      %dma_start3A_361 = tpu.memref_slice %arg8[%dma_start3A_354, %dma_start3A_360] : memref<32x32xi32, #tpu.memory_space<vmem>> -> memref<1x32xi32, #tpu.memory_space<vmem>>
      %dma_start3A_362 = tpu.memref_squeeze %dma_start3A_361 : memref<1x32xi32, #tpu.memory_space<vmem>> -> memref<32xi32, #tpu.memory_space<vmem>>
      %dma_start3A_363 = arith.constant 0 : i32
      %dma_start3A_364 = arith.constant 0 : i32
      %dma_start3A_365 = tpu.memref_slice %arg2[%dma_start3A_363, %dma_start3A_364] : memref<20000x128xf32, #tpu.memory_space<hbm>> -> memref<20000x128xf32, #tpu.memory_space<hbm>>
      tpu.enqueue_indirect_dma source(%dma_start3A_365 : memref<20000x128xf32, #tpu.memory_space<hbm>>) target(%dma_start3A_359 : memref<32x128xf32, #tpu.memory_space<vmem>>) offsets(%dma_start3A_362 : memref<32xi32, #tpu.memory_space<vmem>>) semaphore(%arg12 : memref<!tpu.dma_semaphore, #tpu.memory_space<semaphore_mem>>)
      %dma_start3A_366 = arith.constant 11 : i32
      %dma_start3A_367 = arith.constant 0 : i32
      %dma_start3A_368 = arith.constant 96 : i32
      %dma_start3A_369 = arith.constant 0 : i32
      %dma_start3A_370 = tpu.memref_slice %arg10[%dma_start3A_367, %dma_start3A_368, %dma_start3A_369] : memref<2x128x128xf32, #tpu.memory_space<vmem>> -> memref<1x32x128xf32, #tpu.memory_space<vmem>>
      %dma_start3A_371 = tpu.memref_squeeze %dma_start3A_370 : memref<1x32x128xf32, #tpu.memory_space<vmem>> -> memref<32x128xf32, #tpu.memory_space<vmem>>
      %dma_start3A_372 = arith.constant 0 : i32
      %dma_start3A_373 = tpu.memref_slice %arg8[%dma_start3A_366, %dma_start3A_372] : memref<32x32xi32, #tpu.memory_space<vmem>> -> memref<1x32xi32, #tpu.memory_space<vmem>>
      %dma_start3A_374 = tpu.memref_squeeze %dma_start3A_373 : memref<1x32xi32, #tpu.memory_space<vmem>> -> memref<32xi32, #tpu.memory_space<vmem>>
      %dma_start3A_375 = arith.constant 0 : i32
      %dma_start3A_376 = arith.constant 0 : i32
      %dma_start3A_377 = tpu.memref_slice %arg2[%dma_start3A_375, %dma_start3A_376] : memref<20000x128xf32, #tpu.memory_space<hbm>> -> memref<20000x128xf32, #tpu.memory_space<hbm>>
      tpu.enqueue_indirect_dma source(%dma_start3A_377 : memref<20000x128xf32, #tpu.memory_space<hbm>>) target(%dma_start3A_371 : memref<32x128xf32, #tpu.memory_space<vmem>>) offsets(%dma_start3A_374 : memref<32xi32, #tpu.memory_space<vmem>>) semaphore(%arg12 : memref<!tpu.dma_semaphore, #tpu.memory_space<semaphore_mem>>)
      %dma_wait3A_378 = arith.constant 8 : i32
      %dma_wait3A_379 = arith.constant 0 : i32
      %dma_wait3A_380 = arith.constant 0 : i32
      %dma_wait3A_381 = arith.constant 0 : i32
      %dma_wait3A_382 = tpu.memref_slice %arg10[%dma_wait3A_379, %dma_wait3A_380, %dma_wait3A_381] : memref<2x128x128xf32, #tpu.memory_space<vmem>> -> memref<1x32x128xf32, #tpu.memory_space<vmem>>
      %dma_wait3A_383 = tpu.memref_squeeze %dma_wait3A_382 : memref<1x32x128xf32, #tpu.memory_space<vmem>> -> memref<32x128xf32, #tpu.memory_space<vmem>>
      %dma_wait3A_384 = arith.constant 0 : i32
      %dma_wait3A_385 = tpu.memref_slice %arg8[%dma_wait3A_378, %dma_wait3A_384] : memref<32x32xi32, #tpu.memory_space<vmem>> -> memref<1x32xi32, #tpu.memory_space<vmem>>
      %dma_wait3A_386 = tpu.memref_squeeze %dma_wait3A_385 : memref<1x32xi32, #tpu.memory_space<vmem>> -> memref<32xi32, #tpu.memory_space<vmem>>
      %dma_wait3A_387 = arith.constant 0 : i32
      %dma_wait3A_388 = arith.constant 0 : i32
      %dma_wait3A_389 = tpu.memref_slice %arg2[%dma_wait3A_387, %dma_wait3A_388] : memref<20000x128xf32, #tpu.memory_space<hbm>> -> memref<20000x128xf32, #tpu.memory_space<hbm>>
      tpu.wait_indirect_dma semaphore(%arg12 : memref<!tpu.dma_semaphore, #tpu.memory_space<semaphore_mem>>) src(%dma_wait3A_389 : memref<20000x128xf32, #tpu.memory_space<hbm>>) dst(%dma_wait3A_383 : memref<32x128xf32, #tpu.memory_space<vmem>>)
      %dma_wait3A_390 = arith.constant 9 : i32
      %dma_wait3A_391 = arith.constant 0 : i32
      %dma_wait3A_392 = arith.constant 32 : i32
      %dma_wait3A_393 = arith.constant 0 : i32
      %dma_wait3A_394 = tpu.memref_slice %arg10[%dma_wait3A_391, %dma_wait3A_392, %dma_wait3A_393] : memref<2x128x128xf32, #tpu.memory_space<vmem>> -> memref<1x32x128xf32, #tpu.memory_space<vmem>>
      %dma_wait3A_395 = tpu.memref_squeeze %dma_wait3A_394 : memref<1x32x128xf32, #tpu.memory_space<vmem>> -> memref<32x128xf32, #tpu.memory_space<vmem>>
      %dma_wait3A_396 = arith.constant 0 : i32
      %dma_wait3A_397 = tpu.memref_slice %arg8[%dma_wait3A_390, %dma_wait3A_396] : memref<32x32xi32, #tpu.memory_space<vmem>> -> memref<1x32xi32, #tpu.memory_space<vmem>>
      %dma_wait3A_398 = tpu.memref_squeeze %dma_wait3A_397 : memref<1x32xi32, #tpu.memory_space<vmem>> -> memref<32xi32, #tpu.memory_space<vmem>>
      %dma_wait3A_399 = arith.constant 0 : i32
      %dma_wait3A_400 = arith.constant 0 : i32
      %dma_wait3A_401 = tpu.memref_slice %arg2[%dma_wait3A_399, %dma_wait3A_400] : memref<20000x128xf32, #tpu.memory_space<hbm>> -> memref<20000x128xf32, #tpu.memory_space<hbm>>
      tpu.wait_indirect_dma semaphore(%arg12 : memref<!tpu.dma_semaphore, #tpu.memory_space<semaphore_mem>>) src(%dma_wait3A_401 : memref<20000x128xf32, #tpu.memory_space<hbm>>) dst(%dma_wait3A_395 : memref<32x128xf32, #tpu.memory_space<vmem>>)
      %dma_wait3A_402 = arith.constant 10 : i32
      %dma_wait3A_403 = arith.constant 0 : i32
      %dma_wait3A_404 = arith.constant 64 : i32
      %dma_wait3A_405 = arith.constant 0 : i32
      %dma_wait3A_406 = tpu.memref_slice %arg10[%dma_wait3A_403, %dma_wait3A_404, %dma_wait3A_405] : memref<2x128x128xf32, #tpu.memory_space<vmem>> -> memref<1x32x128xf32, #tpu.memory_space<vmem>>
      %dma_wait3A_407 = tpu.memref_squeeze %dma_wait3A_406 : memref<1x32x128xf32, #tpu.memory_space<vmem>> -> memref<32x128xf32, #tpu.memory_space<vmem>>
      %dma_wait3A_408 = arith.constant 0 : i32
      %dma_wait3A_409 = tpu.memref_slice %arg8[%dma_wait3A_402, %dma_wait3A_408] : memref<32x32xi32, #tpu.memory_space<vmem>> -> memref<1x32xi32, #tpu.memory_space<vmem>>
      %dma_wait3A_410 = tpu.memref_squeeze %dma_wait3A_409 : memref<1x32xi32, #tpu.memory_space<vmem>> -> memref<32xi32, #tpu.memory_space<vmem>>
      %dma_wait3A_411 = arith.constant 0 : i32
      %dma_wait3A_412 = arith.constant 0 : i32
      %dma_wait3A_413 = tpu.memref_slice %arg2[%dma_wait3A_411, %dma_wait3A_412] : memref<20000x128xf32, #tpu.memory_space<hbm>> -> memref<20000x128xf32, #tpu.memory_space<hbm>>
      tpu.wait_indirect_dma semaphore(%arg12 : memref<!tpu.dma_semaphore, #tpu.memory_space<semaphore_mem>>) src(%dma_wait3A_413 : memref<20000x128xf32, #tpu.memory_space<hbm>>) dst(%dma_wait3A_407 : memref<32x128xf32, #tpu.memory_space<vmem>>)
      %dma_wait3A_414 = arith.constant 11 : i32
      %dma_wait3A_415 = arith.constant 0 : i32
      %dma_wait3A_416 = arith.constant 96 : i32
      %dma_wait3A_417 = arith.constant 0 : i32
      %dma_wait3A_418 = tpu.memref_slice %arg10[%dma_wait3A_415, %dma_wait3A_416, %dma_wait3A_417] : memref<2x128x128xf32, #tpu.memory_space<vmem>> -> memref<1x32x128xf32, #tpu.memory_space<vmem>>
      %dma_wait3A_419 = tpu.memref_squeeze %dma_wait3A_418 : memref<1x32x128xf32, #tpu.memory_space<vmem>> -> memref<32x128xf32, #tpu.memory_space<vmem>>
      %dma_wait3A_420 = arith.constant 0 : i32
      %dma_wait3A_421 = tpu.memref_slice %arg8[%dma_wait3A_414, %dma_wait3A_420] : memref<32x32xi32, #tpu.memory_space<vmem>> -> memref<1x32xi32, #tpu.memory_space<vmem>>
      %dma_wait3A_422 = tpu.memref_squeeze %dma_wait3A_421 : memref<1x32xi32, #tpu.memory_space<vmem>> -> memref<32xi32, #tpu.memory_space<vmem>>
      %dma_wait3A_423 = arith.constant 0 : i32
      %dma_wait3A_424 = arith.constant 0 : i32
      %dma_wait3A_425 = tpu.memref_slice %arg2[%dma_wait3A_423, %dma_wait3A_424] : memref<20000x128xf32, #tpu.memory_space<hbm>> -> memref<20000x128xf32, #tpu.memory_space<hbm>>
      tpu.wait_indirect_dma semaphore(%arg12 : memref<!tpu.dma_semaphore, #tpu.memory_space<semaphore_mem>>) src(%dma_wait3A_425 : memref<20000x128xf32, #tpu.memory_space<hbm>>) dst(%dma_wait3A_419 : memref<32x128xf32, #tpu.memory_space<vmem>>)
      %dma_start3A_426 = arith.constant 0 : i32
      %dma_start3A_427 = arith.constant 2 : i32
      %dma_start3A_428 = arith.constant 0 : i32
      %dma_start3A_429 = arith.constant 0 : i32
      %dma_start3A_430 = tpu.memref_slice %arg10[%dma_start3A_426, %dma_start3A_428, %dma_start3A_429] : memref<2x128x128xf32, #tpu.memory_space<vmem>> -> memref<1x128x128xf32, #tpu.memory_space<vmem>>
      %dma_start3A_431 = tpu.memref_squeeze %dma_start3A_430 : memref<1x128x128xf32, #tpu.memory_space<vmem>> -> memref<128x128xf32, #tpu.memory_space<vmem>>
      %dma_start3A_432 = arith.constant 0 : i32
      %dma_start3A_433 = tpu.memref_slice %arg9[%dma_start3A_427, %dma_start3A_432] : memref<8x128xi32, #tpu.memory_space<vmem>> -> memref<1x128xi32, #tpu.memory_space<vmem>>
      %dma_start3A_434 = tpu.memref_squeeze %dma_start3A_433 : memref<1x128xi32, #tpu.memory_space<vmem>> -> memref<128xi32, #tpu.memory_space<vmem>>
      %dma_start3A_435 = arith.constant 0 : i32
      %dma_start3A_436 = arith.constant 0 : i32
      %dma_start3A_437 = tpu.memref_slice %arg7[%dma_start3A_435, %dma_start3A_436] : memref<10240x128xf32, #tpu.memory_space<vmem_shared>> -> memref<10240x128xf32, #tpu.memory_space<vmem_shared>>
      tpu.enqueue_indirect_dma source(%dma_start3A_431 : memref<128x128xf32, #tpu.memory_space<vmem>>) target(%dma_start3A_437 : memref<10240x128xf32, #tpu.memory_space<vmem_shared>>) offsets(%dma_start3A_434 : memref<128xi32, #tpu.memory_space<vmem>>) semaphore(%arg14 : memref<!tpu.dma_semaphore, #tpu.memory_space<semaphore_mem>>) {add = true}
      %get3A_438 = arith.constant 2 : i32
      %get3A_439 = arith.index_cast %get3A_438 : i32 to index
      %get3A_440 = arith.constant 0 : index
      %get3A_441 = tpu.vector_load %arg9[%get3A_439, %get3A_440] {strides = array<i32>} : memref<8x128xi32, #tpu.memory_space<vmem>>, vector<16xi32>,
      tpu.vector_store_idx %arg11[%get3A_441], %broadcast_in_dim3A_20 {add = true} : memref<10240xf32, #tpu.memory_space<vmem>>[vector<16xi32>], vector<16xf32>,
      %get3A_442 = arith.constant 2 : i32
      %get3A_443 = arith.index_cast %get3A_442 : i32 to index
      %get3A_444 = arith.constant 16 : index
      %get3A_445 = tpu.vector_load %arg9[%get3A_443, %get3A_444] {strides = array<i32>} : memref<8x128xi32, #tpu.memory_space<vmem>>, vector<16xi32>,
      tpu.vector_store_idx %arg11[%get3A_445], %broadcast_in_dim3A_20 {add = true} : memref<10240xf32, #tpu.memory_space<vmem>>[vector<16xi32>], vector<16xf32>,
      %get3A_446 = arith.constant 2 : i32
      %get3A_447 = arith.index_cast %get3A_446 : i32 to index
      %get3A_448 = arith.constant 32 : index
      %get3A_449 = tpu.vector_load %arg9[%get3A_447, %get3A_448] {strides = array<i32>} : memref<8x128xi32, #tpu.memory_space<vmem>>, vector<16xi32>,
      tpu.vector_store_idx %arg11[%get3A_449], %broadcast_in_dim3A_20 {add = true} : memref<10240xf32, #tpu.memory_space<vmem>>[vector<16xi32>], vector<16xf32>,
      %get3A_450 = arith.constant 2 : i32
      %get3A_451 = arith.index_cast %get3A_450 : i32 to index
      %get3A_452 = arith.constant 48 : index
      %get3A_453 = tpu.vector_load %arg9[%get3A_451, %get3A_452] {strides = array<i32>} : memref<8x128xi32, #tpu.memory_space<vmem>>, vector<16xi32>,
      tpu.vector_store_idx %arg11[%get3A_453], %broadcast_in_dim3A_20 {add = true} : memref<10240xf32, #tpu.memory_space<vmem>>[vector<16xi32>], vector<16xf32>,
      %get3A_454 = arith.constant 2 : i32
      %get3A_455 = arith.index_cast %get3A_454 : i32 to index
      %get3A_456 = arith.constant 64 : index
      %get3A_457 = tpu.vector_load %arg9[%get3A_455, %get3A_456] {strides = array<i32>} : memref<8x128xi32, #tpu.memory_space<vmem>>, vector<16xi32>,
      tpu.vector_store_idx %arg11[%get3A_457], %broadcast_in_dim3A_20 {add = true} : memref<10240xf32, #tpu.memory_space<vmem>>[vector<16xi32>], vector<16xf32>,
      %get3A_458 = arith.constant 2 : i32
      %get3A_459 = arith.index_cast %get3A_458 : i32 to index
      %get3A_460 = arith.constant 80 : index
      %get3A_461 = tpu.vector_load %arg9[%get3A_459, %get3A_460] {strides = array<i32>} : memref<8x128xi32, #tpu.memory_space<vmem>>, vector<16xi32>,
      tpu.vector_store_idx %arg11[%get3A_461], %broadcast_in_dim3A_20 {add = true} : memref<10240xf32, #tpu.memory_space<vmem>>[vector<16xi32>], vector<16xf32>,
      %get3A_462 = arith.constant 2 : i32
      %get3A_463 = arith.index_cast %get3A_462 : i32 to index
      %get3A_464 = arith.constant 96 : index
      %get3A_465 = tpu.vector_load %arg9[%get3A_463, %get3A_464] {strides = array<i32>} : memref<8x128xi32, #tpu.memory_space<vmem>>, vector<16xi32>,
      tpu.vector_store_idx %arg11[%get3A_465], %broadcast_in_dim3A_20 {add = true} : memref<10240xf32, #tpu.memory_space<vmem>>[vector<16xi32>], vector<16xf32>,
      %get3A_466 = arith.constant 2 : i32
      %get3A_467 = arith.index_cast %get3A_466 : i32 to index
      %get3A_468 = arith.constant 112 : index
      %get3A_469 = tpu.vector_load %arg9[%get3A_467, %get3A_468] {strides = array<i32>} : memref<8x128xi32, #tpu.memory_space<vmem>>, vector<16xi32>,
      tpu.vector_store_idx %arg11[%get3A_469], %broadcast_in_dim3A_20 {add = true} : memref<10240xf32, #tpu.memory_space<vmem>>[vector<16xi32>], vector<16xf32>,
      %dma_wait3A_470 = arith.constant 1 : i32
      %dma_wait3A_471 = arith.constant 1 : i32
      %dma_wait3A_472 = arith.constant 0 : i32
      %dma_wait3A_473 = arith.constant 0 : i32
      %dma_wait3A_474 = tpu.memref_slice %arg10[%dma_wait3A_470, %dma_wait3A_472, %dma_wait3A_473] : memref<2x128x128xf32, #tpu.memory_space<vmem>> -> memref<1x128x128xf32, #tpu.memory_space<vmem>>
      %dma_wait3A_475 = tpu.memref_squeeze %dma_wait3A_474 : memref<1x128x128xf32, #tpu.memory_space<vmem>> -> memref<128x128xf32, #tpu.memory_space<vmem>>
      %dma_wait3A_476 = arith.constant 0 : i32
      %dma_wait3A_477 = tpu.memref_slice %arg9[%dma_wait3A_471, %dma_wait3A_476] : memref<8x128xi32, #tpu.memory_space<vmem>> -> memref<1x128xi32, #tpu.memory_space<vmem>>
      %dma_wait3A_478 = tpu.memref_squeeze %dma_wait3A_477 : memref<1x128xi32, #tpu.memory_space<vmem>> -> memref<128xi32, #tpu.memory_space<vmem>>
      %dma_wait3A_479 = arith.constant 0 : i32
      %dma_wait3A_480 = arith.constant 0 : i32
      %dma_wait3A_481 = tpu.memref_slice %arg7[%dma_wait3A_479, %dma_wait3A_480] : memref<10240x128xf32, #tpu.memory_space<vmem_shared>> -> memref<10240x128xf32, #tpu.memory_space<vmem_shared>>
      tpu.wait_indirect_dma semaphore(%arg15 : memref<!tpu.dma_semaphore, #tpu.memory_space<semaphore_mem>>) src(%dma_wait3A_475 : memref<128x128xf32, #tpu.memory_space<vmem>>) dst(%dma_wait3A_481 : memref<10240x128xf32, #tpu.memory_space<vmem_shared>>)
      %dma_start3A_482 = arith.constant 12 : i32
      %dma_start3A_483 = arith.constant 1 : i32
      %dma_start3A_484 = arith.constant 0 : i32
      %dma_start3A_485 = arith.constant 0 : i32
      %dma_start3A_486 = tpu.memref_slice %arg10[%dma_start3A_483, %dma_start3A_484, %dma_start3A_485] : memref<2x128x128xf32, #tpu.memory_space<vmem>> -> memref<1x32x128xf32, #tpu.memory_space<vmem>>
      %dma_start3A_487 = tpu.memref_squeeze %dma_start3A_486 : memref<1x32x128xf32, #tpu.memory_space<vmem>> -> memref<32x128xf32, #tpu.memory_space<vmem>>
      %dma_start3A_488 = arith.constant 0 : i32
      %dma_start3A_489 = tpu.memref_slice %arg8[%dma_start3A_482, %dma_start3A_488] : memref<32x32xi32, #tpu.memory_space<vmem>> -> memref<1x32xi32, #tpu.memory_space<vmem>>
      %dma_start3A_490 = tpu.memref_squeeze %dma_start3A_489 : memref<1x32xi32, #tpu.memory_space<vmem>> -> memref<32xi32, #tpu.memory_space<vmem>>
      %dma_start3A_491 = arith.constant 0 : i32
      %dma_start3A_492 = arith.constant 0 : i32
      %dma_start3A_493 = tpu.memref_slice %arg2[%dma_start3A_491, %dma_start3A_492] : memref<20000x128xf32, #tpu.memory_space<hbm>> -> memref<20000x128xf32, #tpu.memory_space<hbm>>
      tpu.enqueue_indirect_dma source(%dma_start3A_493 : memref<20000x128xf32, #tpu.memory_space<hbm>>) target(%dma_start3A_487 : memref<32x128xf32, #tpu.memory_space<vmem>>) offsets(%dma_start3A_490 : memref<32xi32, #tpu.memory_space<vmem>>) semaphore(%arg13 : memref<!tpu.dma_semaphore, #tpu.memory_space<semaphore_mem>>)
      %dma_start3A_494 = arith.constant 13 : i32
      %dma_start3A_495 = arith.constant 1 : i32
      %dma_start3A_496 = arith.constant 32 : i32
      %dma_start3A_497 = arith.constant 0 : i32
      %dma_start3A_498 = tpu.memref_slice %arg10[%dma_start3A_495, %dma_start3A_496, %dma_start3A_497] : memref<2x128x128xf32, #tpu.memory_space<vmem>> -> memref<1x32x128xf32, #tpu.memory_space<vmem>>
      %dma_start3A_499 = tpu.memref_squeeze %dma_start3A_498 : memref<1x32x128xf32, #tpu.memory_space<vmem>> -> memref<32x128xf32, #tpu.memory_space<vmem>>
      %dma_start3A_500 = arith.constant 0 : i32
      %dma_start3A_501 = tpu.memref_slice %arg8[%dma_start3A_494, %dma_start3A_500] : memref<32x32xi32, #tpu.memory_space<vmem>> -> memref<1x32xi32, #tpu.memory_space<vmem>>
      %dma_start3A_502 = tpu.memref_squeeze %dma_start3A_501 : memref<1x32xi32, #tpu.memory_space<vmem>> -> memref<32xi32, #tpu.memory_space<vmem>>
      %dma_start3A_503 = arith.constant 0 : i32
      %dma_start3A_504 = arith.constant 0 : i32
      %dma_start3A_505 = tpu.memref_slice %arg2[%dma_start3A_503, %dma_start3A_504] : memref<20000x128xf32, #tpu.memory_space<hbm>> -> memref<20000x128xf32, #tpu.memory_space<hbm>>
      tpu.enqueue_indirect_dma source(%dma_start3A_505 : memref<20000x128xf32, #tpu.memory_space<hbm>>) target(%dma_start3A_499 : memref<32x128xf32, #tpu.memory_space<vmem>>) offsets(%dma_start3A_502 : memref<32xi32, #tpu.memory_space<vmem>>) semaphore(%arg13 : memref<!tpu.dma_semaphore, #tpu.memory_space<semaphore_mem>>)
      %dma_start3A_506 = arith.constant 14 : i32
      %dma_start3A_507 = arith.constant 1 : i32
      %dma_start3A_508 = arith.constant 64 : i32
      %dma_start3A_509 = arith.constant 0 : i32
      %dma_start3A_510 = tpu.memref_slice %arg10[%dma_start3A_507, %dma_start3A_508, %dma_start3A_509] : memref<2x128x128xf32, #tpu.memory_space<vmem>> -> memref<1x32x128xf32, #tpu.memory_space<vmem>>
      %dma_start3A_511 = tpu.memref_squeeze %dma_start3A_510 : memref<1x32x128xf32, #tpu.memory_space<vmem>> -> memref<32x128xf32, #tpu.memory_space<vmem>>
      %dma_start3A_512 = arith.constant 0 : i32
      %dma_start3A_513 = tpu.memref_slice %arg8[%dma_start3A_506, %dma_start3A_512] : memref<32x32xi32, #tpu.memory_space<vmem>> -> memref<1x32xi32, #tpu.memory_space<vmem>>
      %dma_start3A_514 = tpu.memref_squeeze %dma_start3A_513 : memref<1x32xi32, #tpu.memory_space<vmem>> -> memref<32xi32, #tpu.memory_space<vmem>>
      %dma_start3A_515 = arith.constant 0 : i32
      %dma_start3A_516 = arith.constant 0 : i32
      %dma_start3A_517 = tpu.memref_slice %arg2[%dma_start3A_515, %dma_start3A_516] : memref<20000x128xf32, #tpu.memory_space<hbm>> -> memref<20000x128xf32, #tpu.memory_space<hbm>>
      tpu.enqueue_indirect_dma source(%dma_start3A_517 : memref<20000x128xf32, #tpu.memory_space<hbm>>) target(%dma_start3A_511 : memref<32x128xf32, #tpu.memory_space<vmem>>) offsets(%dma_start3A_514 : memref<32xi32, #tpu.memory_space<vmem>>) semaphore(%arg13 : memref<!tpu.dma_semaphore, #tpu.memory_space<semaphore_mem>>)
      %dma_start3A_518 = arith.constant 15 : i32
      %dma_start3A_519 = arith.constant 1 : i32
      %dma_start3A_520 = arith.constant 96 : i32
      %dma_start3A_521 = arith.constant 0 : i32
      %dma_start3A_522 = tpu.memref_slice %arg10[%dma_start3A_519, %dma_start3A_520, %dma_start3A_521] : memref<2x128x128xf32, #tpu.memory_space<vmem>> -> memref<1x32x128xf32, #tpu.memory_space<vmem>>
      %dma_start3A_523 = tpu.memref_squeeze %dma_start3A_522 : memref<1x32x128xf32, #tpu.memory_space<vmem>> -> memref<32x128xf32, #tpu.memory_space<vmem>>
      %dma_start3A_524 = arith.constant 0 : i32
      %dma_start3A_525 = tpu.memref_slice %arg8[%dma_start3A_518, %dma_start3A_524] : memref<32x32xi32, #tpu.memory_space<vmem>> -> memref<1x32xi32, #tpu.memory_space<vmem>>
      %dma_start3A_526 = tpu.memref_squeeze %dma_start3A_525 : memref<1x32xi32, #tpu.memory_space<vmem>> -> memref<32xi32, #tpu.memory_space<vmem>>
      %dma_start3A_527 = arith.constant 0 : i32
      %dma_start3A_528 = arith.constant 0 : i32
      %dma_start3A_529 = tpu.memref_slice %arg2[%dma_start3A_527, %dma_start3A_528] : memref<20000x128xf32, #tpu.memory_space<hbm>> -> memref<20000x128xf32, #tpu.memory_space<hbm>>
      tpu.enqueue_indirect_dma source(%dma_start3A_529 : memref<20000x128xf32, #tpu.memory_space<hbm>>) target(%dma_start3A_523 : memref<32x128xf32, #tpu.memory_space<vmem>>) offsets(%dma_start3A_526 : memref<32xi32, #tpu.memory_space<vmem>>) semaphore(%arg13 : memref<!tpu.dma_semaphore, #tpu.memory_space<semaphore_mem>>)
      %dma_wait3A_530 = arith.constant 12 : i32
      %dma_wait3A_531 = arith.constant 1 : i32
      %dma_wait3A_532 = arith.constant 0 : i32
      %dma_wait3A_533 = arith.constant 0 : i32
      %dma_wait3A_534 = tpu.memref_slice %arg10[%dma_wait3A_531, %dma_wait3A_532, %dma_wait3A_533] : memref<2x128x128xf32, #tpu.memory_space<vmem>> -> memref<1x32x128xf32, #tpu.memory_space<vmem>>
      %dma_wait3A_535 = tpu.memref_squeeze %dma_wait3A_534 : memref<1x32x128xf32, #tpu.memory_space<vmem>> -> memref<32x128xf32, #tpu.memory_space<vmem>>
      %dma_wait3A_536 = arith.constant 0 : i32
      %dma_wait3A_537 = tpu.memref_slice %arg8[%dma_wait3A_530, %dma_wait3A_536] : memref<32x32xi32, #tpu.memory_space<vmem>> -> memref<1x32xi32, #tpu.memory_space<vmem>>
      %dma_wait3A_538 = tpu.memref_squeeze %dma_wait3A_537 : memref<1x32xi32, #tpu.memory_space<vmem>> -> memref<32xi32, #tpu.memory_space<vmem>>
      %dma_wait3A_539 = arith.constant 0 : i32
      %dma_wait3A_540 = arith.constant 0 : i32
      %dma_wait3A_541 = tpu.memref_slice %arg2[%dma_wait3A_539, %dma_wait3A_540] : memref<20000x128xf32, #tpu.memory_space<hbm>> -> memref<20000x128xf32, #tpu.memory_space<hbm>>
      tpu.wait_indirect_dma semaphore(%arg13 : memref<!tpu.dma_semaphore, #tpu.memory_space<semaphore_mem>>) src(%dma_wait3A_541 : memref<20000x128xf32, #tpu.memory_space<hbm>>) dst(%dma_wait3A_535 : memref<32x128xf32, #tpu.memory_space<vmem>>)
      %dma_wait3A_542 = arith.constant 13 : i32
      %dma_wait3A_543 = arith.constant 1 : i32
      %dma_wait3A_544 = arith.constant 32 : i32
      %dma_wait3A_545 = arith.constant 0 : i32
      %dma_wait3A_546 = tpu.memref_slice %arg10[%dma_wait3A_543, %dma_wait3A_544, %dma_wait3A_545] : memref<2x128x128xf32, #tpu.memory_space<vmem>> -> memref<1x32x128xf32, #tpu.memory_space<vmem>>
      %dma_wait3A_547 = tpu.memref_squeeze %dma_wait3A_546 : memref<1x32x128xf32, #tpu.memory_space<vmem>> -> memref<32x128xf32, #tpu.memory_space<vmem>>
      %dma_wait3A_548 = arith.constant 0 : i32
      %dma_wait3A_549 = tpu.memref_slice %arg8[%dma_wait3A_542, %dma_wait3A_548] : memref<32x32xi32, #tpu.memory_space<vmem>> -> memref<1x32xi32, #tpu.memory_space<vmem>>
      %dma_wait3A_550 = tpu.memref_squeeze %dma_wait3A_549 : memref<1x32xi32, #tpu.memory_space<vmem>> -> memref<32xi32, #tpu.memory_space<vmem>>
      %dma_wait3A_551 = arith.constant 0 : i32
      %dma_wait3A_552 = arith.constant 0 : i32
      %dma_wait3A_553 = tpu.memref_slice %arg2[%dma_wait3A_551, %dma_wait3A_552] : memref<20000x128xf32, #tpu.memory_space<hbm>> -> memref<20000x128xf32, #tpu.memory_space<hbm>>
      tpu.wait_indirect_dma semaphore(%arg13 : memref<!tpu.dma_semaphore, #tpu.memory_space<semaphore_mem>>) src(%dma_wait3A_553 : memref<20000x128xf32, #tpu.memory_space<hbm>>) dst(%dma_wait3A_547 : memref<32x128xf32, #tpu.memory_space<vmem>>)
      %dma_wait3A_554 = arith.constant 14 : i32
      %dma_wait3A_555 = arith.constant 1 : i32
      %dma_wait3A_556 = arith.constant 64 : i32
      %dma_wait3A_557 = arith.constant 0 : i32
      %dma_wait3A_558 = tpu.memref_slice %arg10[%dma_wait3A_555, %dma_wait3A_556, %dma_wait3A_557] : memref<2x128x128xf32, #tpu.memory_space<vmem>> -> memref<1x32x128xf32, #tpu.memory_space<vmem>>
      %dma_wait3A_559 = tpu.memref_squeeze %dma_wait3A_558 : memref<1x32x128xf32, #tpu.memory_space<vmem>> -> memref<32x128xf32, #tpu.memory_space<vmem>>
      %dma_wait3A_560 = arith.constant 0 : i32
      %dma_wait3A_561 = tpu.memref_slice %arg8[%dma_wait3A_554, %dma_wait3A_560] : memref<32x32xi32, #tpu.memory_space<vmem>> -> memref<1x32xi32, #tpu.memory_space<vmem>>
      %dma_wait3A_562 = tpu.memref_squeeze %dma_wait3A_561 : memref<1x32xi32, #tpu.memory_space<vmem>> -> memref<32xi32, #tpu.memory_space<vmem>>
      %dma_wait3A_563 = arith.constant 0 : i32
      %dma_wait3A_564 = arith.constant 0 : i32
      %dma_wait3A_565 = tpu.memref_slice %arg2[%dma_wait3A_563, %dma_wait3A_564] : memref<20000x128xf32, #tpu.memory_space<hbm>> -> memref<20000x128xf32, #tpu.memory_space<hbm>>
      tpu.wait_indirect_dma semaphore(%arg13 : memref<!tpu.dma_semaphore, #tpu.memory_space<semaphore_mem>>) src(%dma_wait3A_565 : memref<20000x128xf32, #tpu.memory_space<hbm>>) dst(%dma_wait3A_559 : memref<32x128xf32, #tpu.memory_space<vmem>>)
      %dma_wait3A_566 = arith.constant 15 : i32
      %dma_wait3A_567 = arith.constant 1 : i32
      %dma_wait3A_568 = arith.constant 96 : i32
      %dma_wait3A_569 = arith.constant 0 : i32
      %dma_wait3A_570 = tpu.memref_slice %arg10[%dma_wait3A_567, %dma_wait3A_568, %dma_wait3A_569] : memref<2x128x128xf32, #tpu.memory_space<vmem>> -> memref<1x32x128xf32, #tpu.memory_space<vmem>>
      %dma_wait3A_571 = tpu.memref_squeeze %dma_wait3A_570 : memref<1x32x128xf32, #tpu.memory_space<vmem>> -> memref<32x128xf32, #tpu.memory_space<vmem>>
      %dma_wait3A_572 = arith.constant 0 : i32
      %dma_wait3A_573 = tpu.memref_slice %arg8[%dma_wait3A_566, %dma_wait3A_572] : memref<32x32xi32, #tpu.memory_space<vmem>> -> memref<1x32xi32, #tpu.memory_space<vmem>>
      %dma_wait3A_574 = tpu.memref_squeeze %dma_wait3A_573 : memref<1x32xi32, #tpu.memory_space<vmem>> -> memref<32xi32, #tpu.memory_space<vmem>>
      %dma_wait3A_575 = arith.constant 0 : i32
      %dma_wait3A_576 = arith.constant 0 : i32
      %dma_wait3A_577 = tpu.memref_slice %arg2[%dma_wait3A_575, %dma_wait3A_576] : memref<20000x128xf32, #tpu.memory_space<hbm>> -> memref<20000x128xf32, #tpu.memory_space<hbm>>
      tpu.wait_indirect_dma semaphore(%arg13 : memref<!tpu.dma_semaphore, #tpu.memory_space<semaphore_mem>>) src(%dma_wait3A_577 : memref<20000x128xf32, #tpu.memory_space<hbm>>) dst(%dma_wait3A_571 : memref<32x128xf32, #tpu.memory_space<vmem>>)
      %dma_start3A_578 = arith.constant 1 : i32
      %dma_start3A_579 = arith.constant 3 : i32
      %dma_start3A_580 = arith.constant 0 : i32
      %dma_start3A_581 = arith.constant 0 : i32
      %dma_start3A_582 = tpu.memref_slice %arg10[%dma_start3A_578, %dma_start3A_580, %dma_start3A_581] : memref<2x128x128xf32, #tpu.memory_space<vmem>> -> memref<1x128x128xf32, #tpu.memory_space<vmem>>
      %dma_start3A_583 = tpu.memref_squeeze %dma_start3A_582 : memref<1x128x128xf32, #tpu.memory_space<vmem>> -> memref<128x128xf32, #tpu.memory_space<vmem>>
      %dma_start3A_584 = arith.constant 0 : i32
      %dma_start3A_585 = tpu.memref_slice %arg9[%dma_start3A_579, %dma_start3A_584] : memref<8x128xi32, #tpu.memory_space<vmem>> -> memref<1x128xi32, #tpu.memory_space<vmem>>
      %dma_start3A_586 = tpu.memref_squeeze %dma_start3A_585 : memref<1x128xi32, #tpu.memory_space<vmem>> -> memref<128xi32, #tpu.memory_space<vmem>>
      %dma_start3A_587 = arith.constant 0 : i32
      %dma_start3A_588 = arith.constant 0 : i32
      %dma_start3A_589 = tpu.memref_slice %arg7[%dma_start3A_587, %dma_start3A_588] : memref<10240x128xf32, #tpu.memory_space<vmem_shared>> -> memref<10240x128xf32, #tpu.memory_space<vmem_shared>>
      tpu.enqueue_indirect_dma source(%dma_start3A_583 : memref<128x128xf32, #tpu.memory_space<vmem>>) target(%dma_start3A_589 : memref<10240x128xf32, #tpu.memory_space<vmem_shared>>) offsets(%dma_start3A_586 : memref<128xi32, #tpu.memory_space<vmem>>) semaphore(%arg15 : memref<!tpu.dma_semaphore, #tpu.memory_space<semaphore_mem>>) {add = true}
      %get3A_590 = arith.constant 3 : i32
      %get3A_591 = arith.index_cast %get3A_590 : i32 to index
      %get3A_592 = arith.constant 0 : index
      %get3A_593 = tpu.vector_load %arg9[%get3A_591, %get3A_592] {strides = array<i32>} : memref<8x128xi32, #tpu.memory_space<vmem>>, vector<16xi32>,
      tpu.vector_store_idx %arg11[%get3A_593], %broadcast_in_dim3A_20 {add = true} : memref<10240xf32, #tpu.memory_space<vmem>>[vector<16xi32>], vector<16xf32>,
      %get3A_594 = arith.constant 3 : i32
      %get3A_595 = arith.index_cast %get3A_594 : i32 to index
      %get3A_596 = arith.constant 16 : index
      %get3A_597 = tpu.vector_load %arg9[%get3A_595, %get3A_596] {strides = array<i32>} : memref<8x128xi32, #tpu.memory_space<vmem>>, vector<16xi32>,
      tpu.vector_store_idx %arg11[%get3A_597], %broadcast_in_dim3A_20 {add = true} : memref<10240xf32, #tpu.memory_space<vmem>>[vector<16xi32>], vector<16xf32>,
      %get3A_598 = arith.constant 3 : i32
      %get3A_599 = arith.index_cast %get3A_598 : i32 to index
      %get3A_600 = arith.constant 32 : index
      %get3A_601 = tpu.vector_load %arg9[%get3A_599, %get3A_600] {strides = array<i32>} : memref<8x128xi32, #tpu.memory_space<vmem>>, vector<16xi32>,
      tpu.vector_store_idx %arg11[%get3A_601], %broadcast_in_dim3A_20 {add = true} : memref<10240xf32, #tpu.memory_space<vmem>>[vector<16xi32>], vector<16xf32>,
      %get3A_602 = arith.constant 3 : i32
      %get3A_603 = arith.index_cast %get3A_602 : i32 to index
      %get3A_604 = arith.constant 48 : index
      %get3A_605 = tpu.vector_load %arg9[%get3A_603, %get3A_604] {strides = array<i32>} : memref<8x128xi32, #tpu.memory_space<vmem>>, vector<16xi32>,
      tpu.vector_store_idx %arg11[%get3A_605], %broadcast_in_dim3A_20 {add = true} : memref<10240xf32, #tpu.memory_space<vmem>>[vector<16xi32>], vector<16xf32>,
      %get3A_606 = arith.constant 3 : i32
      %get3A_607 = arith.index_cast %get3A_606 : i32 to index
      %get3A_608 = arith.constant 64 : index
      %get3A_609 = tpu.vector_load %arg9[%get3A_607, %get3A_608] {strides = array<i32>} : memref<8x128xi32, #tpu.memory_space<vmem>>, vector<16xi32>,
      tpu.vector_store_idx %arg11[%get3A_609], %broadcast_in_dim3A_20 {add = true} : memref<10240xf32, #tpu.memory_space<vmem>>[vector<16xi32>], vector<16xf32>,
      %get3A_610 = arith.constant 3 : i32
      %get3A_611 = arith.index_cast %get3A_610 : i32 to index
      %get3A_612 = arith.constant 80 : index
      %get3A_613 = tpu.vector_load %arg9[%get3A_611, %get3A_612] {strides = array<i32>} : memref<8x128xi32, #tpu.memory_space<vmem>>, vector<16xi32>,
      tpu.vector_store_idx %arg11[%get3A_613], %broadcast_in_dim3A_20 {add = true} : memref<10240xf32, #tpu.memory_space<vmem>>[vector<16xi32>], vector<16xf32>,
      %get3A_614 = arith.constant 3 : i32
      %get3A_615 = arith.index_cast %get3A_614 : i32 to index
      %get3A_616 = arith.constant 96 : index
      %get3A_617 = tpu.vector_load %arg9[%get3A_615, %get3A_616] {strides = array<i32>} : memref<8x128xi32, #tpu.memory_space<vmem>>, vector<16xi32>,
      tpu.vector_store_idx %arg11[%get3A_617], %broadcast_in_dim3A_20 {add = true} : memref<10240xf32, #tpu.memory_space<vmem>>[vector<16xi32>], vector<16xf32>,
      %get3A_618 = arith.constant 3 : i32
      %get3A_619 = arith.index_cast %get3A_618 : i32 to index
      %get3A_620 = arith.constant 112 : index
      %get3A_621 = tpu.vector_load %arg9[%get3A_619, %get3A_620] {strides = array<i32>} : memref<8x128xi32, #tpu.memory_space<vmem>>, vector<16xi32>,
      tpu.vector_store_idx %arg11[%get3A_621], %broadcast_in_dim3A_20 {add = true} : memref<10240xf32, #tpu.memory_space<vmem>>[vector<16xi32>], vector<16xf32>,
      %dma_wait3A_622 = arith.constant 0 : i32
      %dma_wait3A_623 = arith.constant 2 : i32
      %dma_wait3A_624 = arith.constant 0 : i32
      %dma_wait3A_625 = arith.constant 0 : i32
      %dma_wait3A_626 = tpu.memref_slice %arg10[%dma_wait3A_622, %dma_wait3A_624, %dma_wait3A_625] : memref<2x128x128xf32, #tpu.memory_space<vmem>> -> memref<1x128x128xf32, #tpu.memory_space<vmem>>
      %dma_wait3A_627 = tpu.memref_squeeze %dma_wait3A_626 : memref<1x128x128xf32, #tpu.memory_space<vmem>> -> memref<128x128xf32, #tpu.memory_space<vmem>>
      %dma_wait3A_628 = arith.constant 0 : i32
      %dma_wait3A_629 = tpu.memref_slice %arg9[%dma_wait3A_623, %dma_wait3A_628] : memref<8x128xi32, #tpu.memory_space<vmem>> -> memref<1x128xi32, #tpu.memory_space<vmem>>
      %dma_wait3A_630 = tpu.memref_squeeze %dma_wait3A_629 : memref<1x128xi32, #tpu.memory_space<vmem>> -> memref<128xi32, #tpu.memory_space<vmem>>
      %dma_wait3A_631 = arith.constant 0 : i32
      %dma_wait3A_632 = arith.constant 0 : i32
      %dma_wait3A_633 = tpu.memref_slice %arg7[%dma_wait3A_631, %dma_wait3A_632] : memref<10240x128xf32, #tpu.memory_space<vmem_shared>> -> memref<10240x128xf32, #tpu.memory_space<vmem_shared>>
      tpu.wait_indirect_dma semaphore(%arg14 : memref<!tpu.dma_semaphore, #tpu.memory_space<semaphore_mem>>) src(%dma_wait3A_627 : memref<128x128xf32, #tpu.memory_space<vmem>>) dst(%dma_wait3A_633 : memref<10240x128xf32, #tpu.memory_space<vmem_shared>>)
      %dma_start3A_634 = arith.constant 16 : i32
      %dma_start3A_635 = arith.constant 0 : i32
      %dma_start3A_636 = arith.constant 0 : i32
      %dma_start3A_637 = arith.constant 0 : i32
      %dma_start3A_638 = tpu.memref_slice %arg10[%dma_start3A_635, %dma_start3A_636, %dma_start3A_637] : memref<2x128x128xf32, #tpu.memory_space<vmem>> -> memref<1x32x128xf32, #tpu.memory_space<vmem>>
      %dma_start3A_639 = tpu.memref_squeeze %dma_start3A_638 : memref<1x32x128xf32, #tpu.memory_space<vmem>> -> memref<32x128xf32, #tpu.memory_space<vmem>>
      %dma_start3A_640 = arith.constant 0 : i32
      %dma_start3A_641 = tpu.memref_slice %arg8[%dma_start3A_634, %dma_start3A_640] : memref<32x32xi32, #tpu.memory_space<vmem>> -> memref<1x32xi32, #tpu.memory_space<vmem>>
      %dma_start3A_642 = tpu.memref_squeeze %dma_start3A_641 : memref<1x32xi32, #tpu.memory_space<vmem>> -> memref<32xi32, #tpu.memory_space<vmem>>
      %dma_start3A_643 = arith.constant 0 : i32
      %dma_start3A_644 = arith.constant 0 : i32
      %dma_start3A_645 = tpu.memref_slice %arg2[%dma_start3A_643, %dma_start3A_644] : memref<20000x128xf32, #tpu.memory_space<hbm>> -> memref<20000x128xf32, #tpu.memory_space<hbm>>
      tpu.enqueue_indirect_dma source(%dma_start3A_645 : memref<20000x128xf32, #tpu.memory_space<hbm>>) target(%dma_start3A_639 : memref<32x128xf32, #tpu.memory_space<vmem>>) offsets(%dma_start3A_642 : memref<32xi32, #tpu.memory_space<vmem>>) semaphore(%arg12 : memref<!tpu.dma_semaphore, #tpu.memory_space<semaphore_mem>>)
      %dma_start3A_646 = arith.constant 17 : i32
      %dma_start3A_647 = arith.constant 0 : i32
      %dma_start3A_648 = arith.constant 32 : i32
      %dma_start3A_649 = arith.constant 0 : i32
      %dma_start3A_650 = tpu.memref_slice %arg10[%dma_start3A_647, %dma_start3A_648, %dma_start3A_649] : memref<2x128x128xf32, #tpu.memory_space<vmem>> -> memref<1x32x128xf32, #tpu.memory_space<vmem>>
      %dma_start3A_651 = tpu.memref_squeeze %dma_start3A_650 : memref<1x32x128xf32, #tpu.memory_space<vmem>> -> memref<32x128xf32, #tpu.memory_space<vmem>>
      %dma_start3A_652 = arith.constant 0 : i32
      %dma_start3A_653 = tpu.memref_slice %arg8[%dma_start3A_646, %dma_start3A_652] : memref<32x32xi32, #tpu.memory_space<vmem>> -> memref<1x32xi32, #tpu.memory_space<vmem>>
      %dma_start3A_654 = tpu.memref_squeeze %dma_start3A_653 : memref<1x32xi32, #tpu.memory_space<vmem>> -> memref<32xi32, #tpu.memory_space<vmem>>
      %dma_start3A_655 = arith.constant 0 : i32
      %dma_start3A_656 = arith.constant 0 : i32
      %dma_start3A_657 = tpu.memref_slice %arg2[%dma_start3A_655, %dma_start3A_656] : memref<20000x128xf32, #tpu.memory_space<hbm>> -> memref<20000x128xf32, #tpu.memory_space<hbm>>
      tpu.enqueue_indirect_dma source(%dma_start3A_657 : memref<20000x128xf32, #tpu.memory_space<hbm>>) target(%dma_start3A_651 : memref<32x128xf32, #tpu.memory_space<vmem>>) offsets(%dma_start3A_654 : memref<32xi32, #tpu.memory_space<vmem>>) semaphore(%arg12 : memref<!tpu.dma_semaphore, #tpu.memory_space<semaphore_mem>>)
      %dma_start3A_658 = arith.constant 18 : i32
      %dma_start3A_659 = arith.constant 0 : i32
      %dma_start3A_660 = arith.constant 64 : i32
      %dma_start3A_661 = arith.constant 0 : i32
      %dma_start3A_662 = tpu.memref_slice %arg10[%dma_start3A_659, %dma_start3A_660, %dma_start3A_661] : memref<2x128x128xf32, #tpu.memory_space<vmem>> -> memref<1x32x128xf32, #tpu.memory_space<vmem>>
      %dma_start3A_663 = tpu.memref_squeeze %dma_start3A_662 : memref<1x32x128xf32, #tpu.memory_space<vmem>> -> memref<32x128xf32, #tpu.memory_space<vmem>>
      %dma_start3A_664 = arith.constant 0 : i32
      %dma_start3A_665 = tpu.memref_slice %arg8[%dma_start3A_658, %dma_start3A_664] : memref<32x32xi32, #tpu.memory_space<vmem>> -> memref<1x32xi32, #tpu.memory_space<vmem>>
      %dma_start3A_666 = tpu.memref_squeeze %dma_start3A_665 : memref<1x32xi32, #tpu.memory_space<vmem>> -> memref<32xi32, #tpu.memory_space<vmem>>
      %dma_start3A_667 = arith.constant 0 : i32
      %dma_start3A_668 = arith.constant 0 : i32
      %dma_start3A_669 = tpu.memref_slice %arg2[%dma_start3A_667, %dma_start3A_668] : memref<20000x128xf32, #tpu.memory_space<hbm>> -> memref<20000x128xf32, #tpu.memory_space<hbm>>
      tpu.enqueue_indirect_dma source(%dma_start3A_669 : memref<20000x128xf32, #tpu.memory_space<hbm>>) target(%dma_start3A_663 : memref<32x128xf32, #tpu.memory_space<vmem>>) offsets(%dma_start3A_666 : memref<32xi32, #tpu.memory_space<vmem>>) semaphore(%arg12 : memref<!tpu.dma_semaphore, #tpu.memory_space<semaphore_mem>>)
      %dma_start3A_670 = arith.constant 19 : i32
      %dma_start3A_671 = arith.constant 0 : i32
      %dma_start3A_672 = arith.constant 96 : i32
      %dma_start3A_673 = arith.constant 0 : i32
      %dma_start3A_674 = tpu.memref_slice %arg10[%dma_start3A_671, %dma_start3A_672, %dma_start3A_673] : memref<2x128x128xf32, #tpu.memory_space<vmem>> -> memref<1x32x128xf32, #tpu.memory_space<vmem>>
      %dma_start3A_675 = tpu.memref_squeeze %dma_start3A_674 : memref<1x32x128xf32, #tpu.memory_space<vmem>> -> memref<32x128xf32, #tpu.memory_space<vmem>>
      %dma_start3A_676 = arith.constant 0 : i32
      %dma_start3A_677 = tpu.memref_slice %arg8[%dma_start3A_670, %dma_start3A_676] : memref<32x32xi32, #tpu.memory_space<vmem>> -> memref<1x32xi32, #tpu.memory_space<vmem>>
      %dma_start3A_678 = tpu.memref_squeeze %dma_start3A_677 : memref<1x32xi32, #tpu.memory_space<vmem>> -> memref<32xi32, #tpu.memory_space<vmem>>
      %dma_start3A_679 = arith.constant 0 : i32
      %dma_start3A_680 = arith.constant 0 : i32
      %dma_start3A_681 = tpu.memref_slice %arg2[%dma_start3A_679, %dma_start3A_680] : memref<20000x128xf32, #tpu.memory_space<hbm>> -> memref<20000x128xf32, #tpu.memory_space<hbm>>
      tpu.enqueue_indirect_dma source(%dma_start3A_681 : memref<20000x128xf32, #tpu.memory_space<hbm>>) target(%dma_start3A_675 : memref<32x128xf32, #tpu.memory_space<vmem>>) offsets(%dma_start3A_678 : memref<32xi32, #tpu.memory_space<vmem>>) semaphore(%arg12 : memref<!tpu.dma_semaphore, #tpu.memory_space<semaphore_mem>>)
      %dma_wait3A_682 = arith.constant 16 : i32
      %dma_wait3A_683 = arith.constant 0 : i32
      %dma_wait3A_684 = arith.constant 0 : i32
      %dma_wait3A_685 = arith.constant 0 : i32
      %dma_wait3A_686 = tpu.memref_slice %arg10[%dma_wait3A_683, %dma_wait3A_684, %dma_wait3A_685] : memref<2x128x128xf32, #tpu.memory_space<vmem>> -> memref<1x32x128xf32, #tpu.memory_space<vmem>>
      %dma_wait3A_687 = tpu.memref_squeeze %dma_wait3A_686 : memref<1x32x128xf32, #tpu.memory_space<vmem>> -> memref<32x128xf32, #tpu.memory_space<vmem>>
      %dma_wait3A_688 = arith.constant 0 : i32
      %dma_wait3A_689 = tpu.memref_slice %arg8[%dma_wait3A_682, %dma_wait3A_688] : memref<32x32xi32, #tpu.memory_space<vmem>> -> memref<1x32xi32, #tpu.memory_space<vmem>>
      %dma_wait3A_690 = tpu.memref_squeeze %dma_wait3A_689 : memref<1x32xi32, #tpu.memory_space<vmem>> -> memref<32xi32, #tpu.memory_space<vmem>>
      %dma_wait3A_691 = arith.constant 0 : i32
      %dma_wait3A_692 = arith.constant 0 : i32
      %dma_wait3A_693 = tpu.memref_slice %arg2[%dma_wait3A_691, %dma_wait3A_692] : memref<20000x128xf32, #tpu.memory_space<hbm>> -> memref<20000x128xf32, #tpu.memory_space<hbm>>
      tpu.wait_indirect_dma semaphore(%arg12 : memref<!tpu.dma_semaphore, #tpu.memory_space<semaphore_mem>>) src(%dma_wait3A_693 : memref<20000x128xf32, #tpu.memory_space<hbm>>) dst(%dma_wait3A_687 : memref<32x128xf32, #tpu.memory_space<vmem>>)
      %dma_wait3A_694 = arith.constant 17 : i32
      %dma_wait3A_695 = arith.constant 0 : i32
      %dma_wait3A_696 = arith.constant 32 : i32
      %dma_wait3A_697 = arith.constant 0 : i32
      %dma_wait3A_698 = tpu.memref_slice %arg10[%dma_wait3A_695, %dma_wait3A_696, %dma_wait3A_697] : memref<2x128x128xf32, #tpu.memory_space<vmem>> -> memref<1x32x128xf32, #tpu.memory_space<vmem>>
      %dma_wait3A_699 = tpu.memref_squeeze %dma_wait3A_698 : memref<1x32x128xf32, #tpu.memory_space<vmem>> -> memref<32x128xf32, #tpu.memory_space<vmem>>
      %dma_wait3A_700 = arith.constant 0 : i32
      %dma_wait3A_701 = tpu.memref_slice %arg8[%dma_wait3A_694, %dma_wait3A_700] : memref<32x32xi32, #tpu.memory_space<vmem>> -> memref<1x32xi32, #tpu.memory_space<vmem>>
      %dma_wait3A_702 = tpu.memref_squeeze %dma_wait3A_701 : memref<1x32xi32, #tpu.memory_space<vmem>> -> memref<32xi32, #tpu.memory_space<vmem>>
      %dma_wait3A_703 = arith.constant 0 : i32
      %dma_wait3A_704 = arith.constant 0 : i32
      %dma_wait3A_705 = tpu.memref_slice %arg2[%dma_wait3A_703, %dma_wait3A_704] : memref<20000x128xf32, #tpu.memory_space<hbm>> -> memref<20000x128xf32, #tpu.memory_space<hbm>>
      tpu.wait_indirect_dma semaphore(%arg12 : memref<!tpu.dma_semaphore, #tpu.memory_space<semaphore_mem>>) src(%dma_wait3A_705 : memref<20000x128xf32, #tpu.memory_space<hbm>>) dst(%dma_wait3A_699 : memref<32x128xf32, #tpu.memory_space<vmem>>)
      %dma_wait3A_706 = arith.constant 18 : i32
      %dma_wait3A_707 = arith.constant 0 : i32
      %dma_wait3A_708 = arith.constant 64 : i32
      %dma_wait3A_709 = arith.constant 0 : i32
      %dma_wait3A_710 = tpu.memref_slice %arg10[%dma_wait3A_707, %dma_wait3A_708, %dma_wait3A_709] : memref<2x128x128xf32, #tpu.memory_space<vmem>> -> memref<1x32x128xf32, #tpu.memory_space<vmem>>
      %dma_wait3A_711 = tpu.memref_squeeze %dma_wait3A_710 : memref<1x32x128xf32, #tpu.memory_space<vmem>> -> memref<32x128xf32, #tpu.memory_space<vmem>>
      %dma_wait3A_712 = arith.constant 0 : i32
      %dma_wait3A_713 = tpu.memref_slice %arg8[%dma_wait3A_706, %dma_wait3A_712] : memref<32x32xi32, #tpu.memory_space<vmem>> -> memref<1x32xi32, #tpu.memory_space<vmem>>
      %dma_wait3A_714 = tpu.memref_squeeze %dma_wait3A_713 : memref<1x32xi32, #tpu.memory_space<vmem>> -> memref<32xi32, #tpu.memory_space<vmem>>
      %dma_wait3A_715 = arith.constant 0 : i32
      %dma_wait3A_716 = arith.constant 0 : i32
      %dma_wait3A_717 = tpu.memref_slice %arg2[%dma_wait3A_715, %dma_wait3A_716] : memref<20000x128xf32, #tpu.memory_space<hbm>> -> memref<20000x128xf32, #tpu.memory_space<hbm>>
      tpu.wait_indirect_dma semaphore(%arg12 : memref<!tpu.dma_semaphore, #tpu.memory_space<semaphore_mem>>) src(%dma_wait3A_717 : memref<20000x128xf32, #tpu.memory_space<hbm>>) dst(%dma_wait3A_711 : memref<32x128xf32, #tpu.memory_space<vmem>>)
      %dma_wait3A_718 = arith.constant 19 : i32
      %dma_wait3A_719 = arith.constant 0 : i32
      %dma_wait3A_720 = arith.constant 96 : i32
      %dma_wait3A_721 = arith.constant 0 : i32
      %dma_wait3A_722 = tpu.memref_slice %arg10[%dma_wait3A_719, %dma_wait3A_720, %dma_wait3A_721] : memref<2x128x128xf32, #tpu.memory_space<vmem>> -> memref<1x32x128xf32, #tpu.memory_space<vmem>>
      %dma_wait3A_723 = tpu.memref_squeeze %dma_wait3A_722 : memref<1x32x128xf32, #tpu.memory_space<vmem>> -> memref<32x128xf32, #tpu.memory_space<vmem>>
      %dma_wait3A_724 = arith.constant 0 : i32
      %dma_wait3A_725 = tpu.memref_slice %arg8[%dma_wait3A_718, %dma_wait3A_724] : memref<32x32xi32, #tpu.memory_space<vmem>> -> memref<1x32xi32, #tpu.memory_space<vmem>>
      %dma_wait3A_726 = tpu.memref_squeeze %dma_wait3A_725 : memref<1x32xi32, #tpu.memory_space<vmem>> -> memref<32xi32, #tpu.memory_space<vmem>>
      %dma_wait3A_727 = arith.constant 0 : i32
      %dma_wait3A_728 = arith.constant 0 : i32
      %dma_wait3A_729 = tpu.memref_slice %arg2[%dma_wait3A_727, %dma_wait3A_728] : memref<20000x128xf32, #tpu.memory_space<hbm>> -> memref<20000x128xf32, #tpu.memory_space<hbm>>
      tpu.wait_indirect_dma semaphore(%arg12 : memref<!tpu.dma_semaphore, #tpu.memory_space<semaphore_mem>>) src(%dma_wait3A_729 : memref<20000x128xf32, #tpu.memory_space<hbm>>) dst(%dma_wait3A_723 : memref<32x128xf32, #tpu.memory_space<vmem>>)
      %dma_start3A_730 = arith.constant 0 : i32
      %dma_start3A_731 = arith.constant 4 : i32
      %dma_start3A_732 = arith.constant 0 : i32
      %dma_start3A_733 = arith.constant 0 : i32
      %dma_start3A_734 = tpu.memref_slice %arg10[%dma_start3A_730, %dma_start3A_732, %dma_start3A_733] : memref<2x128x128xf32, #tpu.memory_space<vmem>> -> memref<1x128x128xf32, #tpu.memory_space<vmem>>
      %dma_start3A_735 = tpu.memref_squeeze %dma_start3A_734 : memref<1x128x128xf32, #tpu.memory_space<vmem>> -> memref<128x128xf32, #tpu.memory_space<vmem>>
      %dma_start3A_736 = arith.constant 0 : i32
      %dma_start3A_737 = tpu.memref_slice %arg9[%dma_start3A_731, %dma_start3A_736] : memref<8x128xi32, #tpu.memory_space<vmem>> -> memref<1x128xi32, #tpu.memory_space<vmem>>
      %dma_start3A_738 = tpu.memref_squeeze %dma_start3A_737 : memref<1x128xi32, #tpu.memory_space<vmem>> -> memref<128xi32, #tpu.memory_space<vmem>>
      %dma_start3A_739 = arith.constant 0 : i32
      %dma_start3A_740 = arith.constant 0 : i32
      %dma_start3A_741 = tpu.memref_slice %arg7[%dma_start3A_739, %dma_start3A_740] : memref<10240x128xf32, #tpu.memory_space<vmem_shared>> -> memref<10240x128xf32, #tpu.memory_space<vmem_shared>>
      tpu.enqueue_indirect_dma source(%dma_start3A_735 : memref<128x128xf32, #tpu.memory_space<vmem>>) target(%dma_start3A_741 : memref<10240x128xf32, #tpu.memory_space<vmem_shared>>) offsets(%dma_start3A_738 : memref<128xi32, #tpu.memory_space<vmem>>) semaphore(%arg14 : memref<!tpu.dma_semaphore, #tpu.memory_space<semaphore_mem>>) {add = true}
      %get3A_742 = arith.constant 4 : i32
      %get3A_743 = arith.index_cast %get3A_742 : i32 to index
      %get3A_744 = arith.constant 0 : index
      %get3A_745 = tpu.vector_load %arg9[%get3A_743, %get3A_744] {strides = array<i32>} : memref<8x128xi32, #tpu.memory_space<vmem>>, vector<16xi32>,
      tpu.vector_store_idx %arg11[%get3A_745], %broadcast_in_dim3A_20 {add = true} : memref<10240xf32, #tpu.memory_space<vmem>>[vector<16xi32>], vector<16xf32>,
      %get3A_746 = arith.constant 4 : i32
      %get3A_747 = arith.index_cast %get3A_746 : i32 to index
      %get3A_748 = arith.constant 16 : index
      %get3A_749 = tpu.vector_load %arg9[%get3A_747, %get3A_748] {strides = array<i32>} : memref<8x128xi32, #tpu.memory_space<vmem>>, vector<16xi32>,
      tpu.vector_store_idx %arg11[%get3A_749], %broadcast_in_dim3A_20 {add = true} : memref<10240xf32, #tpu.memory_space<vmem>>[vector<16xi32>], vector<16xf32>,
      %get3A_750 = arith.constant 4 : i32
      %get3A_751 = arith.index_cast %get3A_750 : i32 to index
      %get3A_752 = arith.constant 32 : index
      %get3A_753 = tpu.vector_load %arg9[%get3A_751, %get3A_752] {strides = array<i32>} : memref<8x128xi32, #tpu.memory_space<vmem>>, vector<16xi32>,
      tpu.vector_store_idx %arg11[%get3A_753], %broadcast_in_dim3A_20 {add = true} : memref<10240xf32, #tpu.memory_space<vmem>>[vector<16xi32>], vector<16xf32>,
      %get3A_754 = arith.constant 4 : i32
      %get3A_755 = arith.index_cast %get3A_754 : i32 to index
      %get3A_756 = arith.constant 48 : index
      %get3A_757 = tpu.vector_load %arg9[%get3A_755, %get3A_756] {strides = array<i32>} : memref<8x128xi32, #tpu.memory_space<vmem>>, vector<16xi32>,
      tpu.vector_store_idx %arg11[%get3A_757], %broadcast_in_dim3A_20 {add = true} : memref<10240xf32, #tpu.memory_space<vmem>>[vector<16xi32>], vector<16xf32>,
      %get3A_758 = arith.constant 4 : i32
      %get3A_759 = arith.index_cast %get3A_758 : i32 to index
      %get3A_760 = arith.constant 64 : index
      %get3A_761 = tpu.vector_load %arg9[%get3A_759, %get3A_760] {strides = array<i32>} : memref<8x128xi32, #tpu.memory_space<vmem>>, vector<16xi32>,
      tpu.vector_store_idx %arg11[%get3A_761], %broadcast_in_dim3A_20 {add = true} : memref<10240xf32, #tpu.memory_space<vmem>>[vector<16xi32>], vector<16xf32>,
      %get3A_762 = arith.constant 4 : i32
      %get3A_763 = arith.index_cast %get3A_762 : i32 to index
      %get3A_764 = arith.constant 80 : index
      %get3A_765 = tpu.vector_load %arg9[%get3A_763, %get3A_764] {strides = array<i32>} : memref<8x128xi32, #tpu.memory_space<vmem>>, vector<16xi32>,
      tpu.vector_store_idx %arg11[%get3A_765], %broadcast_in_dim3A_20 {add = true} : memref<10240xf32, #tpu.memory_space<vmem>>[vector<16xi32>], vector<16xf32>,
      %get3A_766 = arith.constant 4 : i32
      %get3A_767 = arith.index_cast %get3A_766 : i32 to index
      %get3A_768 = arith.constant 96 : index
      %get3A_769 = tpu.vector_load %arg9[%get3A_767, %get3A_768] {strides = array<i32>} : memref<8x128xi32, #tpu.memory_space<vmem>>, vector<16xi32>,
      tpu.vector_store_idx %arg11[%get3A_769], %broadcast_in_dim3A_20 {add = true} : memref<10240xf32, #tpu.memory_space<vmem>>[vector<16xi32>], vector<16xf32>,
      %get3A_770 = arith.constant 4 : i32
      %get3A_771 = arith.index_cast %get3A_770 : i32 to index
      %get3A_772 = arith.constant 112 : index
      %get3A_773 = tpu.vector_load %arg9[%get3A_771, %get3A_772] {strides = array<i32>} : memref<8x128xi32, #tpu.memory_space<vmem>>, vector<16xi32>,
      tpu.vector_store_idx %arg11[%get3A_773], %broadcast_in_dim3A_20 {add = true} : memref<10240xf32, #tpu.memory_space<vmem>>[vector<16xi32>], vector<16xf32>,
      %dma_wait3A_774 = arith.constant 1 : i32
      %dma_wait3A_775 = arith.constant 3 : i32
      %dma_wait3A_776 = arith.constant 0 : i32
      %dma_wait3A_777 = arith.constant 0 : i32
      %dma_wait3A_778 = tpu.memref_slice %arg10[%dma_wait3A_774, %dma_wait3A_776, %dma_wait3A_777] : memref<2x128x128xf32, #tpu.memory_space<vmem>> -> memref<1x128x128xf32, #tpu.memory_space<vmem>>
      %dma_wait3A_779 = tpu.memref_squeeze %dma_wait3A_778 : memref<1x128x128xf32, #tpu.memory_space<vmem>> -> memref<128x128xf32, #tpu.memory_space<vmem>>
      %dma_wait3A_780 = arith.constant 0 : i32
      %dma_wait3A_781 = tpu.memref_slice %arg9[%dma_wait3A_775, %dma_wait3A_780] : memref<8x128xi32, #tpu.memory_space<vmem>> -> memref<1x128xi32, #tpu.memory_space<vmem>>
      %dma_wait3A_782 = tpu.memref_squeeze %dma_wait3A_781 : memref<1x128xi32, #tpu.memory_space<vmem>> -> memref<128xi32, #tpu.memory_space<vmem>>
      %dma_wait3A_783 = arith.constant 0 : i32
      %dma_wait3A_784 = arith.constant 0 : i32
      %dma_wait3A_785 = tpu.memref_slice %arg7[%dma_wait3A_783, %dma_wait3A_784] : memref<10240x128xf32, #tpu.memory_space<vmem_shared>> -> memref<10240x128xf32, #tpu.memory_space<vmem_shared>>
      tpu.wait_indirect_dma semaphore(%arg15 : memref<!tpu.dma_semaphore, #tpu.memory_space<semaphore_mem>>) src(%dma_wait3A_779 : memref<128x128xf32, #tpu.memory_space<vmem>>) dst(%dma_wait3A_785 : memref<10240x128xf32, #tpu.memory_space<vmem_shared>>)
      %dma_start3A_786 = arith.constant 20 : i32
      %dma_start3A_787 = arith.constant 1 : i32
      %dma_start3A_788 = arith.constant 0 : i32
      %dma_start3A_789 = arith.constant 0 : i32
      %dma_start3A_790 = tpu.memref_slice %arg10[%dma_start3A_787, %dma_start3A_788, %dma_start3A_789] : memref<2x128x128xf32, #tpu.memory_space<vmem>> -> memref<1x32x128xf32, #tpu.memory_space<vmem>>
      %dma_start3A_791 = tpu.memref_squeeze %dma_start3A_790 : memref<1x32x128xf32, #tpu.memory_space<vmem>> -> memref<32x128xf32, #tpu.memory_space<vmem>>
      %dma_start3A_792 = arith.constant 0 : i32
      %dma_start3A_793 = tpu.memref_slice %arg8[%dma_start3A_786, %dma_start3A_792] : memref<32x32xi32, #tpu.memory_space<vmem>> -> memref<1x32xi32, #tpu.memory_space<vmem>>
      %dma_start3A_794 = tpu.memref_squeeze %dma_start3A_793 : memref<1x32xi32, #tpu.memory_space<vmem>> -> memref<32xi32, #tpu.memory_space<vmem>>
      %dma_start3A_795 = arith.constant 0 : i32
      %dma_start3A_796 = arith.constant 0 : i32
      %dma_start3A_797 = tpu.memref_slice %arg2[%dma_start3A_795, %dma_start3A_796] : memref<20000x128xf32, #tpu.memory_space<hbm>> -> memref<20000x128xf32, #tpu.memory_space<hbm>>
      tpu.enqueue_indirect_dma source(%dma_start3A_797 : memref<20000x128xf32, #tpu.memory_space<hbm>>) target(%dma_start3A_791 : memref<32x128xf32, #tpu.memory_space<vmem>>) offsets(%dma_start3A_794 : memref<32xi32, #tpu.memory_space<vmem>>) semaphore(%arg13 : memref<!tpu.dma_semaphore, #tpu.memory_space<semaphore_mem>>)
      %dma_start3A_798 = arith.constant 21 : i32
      %dma_start3A_799 = arith.constant 1 : i32
      %dma_start3A_800 = arith.constant 32 : i32
      %dma_start3A_801 = arith.constant 0 : i32
      %dma_start3A_802 = tpu.memref_slice %arg10[%dma_start3A_799, %dma_start3A_800, %dma_start3A_801] : memref<2x128x128xf32, #tpu.memory_space<vmem>> -> memref<1x32x128xf32, #tpu.memory_space<vmem>>
      %dma_start3A_803 = tpu.memref_squeeze %dma_start3A_802 : memref<1x32x128xf32, #tpu.memory_space<vmem>> -> memref<32x128xf32, #tpu.memory_space<vmem>>
      %dma_start3A_804 = arith.constant 0 : i32
      %dma_start3A_805 = tpu.memref_slice %arg8[%dma_start3A_798, %dma_start3A_804] : memref<32x32xi32, #tpu.memory_space<vmem>> -> memref<1x32xi32, #tpu.memory_space<vmem>>
      %dma_start3A_806 = tpu.memref_squeeze %dma_start3A_805 : memref<1x32xi32, #tpu.memory_space<vmem>> -> memref<32xi32, #tpu.memory_space<vmem>>
      %dma_start3A_807 = arith.constant 0 : i32
      %dma_start3A_808 = arith.constant 0 : i32
      %dma_start3A_809 = tpu.memref_slice %arg2[%dma_start3A_807, %dma_start3A_808] : memref<20000x128xf32, #tpu.memory_space<hbm>> -> memref<20000x128xf32, #tpu.memory_space<hbm>>
      tpu.enqueue_indirect_dma source(%dma_start3A_809 : memref<20000x128xf32, #tpu.memory_space<hbm>>) target(%dma_start3A_803 : memref<32x128xf32, #tpu.memory_space<vmem>>) offsets(%dma_start3A_806 : memref<32xi32, #tpu.memory_space<vmem>>) semaphore(%arg13 : memref<!tpu.dma_semaphore, #tpu.memory_space<semaphore_mem>>)
      %dma_start3A_810 = arith.constant 22 : i32
      %dma_start3A_811 = arith.constant 1 : i32
      %dma_start3A_812 = arith.constant 64 : i32
      %dma_start3A_813 = arith.constant 0 : i32
      %dma_start3A_814 = tpu.memref_slice %arg10[%dma_start3A_811, %dma_start3A_812, %dma_start3A_813] : memref<2x128x128xf32, #tpu.memory_space<vmem>> -> memref<1x32x128xf32, #tpu.memory_space<vmem>>
      %dma_start3A_815 = tpu.memref_squeeze %dma_start3A_814 : memref<1x32x128xf32, #tpu.memory_space<vmem>> -> memref<32x128xf32, #tpu.memory_space<vmem>>
      %dma_start3A_816 = arith.constant 0 : i32
      %dma_start3A_817 = tpu.memref_slice %arg8[%dma_start3A_810, %dma_start3A_816] : memref<32x32xi32, #tpu.memory_space<vmem>> -> memref<1x32xi32, #tpu.memory_space<vmem>>
      %dma_start3A_818 = tpu.memref_squeeze %dma_start3A_817 : memref<1x32xi32, #tpu.memory_space<vmem>> -> memref<32xi32, #tpu.memory_space<vmem>>
      %dma_start3A_819 = arith.constant 0 : i32
      %dma_start3A_820 = arith.constant 0 : i32
      %dma_start3A_821 = tpu.memref_slice %arg2[%dma_start3A_819, %dma_start3A_820] : memref<20000x128xf32, #tpu.memory_space<hbm>> -> memref<20000x128xf32, #tpu.memory_space<hbm>>
      tpu.enqueue_indirect_dma source(%dma_start3A_821 : memref<20000x128xf32, #tpu.memory_space<hbm>>) target(%dma_start3A_815 : memref<32x128xf32, #tpu.memory_space<vmem>>) offsets(%dma_start3A_818 : memref<32xi32, #tpu.memory_space<vmem>>) semaphore(%arg13 : memref<!tpu.dma_semaphore, #tpu.memory_space<semaphore_mem>>)
      %dma_start3A_822 = arith.constant 23 : i32
      %dma_start3A_823 = arith.constant 1 : i32
      %dma_start3A_824 = arith.constant 96 : i32
      %dma_start3A_825 = arith.constant 0 : i32
      %dma_start3A_826 = tpu.memref_slice %arg10[%dma_start3A_823, %dma_start3A_824, %dma_start3A_825] : memref<2x128x128xf32, #tpu.memory_space<vmem>> -> memref<1x32x128xf32, #tpu.memory_space<vmem>>
      %dma_start3A_827 = tpu.memref_squeeze %dma_start3A_826 : memref<1x32x128xf32, #tpu.memory_space<vmem>> -> memref<32x128xf32, #tpu.memory_space<vmem>>
      %dma_start3A_828 = arith.constant 0 : i32
      %dma_start3A_829 = tpu.memref_slice %arg8[%dma_start3A_822, %dma_start3A_828] : memref<32x32xi32, #tpu.memory_space<vmem>> -> memref<1x32xi32, #tpu.memory_space<vmem>>
      %dma_start3A_830 = tpu.memref_squeeze %dma_start3A_829 : memref<1x32xi32, #tpu.memory_space<vmem>> -> memref<32xi32, #tpu.memory_space<vmem>>
      %dma_start3A_831 = arith.constant 0 : i32
      %dma_start3A_832 = arith.constant 0 : i32
      %dma_start3A_833 = tpu.memref_slice %arg2[%dma_start3A_831, %dma_start3A_832] : memref<20000x128xf32, #tpu.memory_space<hbm>> -> memref<20000x128xf32, #tpu.memory_space<hbm>>
      tpu.enqueue_indirect_dma source(%dma_start3A_833 : memref<20000x128xf32, #tpu.memory_space<hbm>>) target(%dma_start3A_827 : memref<32x128xf32, #tpu.memory_space<vmem>>) offsets(%dma_start3A_830 : memref<32xi32, #tpu.memory_space<vmem>>) semaphore(%arg13 : memref<!tpu.dma_semaphore, #tpu.memory_space<semaphore_mem>>)
      %dma_wait3A_834 = arith.constant 20 : i32
      %dma_wait3A_835 = arith.constant 1 : i32
      %dma_wait3A_836 = arith.constant 0 : i32
      %dma_wait3A_837 = arith.constant 0 : i32
      %dma_wait3A_838 = tpu.memref_slice %arg10[%dma_wait3A_835, %dma_wait3A_836, %dma_wait3A_837] : memref<2x128x128xf32, #tpu.memory_space<vmem>> -> memref<1x32x128xf32, #tpu.memory_space<vmem>>
      %dma_wait3A_839 = tpu.memref_squeeze %dma_wait3A_838 : memref<1x32x128xf32, #tpu.memory_space<vmem>> -> memref<32x128xf32, #tpu.memory_space<vmem>>
      %dma_wait3A_840 = arith.constant 0 : i32
      %dma_wait3A_841 = tpu.memref_slice %arg8[%dma_wait3A_834, %dma_wait3A_840] : memref<32x32xi32, #tpu.memory_space<vmem>> -> memref<1x32xi32, #tpu.memory_space<vmem>>
      %dma_wait3A_842 = tpu.memref_squeeze %dma_wait3A_841 : memref<1x32xi32, #tpu.memory_space<vmem>> -> memref<32xi32, #tpu.memory_space<vmem>>
      %dma_wait3A_843 = arith.constant 0 : i32
      %dma_wait3A_844 = arith.constant 0 : i32
      %dma_wait3A_845 = tpu.memref_slice %arg2[%dma_wait3A_843, %dma_wait3A_844] : memref<20000x128xf32, #tpu.memory_space<hbm>> -> memref<20000x128xf32, #tpu.memory_space<hbm>>
      tpu.wait_indirect_dma semaphore(%arg13 : memref<!tpu.dma_semaphore, #tpu.memory_space<semaphore_mem>>) src(%dma_wait3A_845 : memref<20000x128xf32, #tpu.memory_space<hbm>>) dst(%dma_wait3A_839 : memref<32x128xf32, #tpu.memory_space<vmem>>)
      %dma_wait3A_846 = arith.constant 21 : i32
      %dma_wait3A_847 = arith.constant 1 : i32
      %dma_wait3A_848 = arith.constant 32 : i32
      %dma_wait3A_849 = arith.constant 0 : i32
      %dma_wait3A_850 = tpu.memref_slice %arg10[%dma_wait3A_847, %dma_wait3A_848, %dma_wait3A_849] : memref<2x128x128xf32, #tpu.memory_space<vmem>> -> memref<1x32x128xf32, #tpu.memory_space<vmem>>
      %dma_wait3A_851 = tpu.memref_squeeze %dma_wait3A_850 : memref<1x32x128xf32, #tpu.memory_space<vmem>> -> memref<32x128xf32, #tpu.memory_space<vmem>>
      %dma_wait3A_852 = arith.constant 0 : i32
      %dma_wait3A_853 = tpu.memref_slice %arg8[%dma_wait3A_846, %dma_wait3A_852] : memref<32x32xi32, #tpu.memory_space<vmem>> -> memref<1x32xi32, #tpu.memory_space<vmem>>
      %dma_wait3A_854 = tpu.memref_squeeze %dma_wait3A_853 : memref<1x32xi32, #tpu.memory_space<vmem>> -> memref<32xi32, #tpu.memory_space<vmem>>
      %dma_wait3A_855 = arith.constant 0 : i32
      %dma_wait3A_856 = arith.constant 0 : i32
      %dma_wait3A_857 = tpu.memref_slice %arg2[%dma_wait3A_855, %dma_wait3A_856] : memref<20000x128xf32, #tpu.memory_space<hbm>> -> memref<20000x128xf32, #tpu.memory_space<hbm>>
      tpu.wait_indirect_dma semaphore(%arg13 : memref<!tpu.dma_semaphore, #tpu.memory_space<semaphore_mem>>) src(%dma_wait3A_857 : memref<20000x128xf32, #tpu.memory_space<hbm>>) dst(%dma_wait3A_851 : memref<32x128xf32, #tpu.memory_space<vmem>>)
      %dma_wait3A_858 = arith.constant 22 : i32
      %dma_wait3A_859 = arith.constant 1 : i32
      %dma_wait3A_860 = arith.constant 64 : i32
      %dma_wait3A_861 = arith.constant 0 : i32
      %dma_wait3A_862 = tpu.memref_slice %arg10[%dma_wait3A_859, %dma_wait3A_860, %dma_wait3A_861] : memref<2x128x128xf32, #tpu.memory_space<vmem>> -> memref<1x32x128xf32, #tpu.memory_space<vmem>>
      %dma_wait3A_863 = tpu.memref_squeeze %dma_wait3A_862 : memref<1x32x128xf32, #tpu.memory_space<vmem>> -> memref<32x128xf32, #tpu.memory_space<vmem>>
      %dma_wait3A_864 = arith.constant 0 : i32
      %dma_wait3A_865 = tpu.memref_slice %arg8[%dma_wait3A_858, %dma_wait3A_864] : memref<32x32xi32, #tpu.memory_space<vmem>> -> memref<1x32xi32, #tpu.memory_space<vmem>>
      %dma_wait3A_866 = tpu.memref_squeeze %dma_wait3A_865 : memref<1x32xi32, #tpu.memory_space<vmem>> -> memref<32xi32, #tpu.memory_space<vmem>>
      %dma_wait3A_867 = arith.constant 0 : i32
      %dma_wait3A_868 = arith.constant 0 : i32
      %dma_wait3A_869 = tpu.memref_slice %arg2[%dma_wait3A_867, %dma_wait3A_868] : memref<20000x128xf32, #tpu.memory_space<hbm>> -> memref<20000x128xf32, #tpu.memory_space<hbm>>
      tpu.wait_indirect_dma semaphore(%arg13 : memref<!tpu.dma_semaphore, #tpu.memory_space<semaphore_mem>>) src(%dma_wait3A_869 : memref<20000x128xf32, #tpu.memory_space<hbm>>) dst(%dma_wait3A_863 : memref<32x128xf32, #tpu.memory_space<vmem>>)
      %dma_wait3A_870 = arith.constant 23 : i32
      %dma_wait3A_871 = arith.constant 1 : i32
      %dma_wait3A_872 = arith.constant 96 : i32
      %dma_wait3A_873 = arith.constant 0 : i32
      %dma_wait3A_874 = tpu.memref_slice %arg10[%dma_wait3A_871, %dma_wait3A_872, %dma_wait3A_873] : memref<2x128x128xf32, #tpu.memory_space<vmem>> -> memref<1x32x128xf32, #tpu.memory_space<vmem>>
      %dma_wait3A_875 = tpu.memref_squeeze %dma_wait3A_874 : memref<1x32x128xf32, #tpu.memory_space<vmem>> -> memref<32x128xf32, #tpu.memory_space<vmem>>
      %dma_wait3A_876 = arith.constant 0 : i32
      %dma_wait3A_877 = tpu.memref_slice %arg8[%dma_wait3A_870, %dma_wait3A_876] : memref<32x32xi32, #tpu.memory_space<vmem>> -> memref<1x32xi32, #tpu.memory_space<vmem>>
      %dma_wait3A_878 = tpu.memref_squeeze %dma_wait3A_877 : memref<1x32xi32, #tpu.memory_space<vmem>> -> memref<32xi32, #tpu.memory_space<vmem>>
      %dma_wait3A_879 = arith.constant 0 : i32
      %dma_wait3A_880 = arith.constant 0 : i32
      %dma_wait3A_881 = tpu.memref_slice %arg2[%dma_wait3A_879, %dma_wait3A_880] : memref<20000x128xf32, #tpu.memory_space<hbm>> -> memref<20000x128xf32, #tpu.memory_space<hbm>>
      tpu.wait_indirect_dma semaphore(%arg13 : memref<!tpu.dma_semaphore, #tpu.memory_space<semaphore_mem>>) src(%dma_wait3A_881 : memref<20000x128xf32, #tpu.memory_space<hbm>>) dst(%dma_wait3A_875 : memref<32x128xf32, #tpu.memory_space<vmem>>)
      %dma_start3A_882 = arith.constant 1 : i32
      %dma_start3A_883 = arith.constant 5 : i32
      %dma_start3A_884 = arith.constant 0 : i32
      %dma_start3A_885 = arith.constant 0 : i32
      %dma_start3A_886 = tpu.memref_slice %arg10[%dma_start3A_882, %dma_start3A_884, %dma_start3A_885] : memref<2x128x128xf32, #tpu.memory_space<vmem>> -> memref<1x128x128xf32, #tpu.memory_space<vmem>>
      %dma_start3A_887 = tpu.memref_squeeze %dma_start3A_886 : memref<1x128x128xf32, #tpu.memory_space<vmem>> -> memref<128x128xf32, #tpu.memory_space<vmem>>
      %dma_start3A_888 = arith.constant 0 : i32
      %dma_start3A_889 = tpu.memref_slice %arg9[%dma_start3A_883, %dma_start3A_888] : memref<8x128xi32, #tpu.memory_space<vmem>> -> memref<1x128xi32, #tpu.memory_space<vmem>>
      %dma_start3A_890 = tpu.memref_squeeze %dma_start3A_889 : memref<1x128xi32, #tpu.memory_space<vmem>> -> memref<128xi32, #tpu.memory_space<vmem>>
      %dma_start3A_891 = arith.constant 0 : i32
      %dma_start3A_892 = arith.constant 0 : i32
      %dma_start3A_893 = tpu.memref_slice %arg7[%dma_start3A_891, %dma_start3A_892] : memref<10240x128xf32, #tpu.memory_space<vmem_shared>> -> memref<10240x128xf32, #tpu.memory_space<vmem_shared>>
      tpu.enqueue_indirect_dma source(%dma_start3A_887 : memref<128x128xf32, #tpu.memory_space<vmem>>) target(%dma_start3A_893 : memref<10240x128xf32, #tpu.memory_space<vmem_shared>>) offsets(%dma_start3A_890 : memref<128xi32, #tpu.memory_space<vmem>>) semaphore(%arg15 : memref<!tpu.dma_semaphore, #tpu.memory_space<semaphore_mem>>) {add = true}
      %get3A_894 = arith.constant 5 : i32
      %get3A_895 = arith.index_cast %get3A_894 : i32 to index
      %get3A_896 = arith.constant 0 : index
      %get3A_897 = tpu.vector_load %arg9[%get3A_895, %get3A_896] {strides = array<i32>} : memref<8x128xi32, #tpu.memory_space<vmem>>, vector<16xi32>,
      tpu.vector_store_idx %arg11[%get3A_897], %broadcast_in_dim3A_20 {add = true} : memref<10240xf32, #tpu.memory_space<vmem>>[vector<16xi32>], vector<16xf32>,
      %get3A_898 = arith.constant 5 : i32
      %get3A_899 = arith.index_cast %get3A_898 : i32 to index
      %get3A_900 = arith.constant 16 : index
      %get3A_901 = tpu.vector_load %arg9[%get3A_899, %get3A_900] {strides = array<i32>} : memref<8x128xi32, #tpu.memory_space<vmem>>, vector<16xi32>,
      tpu.vector_store_idx %arg11[%get3A_901], %broadcast_in_dim3A_20 {add = true} : memref<10240xf32, #tpu.memory_space<vmem>>[vector<16xi32>], vector<16xf32>,
      %get3A_902 = arith.constant 5 : i32
      %get3A_903 = arith.index_cast %get3A_902 : i32 to index
      %get3A_904 = arith.constant 32 : index
      %get3A_905 = tpu.vector_load %arg9[%get3A_903, %get3A_904] {strides = array<i32>} : memref<8x128xi32, #tpu.memory_space<vmem>>, vector<16xi32>,
      tpu.vector_store_idx %arg11[%get3A_905], %broadcast_in_dim3A_20 {add = true} : memref<10240xf32, #tpu.memory_space<vmem>>[vector<16xi32>], vector<16xf32>,
      %get3A_906 = arith.constant 5 : i32
      %get3A_907 = arith.index_cast %get3A_906 : i32 to index
      %get3A_908 = arith.constant 48 : index
      %get3A_909 = tpu.vector_load %arg9[%get3A_907, %get3A_908] {strides = array<i32>} : memref<8x128xi32, #tpu.memory_space<vmem>>, vector<16xi32>,
      tpu.vector_store_idx %arg11[%get3A_909], %broadcast_in_dim3A_20 {add = true} : memref<10240xf32, #tpu.memory_space<vmem>>[vector<16xi32>], vector<16xf32>,
      %get3A_910 = arith.constant 5 : i32
      %get3A_911 = arith.index_cast %get3A_910 : i32 to index
      %get3A_912 = arith.constant 64 : index
      %get3A_913 = tpu.vector_load %arg9[%get3A_911, %get3A_912] {strides = array<i32>} : memref<8x128xi32, #tpu.memory_space<vmem>>, vector<16xi32>,
      tpu.vector_store_idx %arg11[%get3A_913], %broadcast_in_dim3A_20 {add = true} : memref<10240xf32, #tpu.memory_space<vmem>>[vector<16xi32>], vector<16xf32>,
      %get3A_914 = arith.constant 5 : i32
      %get3A_915 = arith.index_cast %get3A_914 : i32 to index
      %get3A_916 = arith.constant 80 : index
      %get3A_917 = tpu.vector_load %arg9[%get3A_915, %get3A_916] {strides = array<i32>} : memref<8x128xi32, #tpu.memory_space<vmem>>, vector<16xi32>,
      tpu.vector_store_idx %arg11[%get3A_917], %broadcast_in_dim3A_20 {add = true} : memref<10240xf32, #tpu.memory_space<vmem>>[vector<16xi32>], vector<16xf32>,
      %get3A_918 = arith.constant 5 : i32
      %get3A_919 = arith.index_cast %get3A_918 : i32 to index
      %get3A_920 = arith.constant 96 : index
      %get3A_921 = tpu.vector_load %arg9[%get3A_919, %get3A_920] {strides = array<i32>} : memref<8x128xi32, #tpu.memory_space<vmem>>, vector<16xi32>,
      tpu.vector_store_idx %arg11[%get3A_921], %broadcast_in_dim3A_20 {add = true} : memref<10240xf32, #tpu.memory_space<vmem>>[vector<16xi32>], vector<16xf32>,
      %get3A_922 = arith.constant 5 : i32
      %get3A_923 = arith.index_cast %get3A_922 : i32 to index
      %get3A_924 = arith.constant 112 : index
      %get3A_925 = tpu.vector_load %arg9[%get3A_923, %get3A_924] {strides = array<i32>} : memref<8x128xi32, #tpu.memory_space<vmem>>, vector<16xi32>,
      tpu.vector_store_idx %arg11[%get3A_925], %broadcast_in_dim3A_20 {add = true} : memref<10240xf32, #tpu.memory_space<vmem>>[vector<16xi32>], vector<16xf32>,
      %dma_wait3A_926 = arith.constant 0 : i32
      %dma_wait3A_927 = arith.constant 4 : i32
      %dma_wait3A_928 = arith.constant 0 : i32
      %dma_wait3A_929 = arith.constant 0 : i32
      %dma_wait3A_930 = tpu.memref_slice %arg10[%dma_wait3A_926, %dma_wait3A_928, %dma_wait3A_929] : memref<2x128x128xf32, #tpu.memory_space<vmem>> -> memref<1x128x128xf32, #tpu.memory_space<vmem>>
      %dma_wait3A_931 = tpu.memref_squeeze %dma_wait3A_930 : memref<1x128x128xf32, #tpu.memory_space<vmem>> -> memref<128x128xf32, #tpu.memory_space<vmem>>
      %dma_wait3A_932 = arith.constant 0 : i32
      %dma_wait3A_933 = tpu.memref_slice %arg9[%dma_wait3A_927, %dma_wait3A_932] : memref<8x128xi32, #tpu.memory_space<vmem>> -> memref<1x128xi32, #tpu.memory_space<vmem>>
      %dma_wait3A_934 = tpu.memref_squeeze %dma_wait3A_933 : memref<1x128xi32, #tpu.memory_space<vmem>> -> memref<128xi32, #tpu.memory_space<vmem>>
      %dma_wait3A_935 = arith.constant 0 : i32
      %dma_wait3A_936 = arith.constant 0 : i32
      %dma_wait3A_937 = tpu.memref_slice %arg7[%dma_wait3A_935, %dma_wait3A_936] : memref<10240x128xf32, #tpu.memory_space<vmem_shared>> -> memref<10240x128xf32, #tpu.memory_space<vmem_shared>>
      tpu.wait_indirect_dma semaphore(%arg14 : memref<!tpu.dma_semaphore, #tpu.memory_space<semaphore_mem>>) src(%dma_wait3A_931 : memref<128x128xf32, #tpu.memory_space<vmem>>) dst(%dma_wait3A_937 : memref<10240x128xf32, #tpu.memory_space<vmem_shared>>)
      %dma_start3A_938 = arith.constant 24 : i32
      %dma_start3A_939 = arith.constant 0 : i32
      %dma_start3A_940 = arith.constant 0 : i32
      %dma_start3A_941 = arith.constant 0 : i32
      %dma_start3A_942 = tpu.memref_slice %arg10[%dma_start3A_939, %dma_start3A_940, %dma_start3A_941] : memref<2x128x128xf32, #tpu.memory_space<vmem>> -> memref<1x32x128xf32, #tpu.memory_space<vmem>>
      %dma_start3A_943 = tpu.memref_squeeze %dma_start3A_942 : memref<1x32x128xf32, #tpu.memory_space<vmem>> -> memref<32x128xf32, #tpu.memory_space<vmem>>
      %dma_start3A_944 = arith.constant 0 : i32
      %dma_start3A_945 = tpu.memref_slice %arg8[%dma_start3A_938, %dma_start3A_944] : memref<32x32xi32, #tpu.memory_space<vmem>> -> memref<1x32xi32, #tpu.memory_space<vmem>>
      %dma_start3A_946 = tpu.memref_squeeze %dma_start3A_945 : memref<1x32xi32, #tpu.memory_space<vmem>> -> memref<32xi32, #tpu.memory_space<vmem>>
      %dma_start3A_947 = arith.constant 0 : i32
      %dma_start3A_948 = arith.constant 0 : i32
      %dma_start3A_949 = tpu.memref_slice %arg2[%dma_start3A_947, %dma_start3A_948] : memref<20000x128xf32, #tpu.memory_space<hbm>> -> memref<20000x128xf32, #tpu.memory_space<hbm>>
      tpu.enqueue_indirect_dma source(%dma_start3A_949 : memref<20000x128xf32, #tpu.memory_space<hbm>>) target(%dma_start3A_943 : memref<32x128xf32, #tpu.memory_space<vmem>>) offsets(%dma_start3A_946 : memref<32xi32, #tpu.memory_space<vmem>>) semaphore(%arg12 : memref<!tpu.dma_semaphore, #tpu.memory_space<semaphore_mem>>)
      %dma_start3A_950 = arith.constant 25 : i32
      %dma_start3A_951 = arith.constant 0 : i32
      %dma_start3A_952 = arith.constant 32 : i32
      %dma_start3A_953 = arith.constant 0 : i32
      %dma_start3A_954 = tpu.memref_slice %arg10[%dma_start3A_951, %dma_start3A_952, %dma_start3A_953] : memref<2x128x128xf32, #tpu.memory_space<vmem>> -> memref<1x32x128xf32, #tpu.memory_space<vmem>>
      %dma_start3A_955 = tpu.memref_squeeze %dma_start3A_954 : memref<1x32x128xf32, #tpu.memory_space<vmem>> -> memref<32x128xf32, #tpu.memory_space<vmem>>
      %dma_start3A_956 = arith.constant 0 : i32
      %dma_start3A_957 = tpu.memref_slice %arg8[%dma_start3A_950, %dma_start3A_956] : memref<32x32xi32, #tpu.memory_space<vmem>> -> memref<1x32xi32, #tpu.memory_space<vmem>>
      %dma_start3A_958 = tpu.memref_squeeze %dma_start3A_957 : memref<1x32xi32, #tpu.memory_space<vmem>> -> memref<32xi32, #tpu.memory_space<vmem>>
      %dma_start3A_959 = arith.constant 0 : i32
      %dma_start3A_960 = arith.constant 0 : i32
      %dma_start3A_961 = tpu.memref_slice %arg2[%dma_start3A_959, %dma_start3A_960] : memref<20000x128xf32, #tpu.memory_space<hbm>> -> memref<20000x128xf32, #tpu.memory_space<hbm>>
      tpu.enqueue_indirect_dma source(%dma_start3A_961 : memref<20000x128xf32, #tpu.memory_space<hbm>>) target(%dma_start3A_955 : memref<32x128xf32, #tpu.memory_space<vmem>>) offsets(%dma_start3A_958 : memref<32xi32, #tpu.memory_space<vmem>>) semaphore(%arg12 : memref<!tpu.dma_semaphore, #tpu.memory_space<semaphore_mem>>)
      %dma_start3A_962 = arith.constant 26 : i32
      %dma_start3A_963 = arith.constant 0 : i32
      %dma_start3A_964 = arith.constant 64 : i32
      %dma_start3A_965 = arith.constant 0 : i32
      %dma_start3A_966 = tpu.memref_slice %arg10[%dma_start3A_963, %dma_start3A_964, %dma_start3A_965] : memref<2x128x128xf32, #tpu.memory_space<vmem>> -> memref<1x32x128xf32, #tpu.memory_space<vmem>>
      %dma_start3A_967 = tpu.memref_squeeze %dma_start3A_966 : memref<1x32x128xf32, #tpu.memory_space<vmem>> -> memref<32x128xf32, #tpu.memory_space<vmem>>
      %dma_start3A_968 = arith.constant 0 : i32
      %dma_start3A_969 = tpu.memref_slice %arg8[%dma_start3A_962, %dma_start3A_968] : memref<32x32xi32, #tpu.memory_space<vmem>> -> memref<1x32xi32, #tpu.memory_space<vmem>>
      %dma_start3A_970 = tpu.memref_squeeze %dma_start3A_969 : memref<1x32xi32, #tpu.memory_space<vmem>> -> memref<32xi32, #tpu.memory_space<vmem>>
      %dma_start3A_971 = arith.constant 0 : i32
      %dma_start3A_972 = arith.constant 0 : i32
      %dma_start3A_973 = tpu.memref_slice %arg2[%dma_start3A_971, %dma_start3A_972] : memref<20000x128xf32, #tpu.memory_space<hbm>> -> memref<20000x128xf32, #tpu.memory_space<hbm>>
      tpu.enqueue_indirect_dma source(%dma_start3A_973 : memref<20000x128xf32, #tpu.memory_space<hbm>>) target(%dma_start3A_967 : memref<32x128xf32, #tpu.memory_space<vmem>>) offsets(%dma_start3A_970 : memref<32xi32, #tpu.memory_space<vmem>>) semaphore(%arg12 : memref<!tpu.dma_semaphore, #tpu.memory_space<semaphore_mem>>)
      %dma_start3A_974 = arith.constant 27 : i32
      %dma_start3A_975 = arith.constant 0 : i32
      %dma_start3A_976 = arith.constant 96 : i32
      %dma_start3A_977 = arith.constant 0 : i32
      %dma_start3A_978 = tpu.memref_slice %arg10[%dma_start3A_975, %dma_start3A_976, %dma_start3A_977] : memref<2x128x128xf32, #tpu.memory_space<vmem>> -> memref<1x32x128xf32, #tpu.memory_space<vmem>>
      %dma_start3A_979 = tpu.memref_squeeze %dma_start3A_978 : memref<1x32x128xf32, #tpu.memory_space<vmem>> -> memref<32x128xf32, #tpu.memory_space<vmem>>
      %dma_start3A_980 = arith.constant 0 : i32
      %dma_start3A_981 = tpu.memref_slice %arg8[%dma_start3A_974, %dma_start3A_980] : memref<32x32xi32, #tpu.memory_space<vmem>> -> memref<1x32xi32, #tpu.memory_space<vmem>>
      %dma_start3A_982 = tpu.memref_squeeze %dma_start3A_981 : memref<1x32xi32, #tpu.memory_space<vmem>> -> memref<32xi32, #tpu.memory_space<vmem>>
      %dma_start3A_983 = arith.constant 0 : i32
      %dma_start3A_984 = arith.constant 0 : i32
      %dma_start3A_985 = tpu.memref_slice %arg2[%dma_start3A_983, %dma_start3A_984] : memref<20000x128xf32, #tpu.memory_space<hbm>> -> memref<20000x128xf32, #tpu.memory_space<hbm>>
      tpu.enqueue_indirect_dma source(%dma_start3A_985 : memref<20000x128xf32, #tpu.memory_space<hbm>>) target(%dma_start3A_979 : memref<32x128xf32, #tpu.memory_space<vmem>>) offsets(%dma_start3A_982 : memref<32xi32, #tpu.memory_space<vmem>>) semaphore(%arg12 : memref<!tpu.dma_semaphore, #tpu.memory_space<semaphore_mem>>)
      %dma_wait3A_986 = arith.constant 24 : i32
      %dma_wait3A_987 = arith.constant 0 : i32
      %dma_wait3A_988 = arith.constant 0 : i32
      %dma_wait3A_989 = arith.constant 0 : i32
      %dma_wait3A_990 = tpu.memref_slice %arg10[%dma_wait3A_987, %dma_wait3A_988, %dma_wait3A_989] : memref<2x128x128xf32, #tpu.memory_space<vmem>> -> memref<1x32x128xf32, #tpu.memory_space<vmem>>
      %dma_wait3A_991 = tpu.memref_squeeze %dma_wait3A_990 : memref<1x32x128xf32, #tpu.memory_space<vmem>> -> memref<32x128xf32, #tpu.memory_space<vmem>>
      %dma_wait3A_992 = arith.constant 0 : i32
      %dma_wait3A_993 = tpu.memref_slice %arg8[%dma_wait3A_986, %dma_wait3A_992] : memref<32x32xi32, #tpu.memory_space<vmem>> -> memref<1x32xi32, #tpu.memory_space<vmem>>
      %dma_wait3A_994 = tpu.memref_squeeze %dma_wait3A_993 : memref<1x32xi32, #tpu.memory_space<vmem>> -> memref<32xi32, #tpu.memory_space<vmem>>
      %dma_wait3A_995 = arith.constant 0 : i32
      %dma_wait3A_996 = arith.constant 0 : i32
      %dma_wait3A_997 = tpu.memref_slice %arg2[%dma_wait3A_995, %dma_wait3A_996] : memref<20000x128xf32, #tpu.memory_space<hbm>> -> memref<20000x128xf32, #tpu.memory_space<hbm>>
      tpu.wait_indirect_dma semaphore(%arg12 : memref<!tpu.dma_semaphore, #tpu.memory_space<semaphore_mem>>) src(%dma_wait3A_997 : memref<20000x128xf32, #tpu.memory_space<hbm>>) dst(%dma_wait3A_991 : memref<32x128xf32, #tpu.memory_space<vmem>>)
      %dma_wait3A_998 = arith.constant 25 : i32
      %dma_wait3A_999 = arith.constant 0 : i32
      %dma_wait3A_1000 = arith.constant 32 : i32
      %dma_wait3A_1001 = arith.constant 0 : i32
      %dma_wait3A_1002 = tpu.memref_slice %arg10[%dma_wait3A_999, %dma_wait3A_1000, %dma_wait3A_1001] : memref<2x128x128xf32, #tpu.memory_space<vmem>> -> memref<1x32x128xf32, #tpu.memory_space<vmem>>
      %dma_wait3A_1003 = tpu.memref_squeeze %dma_wait3A_1002 : memref<1x32x128xf32, #tpu.memory_space<vmem>> -> memref<32x128xf32, #tpu.memory_space<vmem>>
      %dma_wait3A_1004 = arith.constant 0 : i32
      %dma_wait3A_1005 = tpu.memref_slice %arg8[%dma_wait3A_998, %dma_wait3A_1004] : memref<32x32xi32, #tpu.memory_space<vmem>> -> memref<1x32xi32, #tpu.memory_space<vmem>>
      %dma_wait3A_1006 = tpu.memref_squeeze %dma_wait3A_1005 : memref<1x32xi32, #tpu.memory_space<vmem>> -> memref<32xi32, #tpu.memory_space<vmem>>
      %dma_wait3A_1007 = arith.constant 0 : i32
      %dma_wait3A_1008 = arith.constant 0 : i32
      %dma_wait3A_1009 = tpu.memref_slice %arg2[%dma_wait3A_1007, %dma_wait3A_1008] : memref<20000x128xf32, #tpu.memory_space<hbm>> -> memref<20000x128xf32, #tpu.memory_space<hbm>>
      tpu.wait_indirect_dma semaphore(%arg12 : memref<!tpu.dma_semaphore, #tpu.memory_space<semaphore_mem>>) src(%dma_wait3A_1009 : memref<20000x128xf32, #tpu.memory_space<hbm>>) dst(%dma_wait3A_1003 : memref<32x128xf32, #tpu.memory_space<vmem>>)
      %dma_wait3A_1010 = arith.constant 26 : i32
      %dma_wait3A_1011 = arith.constant 0 : i32
      %dma_wait3A_1012 = arith.constant 64 : i32
      %dma_wait3A_1013 = arith.constant 0 : i32
      %dma_wait3A_1014 = tpu.memref_slice %arg10[%dma_wait3A_1011, %dma_wait3A_1012, %dma_wait3A_1013] : memref<2x128x128xf32, #tpu.memory_space<vmem>> -> memref<1x32x128xf32, #tpu.memory_space<vmem>>
      %dma_wait3A_1015 = tpu.memref_squeeze %dma_wait3A_1014 : memref<1x32x128xf32, #tpu.memory_space<vmem>> -> memref<32x128xf32, #tpu.memory_space<vmem>>
      %dma_wait3A_1016 = arith.constant 0 : i32
      %dma_wait3A_1017 = tpu.memref_slice %arg8[%dma_wait3A_1010, %dma_wait3A_1016] : memref<32x32xi32, #tpu.memory_space<vmem>> -> memref<1x32xi32, #tpu.memory_space<vmem>>
      %dma_wait3A_1018 = tpu.memref_squeeze %dma_wait3A_1017 : memref<1x32xi32, #tpu.memory_space<vmem>> -> memref<32xi32, #tpu.memory_space<vmem>>
      %dma_wait3A_1019 = arith.constant 0 : i32
      %dma_wait3A_1020 = arith.constant 0 : i32
      %dma_wait3A_1021 = tpu.memref_slice %arg2[%dma_wait3A_1019, %dma_wait3A_1020] : memref<20000x128xf32, #tpu.memory_space<hbm>> -> memref<20000x128xf32, #tpu.memory_space<hbm>>
      tpu.wait_indirect_dma semaphore(%arg12 : memref<!tpu.dma_semaphore, #tpu.memory_space<semaphore_mem>>) src(%dma_wait3A_1021 : memref<20000x128xf32, #tpu.memory_space<hbm>>) dst(%dma_wait3A_1015 : memref<32x128xf32, #tpu.memory_space<vmem>>)
      %dma_wait3A_1022 = arith.constant 27 : i32
      %dma_wait3A_1023 = arith.constant 0 : i32
      %dma_wait3A_1024 = arith.constant 96 : i32
      %dma_wait3A_1025 = arith.constant 0 : i32
      %dma_wait3A_1026 = tpu.memref_slice %arg10[%dma_wait3A_1023, %dma_wait3A_1024, %dma_wait3A_1025] : memref<2x128x128xf32, #tpu.memory_space<vmem>> -> memref<1x32x128xf32, #tpu.memory_space<vmem>>
      %dma_wait3A_1027 = tpu.memref_squeeze %dma_wait3A_1026 : memref<1x32x128xf32, #tpu.memory_space<vmem>> -> memref<32x128xf32, #tpu.memory_space<vmem>>
      %dma_wait3A_1028 = arith.constant 0 : i32
      %dma_wait3A_1029 = tpu.memref_slice %arg8[%dma_wait3A_1022, %dma_wait3A_1028] : memref<32x32xi32, #tpu.memory_space<vmem>> -> memref<1x32xi32, #tpu.memory_space<vmem>>
      %dma_wait3A_1030 = tpu.memref_squeeze %dma_wait3A_1029 : memref<1x32xi32, #tpu.memory_space<vmem>> -> memref<32xi32, #tpu.memory_space<vmem>>
      %dma_wait3A_1031 = arith.constant 0 : i32
      %dma_wait3A_1032 = arith.constant 0 : i32
      %dma_wait3A_1033 = tpu.memref_slice %arg2[%dma_wait3A_1031, %dma_wait3A_1032] : memref<20000x128xf32, #tpu.memory_space<hbm>> -> memref<20000x128xf32, #tpu.memory_space<hbm>>
      tpu.wait_indirect_dma semaphore(%arg12 : memref<!tpu.dma_semaphore, #tpu.memory_space<semaphore_mem>>) src(%dma_wait3A_1033 : memref<20000x128xf32, #tpu.memory_space<hbm>>) dst(%dma_wait3A_1027 : memref<32x128xf32, #tpu.memory_space<vmem>>)
      %dma_start3A_1034 = arith.constant 0 : i32
      %dma_start3A_1035 = arith.constant 6 : i32
      %dma_start3A_1036 = arith.constant 0 : i32
      %dma_start3A_1037 = arith.constant 0 : i32
      %dma_start3A_1038 = tpu.memref_slice %arg10[%dma_start3A_1034, %dma_start3A_1036, %dma_start3A_1037] : memref<2x128x128xf32, #tpu.memory_space<vmem>> -> memref<1x128x128xf32, #tpu.memory_space<vmem>>
      %dma_start3A_1039 = tpu.memref_squeeze %dma_start3A_1038 : memref<1x128x128xf32, #tpu.memory_space<vmem>> -> memref<128x128xf32, #tpu.memory_space<vmem>>
      %dma_start3A_1040 = arith.constant 0 : i32
      %dma_start3A_1041 = tpu.memref_slice %arg9[%dma_start3A_1035, %dma_start3A_1040] : memref<8x128xi32, #tpu.memory_space<vmem>> -> memref<1x128xi32, #tpu.memory_space<vmem>>
      %dma_start3A_1042 = tpu.memref_squeeze %dma_start3A_1041 : memref<1x128xi32, #tpu.memory_space<vmem>> -> memref<128xi32, #tpu.memory_space<vmem>>
      %dma_start3A_1043 = arith.constant 0 : i32
      %dma_start3A_1044 = arith.constant 0 : i32
      %dma_start3A_1045 = tpu.memref_slice %arg7[%dma_start3A_1043, %dma_start3A_1044] : memref<10240x128xf32, #tpu.memory_space<vmem_shared>> -> memref<10240x128xf32, #tpu.memory_space<vmem_shared>>
      tpu.enqueue_indirect_dma source(%dma_start3A_1039 : memref<128x128xf32, #tpu.memory_space<vmem>>) target(%dma_start3A_1045 : memref<10240x128xf32, #tpu.memory_space<vmem_shared>>) offsets(%dma_start3A_1042 : memref<128xi32, #tpu.memory_space<vmem>>) semaphore(%arg14 : memref<!tpu.dma_semaphore, #tpu.memory_space<semaphore_mem>>) {add = true}
      %get3A_1046 = arith.constant 6 : i32
      %get3A_1047 = arith.index_cast %get3A_1046 : i32 to index
      %get3A_1048 = arith.constant 0 : index
      %get3A_1049 = tpu.vector_load %arg9[%get3A_1047, %get3A_1048] {strides = array<i32>} : memref<8x128xi32, #tpu.memory_space<vmem>>, vector<16xi32>,
      tpu.vector_store_idx %arg11[%get3A_1049], %broadcast_in_dim3A_20 {add = true} : memref<10240xf32, #tpu.memory_space<vmem>>[vector<16xi32>], vector<16xf32>,
      %get3A_1050 = arith.constant 6 : i32
      %get3A_1051 = arith.index_cast %get3A_1050 : i32 to index
      %get3A_1052 = arith.constant 16 : index
      %get3A_1053 = tpu.vector_load %arg9[%get3A_1051, %get3A_1052] {strides = array<i32>} : memref<8x128xi32, #tpu.memory_space<vmem>>, vector<16xi32>,
      tpu.vector_store_idx %arg11[%get3A_1053], %broadcast_in_dim3A_20 {add = true} : memref<10240xf32, #tpu.memory_space<vmem>>[vector<16xi32>], vector<16xf32>,
      %get3A_1054 = arith.constant 6 : i32
      %get3A_1055 = arith.index_cast %get3A_1054 : i32 to index
      %get3A_1056 = arith.constant 32 : index
      %get3A_1057 = tpu.vector_load %arg9[%get3A_1055, %get3A_1056] {strides = array<i32>} : memref<8x128xi32, #tpu.memory_space<vmem>>, vector<16xi32>,
      tpu.vector_store_idx %arg11[%get3A_1057], %broadcast_in_dim3A_20 {add = true} : memref<10240xf32, #tpu.memory_space<vmem>>[vector<16xi32>], vector<16xf32>,
      %get3A_1058 = arith.constant 6 : i32
      %get3A_1059 = arith.index_cast %get3A_1058 : i32 to index
      %get3A_1060 = arith.constant 48 : index
      %get3A_1061 = tpu.vector_load %arg9[%get3A_1059, %get3A_1060] {strides = array<i32>} : memref<8x128xi32, #tpu.memory_space<vmem>>, vector<16xi32>,
      tpu.vector_store_idx %arg11[%get3A_1061], %broadcast_in_dim3A_20 {add = true} : memref<10240xf32, #tpu.memory_space<vmem>>[vector<16xi32>], vector<16xf32>,
      %get3A_1062 = arith.constant 6 : i32
      %get3A_1063 = arith.index_cast %get3A_1062 : i32 to index
      %get3A_1064 = arith.constant 64 : index
      %get3A_1065 = tpu.vector_load %arg9[%get3A_1063, %get3A_1064] {strides = array<i32>} : memref<8x128xi32, #tpu.memory_space<vmem>>, vector<16xi32>,
      tpu.vector_store_idx %arg11[%get3A_1065], %broadcast_in_dim3A_20 {add = true} : memref<10240xf32, #tpu.memory_space<vmem>>[vector<16xi32>], vector<16xf32>,
      %get3A_1066 = arith.constant 6 : i32
      %get3A_1067 = arith.index_cast %get3A_1066 : i32 to index
      %get3A_1068 = arith.constant 80 : index
      %get3A_1069 = tpu.vector_load %arg9[%get3A_1067, %get3A_1068] {strides = array<i32>} : memref<8x128xi32, #tpu.memory_space<vmem>>, vector<16xi32>,
      tpu.vector_store_idx %arg11[%get3A_1069], %broadcast_in_dim3A_20 {add = true} : memref<10240xf32, #tpu.memory_space<vmem>>[vector<16xi32>], vector<16xf32>,
      %get3A_1070 = arith.constant 6 : i32
      %get3A_1071 = arith.index_cast %get3A_1070 : i32 to index
      %get3A_1072 = arith.constant 96 : index
      %get3A_1073 = tpu.vector_load %arg9[%get3A_1071, %get3A_1072] {strides = array<i32>} : memref<8x128xi32, #tpu.memory_space<vmem>>, vector<16xi32>,
      tpu.vector_store_idx %arg11[%get3A_1073], %broadcast_in_dim3A_20 {add = true} : memref<10240xf32, #tpu.memory_space<vmem>>[vector<16xi32>], vector<16xf32>,
      %get3A_1074 = arith.constant 6 : i32
      %get3A_1075 = arith.index_cast %get3A_1074 : i32 to index
      %get3A_1076 = arith.constant 112 : index
      %get3A_1077 = tpu.vector_load %arg9[%get3A_1075, %get3A_1076] {strides = array<i32>} : memref<8x128xi32, #tpu.memory_space<vmem>>, vector<16xi32>,
      tpu.vector_store_idx %arg11[%get3A_1077], %broadcast_in_dim3A_20 {add = true} : memref<10240xf32, #tpu.memory_space<vmem>>[vector<16xi32>], vector<16xf32>,
      %dma_wait3A_1078 = arith.constant 1 : i32
      %dma_wait3A_1079 = arith.constant 5 : i32
      %dma_wait3A_1080 = arith.constant 0 : i32
      %dma_wait3A_1081 = arith.constant 0 : i32
      %dma_wait3A_1082 = tpu.memref_slice %arg10[%dma_wait3A_1078, %dma_wait3A_1080, %dma_wait3A_1081] : memref<2x128x128xf32, #tpu.memory_space<vmem>> -> memref<1x128x128xf32, #tpu.memory_space<vmem>>
      %dma_wait3A_1083 = tpu.memref_squeeze %dma_wait3A_1082 : memref<1x128x128xf32, #tpu.memory_space<vmem>> -> memref<128x128xf32, #tpu.memory_space<vmem>>
      %dma_wait3A_1084 = arith.constant 0 : i32
      %dma_wait3A_1085 = tpu.memref_slice %arg9[%dma_wait3A_1079, %dma_wait3A_1084] : memref<8x128xi32, #tpu.memory_space<vmem>> -> memref<1x128xi32, #tpu.memory_space<vmem>>
      %dma_wait3A_1086 = tpu.memref_squeeze %dma_wait3A_1085 : memref<1x128xi32, #tpu.memory_space<vmem>> -> memref<128xi32, #tpu.memory_space<vmem>>
      %dma_wait3A_1087 = arith.constant 0 : i32
      %dma_wait3A_1088 = arith.constant 0 : i32
      %dma_wait3A_1089 = tpu.memref_slice %arg7[%dma_wait3A_1087, %dma_wait3A_1088] : memref<10240x128xf32, #tpu.memory_space<vmem_shared>> -> memref<10240x128xf32, #tpu.memory_space<vmem_shared>>
      tpu.wait_indirect_dma semaphore(%arg15 : memref<!tpu.dma_semaphore, #tpu.memory_space<semaphore_mem>>) src(%dma_wait3A_1083 : memref<128x128xf32, #tpu.memory_space<vmem>>) dst(%dma_wait3A_1089 : memref<10240x128xf32, #tpu.memory_space<vmem_shared>>)
      %dma_start3A_1090 = arith.constant 28 : i32
      %dma_start3A_1091 = arith.constant 1 : i32
      %dma_start3A_1092 = arith.constant 0 : i32
      %dma_start3A_1093 = arith.constant 0 : i32
      %dma_start3A_1094 = tpu.memref_slice %arg10[%dma_start3A_1091, %dma_start3A_1092, %dma_start3A_1093] : memref<2x128x128xf32, #tpu.memory_space<vmem>> -> memref<1x32x128xf32, #tpu.memory_space<vmem>>
      %dma_start3A_1095 = tpu.memref_squeeze %dma_start3A_1094 : memref<1x32x128xf32, #tpu.memory_space<vmem>> -> memref<32x128xf32, #tpu.memory_space<vmem>>
      %dma_start3A_1096 = arith.constant 0 : i32
      %dma_start3A_1097 = tpu.memref_slice %arg8[%dma_start3A_1090, %dma_start3A_1096] : memref<32x32xi32, #tpu.memory_space<vmem>> -> memref<1x32xi32, #tpu.memory_space<vmem>>
      %dma_start3A_1098 = tpu.memref_squeeze %dma_start3A_1097 : memref<1x32xi32, #tpu.memory_space<vmem>> -> memref<32xi32, #tpu.memory_space<vmem>>
      %dma_start3A_1099 = arith.constant 0 : i32
      %dma_start3A_1100 = arith.constant 0 : i32
      %dma_start3A_1101 = tpu.memref_slice %arg2[%dma_start3A_1099, %dma_start3A_1100] : memref<20000x128xf32, #tpu.memory_space<hbm>> -> memref<20000x128xf32, #tpu.memory_space<hbm>>
      tpu.enqueue_indirect_dma source(%dma_start3A_1101 : memref<20000x128xf32, #tpu.memory_space<hbm>>) target(%dma_start3A_1095 : memref<32x128xf32, #tpu.memory_space<vmem>>) offsets(%dma_start3A_1098 : memref<32xi32, #tpu.memory_space<vmem>>) semaphore(%arg13 : memref<!tpu.dma_semaphore, #tpu.memory_space<semaphore_mem>>)
      %dma_start3A_1102 = arith.constant 29 : i32
      %dma_start3A_1103 = arith.constant 1 : i32
      %dma_start3A_1104 = arith.constant 32 : i32
      %dma_start3A_1105 = arith.constant 0 : i32
      %dma_start3A_1106 = tpu.memref_slice %arg10[%dma_start3A_1103, %dma_start3A_1104, %dma_start3A_1105] : memref<2x128x128xf32, #tpu.memory_space<vmem>> -> memref<1x32x128xf32, #tpu.memory_space<vmem>>
      %dma_start3A_1107 = tpu.memref_squeeze %dma_start3A_1106 : memref<1x32x128xf32, #tpu.memory_space<vmem>> -> memref<32x128xf32, #tpu.memory_space<vmem>>
      %dma_start3A_1108 = arith.constant 0 : i32
      %dma_start3A_1109 = tpu.memref_slice %arg8[%dma_start3A_1102, %dma_start3A_1108] : memref<32x32xi32, #tpu.memory_space<vmem>> -> memref<1x32xi32, #tpu.memory_space<vmem>>
      %dma_start3A_1110 = tpu.memref_squeeze %dma_start3A_1109 : memref<1x32xi32, #tpu.memory_space<vmem>> -> memref<32xi32, #tpu.memory_space<vmem>>
      %dma_start3A_1111 = arith.constant 0 : i32
      %dma_start3A_1112 = arith.constant 0 : i32
      %dma_start3A_1113 = tpu.memref_slice %arg2[%dma_start3A_1111, %dma_start3A_1112] : memref<20000x128xf32, #tpu.memory_space<hbm>> -> memref<20000x128xf32, #tpu.memory_space<hbm>>
      tpu.enqueue_indirect_dma source(%dma_start3A_1113 : memref<20000x128xf32, #tpu.memory_space<hbm>>) target(%dma_start3A_1107 : memref<32x128xf32, #tpu.memory_space<vmem>>) offsets(%dma_start3A_1110 : memref<32xi32, #tpu.memory_space<vmem>>) semaphore(%arg13 : memref<!tpu.dma_semaphore, #tpu.memory_space<semaphore_mem>>)
      %dma_start3A_1114 = arith.constant 30 : i32
      %dma_start3A_1115 = arith.constant 1 : i32
      %dma_start3A_1116 = arith.constant 64 : i32
      %dma_start3A_1117 = arith.constant 0 : i32
      %dma_start3A_1118 = tpu.memref_slice %arg10[%dma_start3A_1115, %dma_start3A_1116, %dma_start3A_1117] : memref<2x128x128xf32, #tpu.memory_space<vmem>> -> memref<1x32x128xf32, #tpu.memory_space<vmem>>
      %dma_start3A_1119 = tpu.memref_squeeze %dma_start3A_1118 : memref<1x32x128xf32, #tpu.memory_space<vmem>> -> memref<32x128xf32, #tpu.memory_space<vmem>>
      %dma_start3A_1120 = arith.constant 0 : i32
      %dma_start3A_1121 = tpu.memref_slice %arg8[%dma_start3A_1114, %dma_start3A_1120] : memref<32x32xi32, #tpu.memory_space<vmem>> -> memref<1x32xi32, #tpu.memory_space<vmem>>
      %dma_start3A_1122 = tpu.memref_squeeze %dma_start3A_1121 : memref<1x32xi32, #tpu.memory_space<vmem>> -> memref<32xi32, #tpu.memory_space<vmem>>
      %dma_start3A_1123 = arith.constant 0 : i32
      %dma_start3A_1124 = arith.constant 0 : i32
      %dma_start3A_1125 = tpu.memref_slice %arg2[%dma_start3A_1123, %dma_start3A_1124] : memref<20000x128xf32, #tpu.memory_space<hbm>> -> memref<20000x128xf32, #tpu.memory_space<hbm>>
      tpu.enqueue_indirect_dma source(%dma_start3A_1125 : memref<20000x128xf32, #tpu.memory_space<hbm>>) target(%dma_start3A_1119 : memref<32x128xf32, #tpu.memory_space<vmem>>) offsets(%dma_start3A_1122 : memref<32xi32, #tpu.memory_space<vmem>>) semaphore(%arg13 : memref<!tpu.dma_semaphore, #tpu.memory_space<semaphore_mem>>)
      %dma_start3A_1126 = arith.constant 31 : i32
      %dma_start3A_1127 = arith.constant 1 : i32
      %dma_start3A_1128 = arith.constant 96 : i32
      %dma_start3A_1129 = arith.constant 0 : i32
      %dma_start3A_1130 = tpu.memref_slice %arg10[%dma_start3A_1127, %dma_start3A_1128, %dma_start3A_1129] : memref<2x128x128xf32, #tpu.memory_space<vmem>> -> memref<1x32x128xf32, #tpu.memory_space<vmem>>
      %dma_start3A_1131 = tpu.memref_squeeze %dma_start3A_1130 : memref<1x32x128xf32, #tpu.memory_space<vmem>> -> memref<32x128xf32, #tpu.memory_space<vmem>>
      %dma_start3A_1132 = arith.constant 0 : i32
      %dma_start3A_1133 = tpu.memref_slice %arg8[%dma_start3A_1126, %dma_start3A_1132] : memref<32x32xi32, #tpu.memory_space<vmem>> -> memref<1x32xi32, #tpu.memory_space<vmem>>
      %dma_start3A_1134 = tpu.memref_squeeze %dma_start3A_1133 : memref<1x32xi32, #tpu.memory_space<vmem>> -> memref<32xi32, #tpu.memory_space<vmem>>
      %dma_start3A_1135 = arith.constant 0 : i32
      %dma_start3A_1136 = arith.constant 0 : i32
      %dma_start3A_1137 = tpu.memref_slice %arg2[%dma_start3A_1135, %dma_start3A_1136] : memref<20000x128xf32, #tpu.memory_space<hbm>> -> memref<20000x128xf32, #tpu.memory_space<hbm>>
      tpu.enqueue_indirect_dma source(%dma_start3A_1137 : memref<20000x128xf32, #tpu.memory_space<hbm>>) target(%dma_start3A_1131 : memref<32x128xf32, #tpu.memory_space<vmem>>) offsets(%dma_start3A_1134 : memref<32xi32, #tpu.memory_space<vmem>>) semaphore(%arg13 : memref<!tpu.dma_semaphore, #tpu.memory_space<semaphore_mem>>)
      %dma_wait3A_1138 = arith.constant 28 : i32
      %dma_wait3A_1139 = arith.constant 1 : i32
      %dma_wait3A_1140 = arith.constant 0 : i32
      %dma_wait3A_1141 = arith.constant 0 : i32
      %dma_wait3A_1142 = tpu.memref_slice %arg10[%dma_wait3A_1139, %dma_wait3A_1140, %dma_wait3A_1141] : memref<2x128x128xf32, #tpu.memory_space<vmem>> -> memref<1x32x128xf32, #tpu.memory_space<vmem>>
      %dma_wait3A_1143 = tpu.memref_squeeze %dma_wait3A_1142 : memref<1x32x128xf32, #tpu.memory_space<vmem>> -> memref<32x128xf32, #tpu.memory_space<vmem>>
      %dma_wait3A_1144 = arith.constant 0 : i32
      %dma_wait3A_1145 = tpu.memref_slice %arg8[%dma_wait3A_1138, %dma_wait3A_1144] : memref<32x32xi32, #tpu.memory_space<vmem>> -> memref<1x32xi32, #tpu.memory_space<vmem>>
      %dma_wait3A_1146 = tpu.memref_squeeze %dma_wait3A_1145 : memref<1x32xi32, #tpu.memory_space<vmem>> -> memref<32xi32, #tpu.memory_space<vmem>>
      %dma_wait3A_1147 = arith.constant 0 : i32
      %dma_wait3A_1148 = arith.constant 0 : i32
      %dma_wait3A_1149 = tpu.memref_slice %arg2[%dma_wait3A_1147, %dma_wait3A_1148] : memref<20000x128xf32, #tpu.memory_space<hbm>> -> memref<20000x128xf32, #tpu.memory_space<hbm>>
      tpu.wait_indirect_dma semaphore(%arg13 : memref<!tpu.dma_semaphore, #tpu.memory_space<semaphore_mem>>) src(%dma_wait3A_1149 : memref<20000x128xf32, #tpu.memory_space<hbm>>) dst(%dma_wait3A_1143 : memref<32x128xf32, #tpu.memory_space<vmem>>)
      %dma_wait3A_1150 = arith.constant 29 : i32
      %dma_wait3A_1151 = arith.constant 1 : i32
      %dma_wait3A_1152 = arith.constant 32 : i32
      %dma_wait3A_1153 = arith.constant 0 : i32
      %dma_wait3A_1154 = tpu.memref_slice %arg10[%dma_wait3A_1151, %dma_wait3A_1152, %dma_wait3A_1153] : memref<2x128x128xf32, #tpu.memory_space<vmem>> -> memref<1x32x128xf32, #tpu.memory_space<vmem>>
      %dma_wait3A_1155 = tpu.memref_squeeze %dma_wait3A_1154 : memref<1x32x128xf32, #tpu.memory_space<vmem>> -> memref<32x128xf32, #tpu.memory_space<vmem>>
      %dma_wait3A_1156 = arith.constant 0 : i32
      %dma_wait3A_1157 = tpu.memref_slice %arg8[%dma_wait3A_1150, %dma_wait3A_1156] : memref<32x32xi32, #tpu.memory_space<vmem>> -> memref<1x32xi32, #tpu.memory_space<vmem>>
      %dma_wait3A_1158 = tpu.memref_squeeze %dma_wait3A_1157 : memref<1x32xi32, #tpu.memory_space<vmem>> -> memref<32xi32, #tpu.memory_space<vmem>>
      %dma_wait3A_1159 = arith.constant 0 : i32
      %dma_wait3A_1160 = arith.constant 0 : i32
      %dma_wait3A_1161 = tpu.memref_slice %arg2[%dma_wait3A_1159, %dma_wait3A_1160] : memref<20000x128xf32, #tpu.memory_space<hbm>> -> memref<20000x128xf32, #tpu.memory_space<hbm>>
      tpu.wait_indirect_dma semaphore(%arg13 : memref<!tpu.dma_semaphore, #tpu.memory_space<semaphore_mem>>) src(%dma_wait3A_1161 : memref<20000x128xf32, #tpu.memory_space<hbm>>) dst(%dma_wait3A_1155 : memref<32x128xf32, #tpu.memory_space<vmem>>)
      %dma_wait3A_1162 = arith.constant 30 : i32
      %dma_wait3A_1163 = arith.constant 1 : i32
      %dma_wait3A_1164 = arith.constant 64 : i32
      %dma_wait3A_1165 = arith.constant 0 : i32
      %dma_wait3A_1166 = tpu.memref_slice %arg10[%dma_wait3A_1163, %dma_wait3A_1164, %dma_wait3A_1165] : memref<2x128x128xf32, #tpu.memory_space<vmem>> -> memref<1x32x128xf32, #tpu.memory_space<vmem>>
      %dma_wait3A_1167 = tpu.memref_squeeze %dma_wait3A_1166 : memref<1x32x128xf32, #tpu.memory_space<vmem>> -> memref<32x128xf32, #tpu.memory_space<vmem>>
      %dma_wait3A_1168 = arith.constant 0 : i32
      %dma_wait3A_1169 = tpu.memref_slice %arg8[%dma_wait3A_1162, %dma_wait3A_1168] : memref<32x32xi32, #tpu.memory_space<vmem>> -> memref<1x32xi32, #tpu.memory_space<vmem>>
      %dma_wait3A_1170 = tpu.memref_squeeze %dma_wait3A_1169 : memref<1x32xi32, #tpu.memory_space<vmem>> -> memref<32xi32, #tpu.memory_space<vmem>>
      %dma_wait3A_1171 = arith.constant 0 : i32
      %dma_wait3A_1172 = arith.constant 0 : i32
      %dma_wait3A_1173 = tpu.memref_slice %arg2[%dma_wait3A_1171, %dma_wait3A_1172] : memref<20000x128xf32, #tpu.memory_space<hbm>> -> memref<20000x128xf32, #tpu.memory_space<hbm>>
      tpu.wait_indirect_dma semaphore(%arg13 : memref<!tpu.dma_semaphore, #tpu.memory_space<semaphore_mem>>) src(%dma_wait3A_1173 : memref<20000x128xf32, #tpu.memory_space<hbm>>) dst(%dma_wait3A_1167 : memref<32x128xf32, #tpu.memory_space<vmem>>)
      %dma_wait3A_1174 = arith.constant 31 : i32
      %dma_wait3A_1175 = arith.constant 1 : i32
      %dma_wait3A_1176 = arith.constant 96 : i32
      %dma_wait3A_1177 = arith.constant 0 : i32
      %dma_wait3A_1178 = tpu.memref_slice %arg10[%dma_wait3A_1175, %dma_wait3A_1176, %dma_wait3A_1177] : memref<2x128x128xf32, #tpu.memory_space<vmem>> -> memref<1x32x128xf32, #tpu.memory_space<vmem>>
      %dma_wait3A_1179 = tpu.memref_squeeze %dma_wait3A_1178 : memref<1x32x128xf32, #tpu.memory_space<vmem>> -> memref<32x128xf32, #tpu.memory_space<vmem>>
      %dma_wait3A_1180 = arith.constant 0 : i32
      %dma_wait3A_1181 = tpu.memref_slice %arg8[%dma_wait3A_1174, %dma_wait3A_1180] : memref<32x32xi32, #tpu.memory_space<vmem>> -> memref<1x32xi32, #tpu.memory_space<vmem>>
      %dma_wait3A_1182 = tpu.memref_squeeze %dma_wait3A_1181 : memref<1x32xi32, #tpu.memory_space<vmem>> -> memref<32xi32, #tpu.memory_space<vmem>>
      %dma_wait3A_1183 = arith.constant 0 : i32
      %dma_wait3A_1184 = arith.constant 0 : i32
      %dma_wait3A_1185 = tpu.memref_slice %arg2[%dma_wait3A_1183, %dma_wait3A_1184] : memref<20000x128xf32, #tpu.memory_space<hbm>> -> memref<20000x128xf32, #tpu.memory_space<hbm>>
      tpu.wait_indirect_dma semaphore(%arg13 : memref<!tpu.dma_semaphore, #tpu.memory_space<semaphore_mem>>) src(%dma_wait3A_1185 : memref<20000x128xf32, #tpu.memory_space<hbm>>) dst(%dma_wait3A_1179 : memref<32x128xf32, #tpu.memory_space<vmem>>)
      %dma_start3A_1186 = arith.constant 1 : i32
      %dma_start3A_1187 = arith.constant 7 : i32
      %dma_start3A_1188 = arith.constant 0 : i32
      %dma_start3A_1189 = arith.constant 0 : i32
      %dma_start3A_1190 = tpu.memref_slice %arg10[%dma_start3A_1186, %dma_start3A_1188, %dma_start3A_1189] : memref<2x128x128xf32, #tpu.memory_space<vmem>> -> memref<1x128x128xf32, #tpu.memory_space<vmem>>
      %dma_start3A_1191 = tpu.memref_squeeze %dma_start3A_1190 : memref<1x128x128xf32, #tpu.memory_space<vmem>> -> memref<128x128xf32, #tpu.memory_space<vmem>>
      %dma_start3A_1192 = arith.constant 0 : i32
      %dma_start3A_1193 = tpu.memref_slice %arg9[%dma_start3A_1187, %dma_start3A_1192] : memref<8x128xi32, #tpu.memory_space<vmem>> -> memref<1x128xi32, #tpu.memory_space<vmem>>
      %dma_start3A_1194 = tpu.memref_squeeze %dma_start3A_1193 : memref<1x128xi32, #tpu.memory_space<vmem>> -> memref<128xi32, #tpu.memory_space<vmem>>
      %dma_start3A_1195 = arith.constant 0 : i32
      %dma_start3A_1196 = arith.constant 0 : i32
      %dma_start3A_1197 = tpu.memref_slice %arg7[%dma_start3A_1195, %dma_start3A_1196] : memref<10240x128xf32, #tpu.memory_space<vmem_shared>> -> memref<10240x128xf32, #tpu.memory_space<vmem_shared>>
      tpu.enqueue_indirect_dma source(%dma_start3A_1191 : memref<128x128xf32, #tpu.memory_space<vmem>>) target(%dma_start3A_1197 : memref<10240x128xf32, #tpu.memory_space<vmem_shared>>) offsets(%dma_start3A_1194 : memref<128xi32, #tpu.memory_space<vmem>>) semaphore(%arg15 : memref<!tpu.dma_semaphore, #tpu.memory_space<semaphore_mem>>) {add = true}
      %get3A_1198 = arith.constant 7 : i32
      %get3A_1199 = arith.index_cast %get3A_1198 : i32 to index
      %get3A_1200 = arith.constant 0 : index
      %get3A_1201 = tpu.vector_load %arg9[%get3A_1199, %get3A_1200] {strides = array<i32>} : memref<8x128xi32, #tpu.memory_space<vmem>>, vector<16xi32>,
      tpu.vector_store_idx %arg11[%get3A_1201], %broadcast_in_dim3A_20 {add = true} : memref<10240xf32, #tpu.memory_space<vmem>>[vector<16xi32>], vector<16xf32>,
      %get3A_1202 = arith.constant 7 : i32
      %get3A_1203 = arith.index_cast %get3A_1202 : i32 to index
      %get3A_1204 = arith.constant 16 : index
      %get3A_1205 = tpu.vector_load %arg9[%get3A_1203, %get3A_1204] {strides = array<i32>} : memref<8x128xi32, #tpu.memory_space<vmem>>, vector<16xi32>,
      tpu.vector_store_idx %arg11[%get3A_1205], %broadcast_in_dim3A_20 {add = true} : memref<10240xf32, #tpu.memory_space<vmem>>[vector<16xi32>], vector<16xf32>,
      %get3A_1206 = arith.constant 7 : i32
      %get3A_1207 = arith.index_cast %get3A_1206 : i32 to index
      %get3A_1208 = arith.constant 32 : index
      %get3A_1209 = tpu.vector_load %arg9[%get3A_1207, %get3A_1208] {strides = array<i32>} : memref<8x128xi32, #tpu.memory_space<vmem>>, vector<16xi32>,
      tpu.vector_store_idx %arg11[%get3A_1209], %broadcast_in_dim3A_20 {add = true} : memref<10240xf32, #tpu.memory_space<vmem>>[vector<16xi32>], vector<16xf32>,
      %get3A_1210 = arith.constant 7 : i32
      %get3A_1211 = arith.index_cast %get3A_1210 : i32 to index
      %get3A_1212 = arith.constant 48 : index
      %get3A_1213 = tpu.vector_load %arg9[%get3A_1211, %get3A_1212] {strides = array<i32>} : memref<8x128xi32, #tpu.memory_space<vmem>>, vector<16xi32>,
      tpu.vector_store_idx %arg11[%get3A_1213], %broadcast_in_dim3A_20 {add = true} : memref<10240xf32, #tpu.memory_space<vmem>>[vector<16xi32>], vector<16xf32>,
      %get3A_1214 = arith.constant 7 : i32
      %get3A_1215 = arith.index_cast %get3A_1214 : i32 to index
      %get3A_1216 = arith.constant 64 : index
      %get3A_1217 = tpu.vector_load %arg9[%get3A_1215, %get3A_1216] {strides = array<i32>} : memref<8x128xi32, #tpu.memory_space<vmem>>, vector<16xi32>,
      tpu.vector_store_idx %arg11[%get3A_1217], %broadcast_in_dim3A_20 {add = true} : memref<10240xf32, #tpu.memory_space<vmem>>[vector<16xi32>], vector<16xf32>,
      %get3A_1218 = arith.constant 7 : i32
      %get3A_1219 = arith.index_cast %get3A_1218 : i32 to index
      %get3A_1220 = arith.constant 80 : index
      %get3A_1221 = tpu.vector_load %arg9[%get3A_1219, %get3A_1220] {strides = array<i32>} : memref<8x128xi32, #tpu.memory_space<vmem>>, vector<16xi32>,
      tpu.vector_store_idx %arg11[%get3A_1221], %broadcast_in_dim3A_20 {add = true} : memref<10240xf32, #tpu.memory_space<vmem>>[vector<16xi32>], vector<16xf32>,
      %get3A_1222 = arith.constant 7 : i32
      %get3A_1223 = arith.index_cast %get3A_1222 : i32 to index
      %get3A_1224 = arith.constant 96 : index
      %get3A_1225 = tpu.vector_load %arg9[%get3A_1223, %get3A_1224] {strides = array<i32>} : memref<8x128xi32, #tpu.memory_space<vmem>>, vector<16xi32>,
      tpu.vector_store_idx %arg11[%get3A_1225], %broadcast_in_dim3A_20 {add = true} : memref<10240xf32, #tpu.memory_space<vmem>>[vector<16xi32>], vector<16xf32>,
      %get3A_1226 = arith.constant 7 : i32
      %get3A_1227 = arith.index_cast %get3A_1226 : i32 to index
      %get3A_1228 = arith.constant 112 : index
      %get3A_1229 = tpu.vector_load %arg9[%get3A_1227, %get3A_1228] {strides = array<i32>} : memref<8x128xi32, #tpu.memory_space<vmem>>, vector<16xi32>,
      tpu.vector_store_idx %arg11[%get3A_1229], %broadcast_in_dim3A_20 {add = true} : memref<10240xf32, #tpu.memory_space<vmem>>[vector<16xi32>], vector<16xf32>,
      %dma_wait3A_1230 = arith.constant 0 : i32
      %dma_wait3A_1231 = arith.constant 6 : i32
      %dma_wait3A_1232 = arith.constant 0 : i32
      %dma_wait3A_1233 = arith.constant 0 : i32
      %dma_wait3A_1234 = tpu.memref_slice %arg10[%dma_wait3A_1230, %dma_wait3A_1232, %dma_wait3A_1233] : memref<2x128x128xf32, #tpu.memory_space<vmem>> -> memref<1x128x128xf32, #tpu.memory_space<vmem>>
      %dma_wait3A_1235 = tpu.memref_squeeze %dma_wait3A_1234 : memref<1x128x128xf32, #tpu.memory_space<vmem>> -> memref<128x128xf32, #tpu.memory_space<vmem>>
      %dma_wait3A_1236 = arith.constant 0 : i32
      %dma_wait3A_1237 = tpu.memref_slice %arg9[%dma_wait3A_1231, %dma_wait3A_1236] : memref<8x128xi32, #tpu.memory_space<vmem>> -> memref<1x128xi32, #tpu.memory_space<vmem>>
      %dma_wait3A_1238 = tpu.memref_squeeze %dma_wait3A_1237 : memref<1x128xi32, #tpu.memory_space<vmem>> -> memref<128xi32, #tpu.memory_space<vmem>>
      %dma_wait3A_1239 = arith.constant 0 : i32
      %dma_wait3A_1240 = arith.constant 0 : i32
      %dma_wait3A_1241 = tpu.memref_slice %arg7[%dma_wait3A_1239, %dma_wait3A_1240] : memref<10240x128xf32, #tpu.memory_space<vmem_shared>> -> memref<10240x128xf32, #tpu.memory_space<vmem_shared>>
      tpu.wait_indirect_dma semaphore(%arg14 : memref<!tpu.dma_semaphore, #tpu.memory_space<semaphore_mem>>) src(%dma_wait3A_1235 : memref<128x128xf32, #tpu.memory_space<vmem>>) dst(%dma_wait3A_1241 : memref<10240x128xf32, #tpu.memory_space<vmem_shared>>)
      %dma_wait3A_1242 = arith.constant 1 : i32
      %dma_wait3A_1243 = arith.constant 7 : i32
      %dma_wait3A_1244 = arith.constant 0 : i32
      %dma_wait3A_1245 = arith.constant 0 : i32
      %dma_wait3A_1246 = tpu.memref_slice %arg10[%dma_wait3A_1242, %dma_wait3A_1244, %dma_wait3A_1245] : memref<2x128x128xf32, #tpu.memory_space<vmem>> -> memref<1x128x128xf32, #tpu.memory_space<vmem>>
      %dma_wait3A_1247 = tpu.memref_squeeze %dma_wait3A_1246 : memref<1x128x128xf32, #tpu.memory_space<vmem>> -> memref<128x128xf32, #tpu.memory_space<vmem>>
      %dma_wait3A_1248 = arith.constant 0 : i32
      %dma_wait3A_1249 = tpu.memref_slice %arg9[%dma_wait3A_1243, %dma_wait3A_1248] : memref<8x128xi32, #tpu.memory_space<vmem>> -> memref<1x128xi32, #tpu.memory_space<vmem>>
      %dma_wait3A_1250 = tpu.memref_squeeze %dma_wait3A_1249 : memref<1x128xi32, #tpu.memory_space<vmem>> -> memref<128xi32, #tpu.memory_space<vmem>>
      %dma_wait3A_1251 = arith.constant 0 : i32
      %dma_wait3A_1252 = arith.constant 0 : i32
      %dma_wait3A_1253 = tpu.memref_slice %arg7[%dma_wait3A_1251, %dma_wait3A_1252] : memref<10240x128xf32, #tpu.memory_space<vmem_shared>> -> memref<10240x128xf32, #tpu.memory_space<vmem_shared>>
      tpu.wait_indirect_dma semaphore(%arg15 : memref<!tpu.dma_semaphore, #tpu.memory_space<semaphore_mem>>) src(%dma_wait3A_1247 : memref<128x128xf32, #tpu.memory_space<vmem>>) dst(%dma_wait3A_1253 : memref<10240x128xf32, #tpu.memory_space<vmem_shared>>)
    }
    %scan3A_26 = arith.constant 20 : i32
    "tpu.region"() ({
      %run_scoped3A = tpu.sem_alloc : memref<!tpu.dma_semaphore, #tpu.memory_space<semaphore_mem>>
      %dma_start3A = arith.constant 0 : i32
      %dma_start3A_34 = tpu.memref_slice %arg6[%arg0, %arg1, %dma_start3A] : memref<2x16x10240xf32, #tpu.memory_space<hbm>> -> memref<1x1x10240xf32, #tpu.memory_space<hbm>>
      %dma_start3A_35 = tpu.memref_squeeze %dma_start3A_34 : memref<1x1x10240xf32, #tpu.memory_space<hbm>> -> memref<10240xf32, #tpu.memory_space<hbm>>
      %dma_start3A_36 = arith.constant 0 : i32
      %dma_start3A_37 = tpu.memref_slice %arg6[%arg0, %arg1, %dma_start3A_36] : memref<2x16x10240xf32, #tpu.memory_space<hbm>> -> memref<1x1x10240xf32, #tpu.memory_space<hbm>>
      %dma_start3A_38 = tpu.memref_squeeze %dma_start3A_37 : memref<1x1x10240xf32, #tpu.memory_space<hbm>> -> memref<10240xf32, #tpu.memory_space<hbm>>
      tpu.enqueue_dma source(%arg11 : memref<10240xf32, #tpu.memory_space<vmem>>) target(%dma_start3A_38 : memref<10240xf32, #tpu.memory_space<hbm>>) target_semaphore(%run_scoped3A : memref<!tpu.dma_semaphore, #tpu.memory_space<semaphore_mem>>)
      %dma_wait3A = arith.constant 0 : i32
      %dma_wait3A_39 = tpu.memref_slice %arg6[%arg0, %arg1, %dma_wait3A] : memref<2x16x10240xf32, #tpu.memory_space<hbm>> -> memref<1x1x10240xf32, #tpu.memory_space<hbm>>
      %dma_wait3A_40 = tpu.memref_squeeze %dma_wait3A_39 : memref<1x1x10240xf32, #tpu.memory_space<hbm>> -> memref<10240xf32, #tpu.memory_space<hbm>>
      %dma_wait3A_41 = arith.constant 0 : i32
      %dma_wait3A_42 = tpu.memref_slice %arg6[%arg0, %arg1, %dma_wait3A_41] : memref<2x16x10240xf32, #tpu.memory_space<hbm>> -> memref<1x1x10240xf32, #tpu.memory_space<hbm>>
      %dma_wait3A_43 = tpu.memref_squeeze %dma_wait3A_42 : memref<1x1x10240xf32, #tpu.memory_space<hbm>> -> memref<10240xf32, #tpu.memory_space<hbm>>
      tpu.wait_dma2 semaphore(%run_scoped3A : memref<!tpu.dma_semaphore, #tpu.memory_space<semaphore_mem>>) src(%arg11 : memref<10240xf32, #tpu.memory_space<vmem>>) dst(%dma_wait3A_43 : memref<10240xf32, #tpu.memory_space<hbm>>)
      tpu.yield
    }) : () -> ()
    %barrier3A_27 = arith.constant 0 : index
    tpu.barrier barrier_id(%barrier3A_27)
    %scan3A_28 = arith.constant 0 : i32
    %scan3A_29 = arith.constant 0 : i32
    %scan3A_30 = arith.constant 5 : i32
    %scan3A_31 = arith.addi %scan3A_29, %scan3A_30 : i32
    %scan3A_32 = arith.constant 1 : i32
    scf.for %scan3A_34 = %scan3A_29 to %scan3A_31 step %scan3A_32  : i32 {
      %mul3A_35 = arith.constant 128 : i32
      %mul3A_36 = arith.muli %scan3A_34, %mul3A_35 : i32
      %add3A = arith.addi %mul3A_0, %mul3A_36 : i32
      %run_scoped3A = arith.constant 0 : i32
      "tpu.region"() ({
        %run_scoped3A_38 = tpu.sem_alloc : memref<!tpu.dma_semaphore, #tpu.memory_space<semaphore_mem>>
        %dma_start3A = arith.constant 0 : i32
        %dma_start3A_39 = arith.constant 0 : i32
        %dma_start3A_40 = tpu.memref_slice %arg10[%run_scoped3A, %dma_start3A, %dma_start3A_39] : memref<2x128x128xf32, #tpu.memory_space<vmem>> -> memref<1x128x128xf32, #tpu.memory_space<vmem>>
        %dma_start3A_41 = tpu.memref_squeeze %dma_start3A_40 : memref<1x128x128xf32, #tpu.memory_space<vmem>> -> memref<128x128xf32, #tpu.memory_space<vmem>>
        %dma_start3A_42 = arith.constant 0 : i32
        %dma_start3A_43 = tpu.memref_slice %arg7[%add3A, %dma_start3A_42] : memref<10240x128xf32, #tpu.memory_space<vmem_shared>> -> memref<128x128xf32, #tpu.memory_space<vmem_shared>>
        %dma_start3A_44 = arith.constant 0 : i32
        %dma_start3A_45 = arith.constant 0 : i32
        %dma_start3A_46 = tpu.memref_slice %arg10[%run_scoped3A, %dma_start3A_44, %dma_start3A_45] : memref<2x128x128xf32, #tpu.memory_space<vmem>> -> memref<1x128x128xf32, #tpu.memory_space<vmem>>
        %dma_start3A_47 = tpu.memref_squeeze %dma_start3A_46 : memref<1x128x128xf32, #tpu.memory_space<vmem>> -> memref<128x128xf32, #tpu.memory_space<vmem>>
        %dma_start3A_48 = arith.constant 0 : i32
        %dma_start3A_49 = tpu.memref_slice %arg7[%add3A, %dma_start3A_48] : memref<10240x128xf32, #tpu.memory_space<vmem_shared>> -> memref<128x128xf32, #tpu.memory_space<vmem_shared>>
        tpu.enqueue_dma source(%dma_start3A_49 : memref<128x128xf32, #tpu.memory_space<vmem_shared>>) target(%dma_start3A_47 : memref<128x128xf32, #tpu.memory_space<vmem>>) target_semaphore(%run_scoped3A_38 : memref<!tpu.dma_semaphore, #tpu.memory_space<semaphore_mem>>)
        %dma_wait3A = arith.constant 0 : i32
        %dma_wait3A_50 = arith.constant 0 : i32
        %dma_wait3A_51 = tpu.memref_slice %arg10[%run_scoped3A, %dma_wait3A, %dma_wait3A_50] : memref<2x128x128xf32, #tpu.memory_space<vmem>> -> memref<1x128x128xf32, #tpu.memory_space<vmem>>
        %dma_wait3A_52 = tpu.memref_squeeze %dma_wait3A_51 : memref<1x128x128xf32, #tpu.memory_space<vmem>> -> memref<128x128xf32, #tpu.memory_space<vmem>>
        %dma_wait3A_53 = arith.constant 0 : i32
        %dma_wait3A_54 = tpu.memref_slice %arg7[%add3A, %dma_wait3A_53] : memref<10240x128xf32, #tpu.memory_space<vmem_shared>> -> memref<128x128xf32, #tpu.memory_space<vmem_shared>>
        %dma_wait3A_55 = arith.constant 0 : i32
        %dma_wait3A_56 = arith.constant 0 : i32
        %dma_wait3A_57 = tpu.memref_slice %arg10[%run_scoped3A, %dma_wait3A_55, %dma_wait3A_56] : memref<2x128x128xf32, #tpu.memory_space<vmem>> -> memref<1x128x128xf32, #tpu.memory_space<vmem>>
        %dma_wait3A_58 = tpu.memref_squeeze %dma_wait3A_57 : memref<1x128x128xf32, #tpu.memory_space<vmem>> -> memref<128x128xf32, #tpu.memory_space<vmem>>
        %dma_wait3A_59 = arith.constant 0 : i32
        %dma_wait3A_60 = tpu.memref_slice %arg7[%add3A, %dma_wait3A_59] : memref<10240x128xf32, #tpu.memory_space<vmem_shared>> -> memref<128x128xf32, #tpu.memory_space<vmem_shared>>
        tpu.wait_dma2 semaphore(%run_scoped3A_38 : memref<!tpu.dma_semaphore, #tpu.memory_space<semaphore_mem>>) src(%dma_wait3A_60 : memref<128x128xf32, #tpu.memory_space<vmem_shared>>) dst(%dma_wait3A_58 : memref<128x128xf32, #tpu.memory_space<vmem>>)
        tpu.yield
      }) : () -> ()
      %run_scoped3A_37 = arith.constant 0 : i32
      "tpu.region"() ({
        %run_scoped3A_38 = tpu.sem_alloc : memref<!tpu.dma_semaphore, #tpu.memory_space<semaphore_mem>>
        %dma_start3A = arith.constant 0 : i32
        %dma_start3A_39 = arith.constant 0 : i32
        %dma_start3A_40 = tpu.memref_slice %arg10[%run_scoped3A_37, %dma_start3A, %dma_start3A_39] : memref<2x128x128xf32, #tpu.memory_space<vmem>> -> memref<1x128x128xf32, #tpu.memory_space<vmem>>
        %dma_start3A_41 = tpu.memref_squeeze %dma_start3A_40 : memref<1x128x128xf32, #tpu.memory_space<vmem>> -> memref<128x128xf32, #tpu.memory_space<vmem>>
        %dma_start3A_42 = arith.constant 0 : i32
        %dma_start3A_43 = tpu.memref_slice %arg5[%arg0, %add3A, %dma_start3A_42] : memref<2x10240x128xf32, #tpu.memory_space<hbm>> -> memref<1x128x128xf32, #tpu.memory_space<hbm>>
        %dma_start3A_44 = tpu.memref_squeeze %dma_start3A_43 : memref<1x128x128xf32, #tpu.memory_space<hbm>> -> memref<128x128xf32, #tpu.memory_space<hbm>>
        %dma_start3A_45 = arith.constant 0 : i32
        %dma_start3A_46 = tpu.memref_slice %arg5[%arg0, %add3A, %dma_start3A_45] : memref<2x10240x128xf32, #tpu.memory_space<hbm>> -> memref<1x128x128xf32, #tpu.memory_space<hbm>>
        %dma_start3A_47 = tpu.memref_squeeze %dma_start3A_46 : memref<1x128x128xf32, #tpu.memory_space<hbm>> -> memref<128x128xf32, #tpu.memory_space<hbm>>
        %dma_start3A_48 = arith.constant 0 : i32
        %dma_start3A_49 = arith.constant 0 : i32
        %dma_start3A_50 = tpu.memref_slice %arg10[%run_scoped3A_37, %dma_start3A_48, %dma_start3A_49] : memref<2x128x128xf32, #tpu.memory_space<vmem>> -> memref<1x128x128xf32, #tpu.memory_space<vmem>>
        %dma_start3A_51 = tpu.memref_squeeze %dma_start3A_50 : memref<1x128x128xf32, #tpu.memory_space<vmem>> -> memref<128x128xf32, #tpu.memory_space<vmem>>
        tpu.enqueue_dma source(%dma_start3A_51 : memref<128x128xf32, #tpu.memory_space<vmem>>) target(%dma_start3A_47 : memref<128x128xf32, #tpu.memory_space<hbm>>) target_semaphore(%run_scoped3A_38 : memref<!tpu.dma_semaphore, #tpu.memory_space<semaphore_mem>>)
        %dma_wait3A = arith.constant 0 : i32
        %dma_wait3A_52 = arith.constant 0 : i32
        %dma_wait3A_53 = tpu.memref_slice %arg10[%run_scoped3A_37, %dma_wait3A, %dma_wait3A_52] : memref<2x128x128xf32, #tpu.memory_space<vmem>> -> memref<1x128x128xf32, #tpu.memory_space<vmem>>
        %dma_wait3A_54 = tpu.memref_squeeze %dma_wait3A_53 : memref<1x128x128xf32, #tpu.memory_space<vmem>> -> memref<128x128xf32, #tpu.memory_space<vmem>>
        %dma_wait3A_55 = arith.constant 0 : i32
        %dma_wait3A_56 = tpu.memref_slice %arg5[%arg0, %add3A, %dma_wait3A_55] : memref<2x10240x128xf32, #tpu.memory_space<hbm>> -> memref<1x128x128xf32, #tpu.memory_space<hbm>>
        %dma_wait3A_57 = tpu.memref_squeeze %dma_wait3A_56 : memref<1x128x128xf32, #tpu.memory_space<hbm>> -> memref<128x128xf32, #tpu.memory_space<hbm>>
        %dma_wait3A_58 = arith.constant 0 : i32
        %dma_wait3A_59 = tpu.memref_slice %arg5[%arg0, %add3A, %dma_wait3A_58] : memref<2x10240x128xf32, #tpu.memory_space<hbm>> -> memref<1x128x128xf32, #tpu.memory_space<hbm>>
        %dma_wait3A_60 = tpu.memref_squeeze %dma_wait3A_59 : memref<1x128x128xf32, #tpu.memory_space<hbm>> -> memref<128x128xf32, #tpu.memory_space<hbm>>
        %dma_wait3A_61 = arith.constant 0 : i32
        %dma_wait3A_62 = arith.constant 0 : i32
        %dma_wait3A_63 = tpu.memref_slice %arg10[%run_scoped3A_37, %dma_wait3A_61, %dma_wait3A_62] : memref<2x128x128xf32, #tpu.memory_space<vmem>> -> memref<1x128x128xf32, #tpu.memory_space<vmem>>
        %dma_wait3A_64 = tpu.memref_squeeze %dma_wait3A_63 : memref<1x128x128xf32, #tpu.memory_space<vmem>> -> memref<128x128xf32, #tpu.memory_space<vmem>>
        tpu.wait_dma2 semaphore(%run_scoped3A_38 : memref<!tpu.dma_semaphore, #tpu.memory_space<semaphore_mem>>) src(%dma_wait3A_64 : memref<128x128xf32, #tpu.memory_space<vmem>>) dst(%dma_wait3A_60 : memref<128x128xf32, #tpu.memory_space<hbm>>)
        tpu.yield
      }) : () -> ()
    }
    %scan3A_33 = arith.constant 5 : i32
    return
  }
}

module attributes {stable_mosaic.version = 14 : i64} {
  func.func @_tc_gates(%arg0: i32, %arg1: memref<2x512x128xf32, #tpu.memory_space<vmem>>, %arg2: memref<2x16x512xf32, #tpu.memory_space<vmem>>, %arg3: memref<512x128xf32, #tpu.memory_space<vmem>>, %arg4: memref<256x256xf32, #tpu.memory_space<vmem>>, %arg5: memref<1x256xf32, #tpu.memory_space<vmem>>, %arg6: memref<512x128xf32, #tpu.memory_space<vmem>>) attributes {dimension_semantics = [#tpu.dimension_semantics<arbitrary>], iteration_bounds = array<i64: 20>, scalar_prefetch = 0 : i64, scratch_operands = 0 : i64, tpu.core_type = #tpu.core_type<tc>, window_params = [{transform_indices = @transform_0, window_bounds = array<i64: 2, 512, 128>}, {transform_indices = @transform_1, window_bounds = array<i64: 2, 16, 512>}, {transform_indices = @transform_2, window_bounds = array<i64: 512, 128>}, {pipeline_mode = #tpu.pipeline_mode<synchronous>, transform_indices = @transform_3, window_bounds = array<i64: 256, 256>}, {pipeline_mode = #tpu.pipeline_mode<synchronous>, transform_indices = @transform_4, window_bounds = array<i64: 1, 256>}, {transform_indices = @transform_5, window_bounds = array<i64: 512, 128>}]} {
    %get3A = arith.constant 0 : index
    %get3A_0 = arith.constant 0 : index
    %get3A_1 = arith.constant 0 : index
    %get3A_2 = vector.load %arg2[%get3A, %get3A_0, %get3A_1] : memref<2x16x512xf32, #tpu.memory_space<vmem>>, vector<1x16x512xf32>
    %get3A_3 = vector.shape_cast %get3A_2 : vector<1x16x512xf32> to vector<16x512xf32>
    %get3A_4 = arith.constant 1 : index
    %get3A_5 = arith.constant 0 : index
    %get3A_6 = arith.constant 0 : index
    %get3A_7 = vector.load %arg2[%get3A_4, %get3A_5, %get3A_6] : memref<2x16x512xf32, #tpu.memory_space<vmem>>, vector<1x16x512xf32>
    %get3A_8 = vector.shape_cast %get3A_7 : vector<1x16x512xf32> to vector<16x512xf32>
    %concatenate3A = tpu.concatenate %get3A_3, %get3A_8 in 0 : vector<16x512xf32>, vector<16x512xf32> -> vector<32x512xf32>
    %broadcast_in_dim3A = arith.constant 5.000000e-01 : f32
    %broadcast_in_dim3A_9 = vector.broadcast %broadcast_in_dim3A : f32 to vector<32x1xf32>
    %dot_general3A = arith.constant dense<0.000000e+00> : vector<512x1xf32>
    %dot_general3A_10 = tpu.matmul %concatenate3A, %broadcast_in_dim3A_9, %dot_general3A {dimension_numbers = #tpu.dot_dimension_numbers<[0], [0], [1], [1], [0, 1, 1, 1], [], []>, transpose_lhs_hint = false} : vector<32x512xf32>, vector<32x1xf32>, vector<512x1xf32> -> vector<512x1xf32>
    %max3A = arith.constant 1.000000e+00 : f32
    %max3A_11 = vector.broadcast %max3A : f32 to vector<512x1xf32>
    %max3A_12 = arith.maximumf %dot_general3A_10, %max3A_11 : vector<512x1xf32>
    %div3A = arith.constant 1.000000e+00 : f32
    %div3A_13 = vector.broadcast %div3A : f32 to vector<512x1xf32>
    %div3A_14 = arith.divf %div3A_13, %max3A_12 : vector<512x1xf32>
    %get3A_15 = arith.constant 0 : index
    %get3A_16 = arith.constant 0 : index
    %get3A_17 = arith.constant 0 : index
    %get3A_18 = vector.load %arg1[%get3A_15, %get3A_16, %get3A_17] : memref<2x512x128xf32, #tpu.memory_space<vmem>>, vector<1x512x128xf32>
    %get3A_19 = vector.shape_cast %get3A_18 : vector<1x512x128xf32> to vector<512x128xf32>
    %mul3A = vector.broadcast %div3A_14 : vector<512x1xf32> to vector<512x128xf32>
    %mul3A_20 = arith.mulf %get3A_19, %mul3A : vector<512x128xf32>
    %get3A_21 = arith.constant 1 : index
    %get3A_22 = arith.constant 0 : index
    %get3A_23 = arith.constant 0 : index
    %get3A_24 = vector.load %arg1[%get3A_21, %get3A_22, %get3A_23] : memref<2x512x128xf32, #tpu.memory_space<vmem>>, vector<1x512x128xf32>
    %get3A_25 = vector.shape_cast %get3A_24 : vector<1x512x128xf32> to vector<512x128xf32>
    %mul3A_26 = vector.broadcast %div3A_14 : vector<512x1xf32> to vector<512x128xf32>
    %mul3A_27 = arith.mulf %get3A_25, %mul3A_26 : vector<512x128xf32>
    %concatenate3A_28 = tpu.concatenate %mul3A_20, %mul3A_27 in 1 : vector<512x128xf32>, vector<512x128xf32> -> vector<512x256xf32>
    %get3A_29 = arith.constant 0 : index
    %get3A_30 = arith.constant 0 : index
    %get3A_31 = vector.load %arg4[%get3A_29, %get3A_30] : memref<256x256xf32, #tpu.memory_space<vmem>>, vector<256x256xf32>
    %dot_general3A_32 = arith.constant dense<0.000000e+00> : vector<512x256xf32>
    %dot_general3A_33 = tpu.matmul %concatenate3A_28, %get3A_31, %dot_general3A_32 {dimension_numbers = #tpu.dot_dimension_numbers<[1], [0], [0], [1], [0, 0, 1, 1], [], []>, transpose_lhs_hint = false} : vector<512x256xf32>, vector<256x256xf32>, vector<512x256xf32> -> vector<512x256xf32>
    %get3A_34 = arith.constant 0 : index
    %get3A_35 = arith.constant 0 : index
    %get3A_36 = vector.load %arg5[%get3A_34, %get3A_35] : memref<1x256xf32, #tpu.memory_space<vmem>>, vector<1x256xf32>
    %add3A = vector.broadcast %get3A_36 : vector<1x256xf32> to vector<512x256xf32>
    %add3A_37 = arith.addf %dot_general3A_33, %add3A : vector<512x256xf32>
    %slice3A = vector.extract_strided_slice %add3A_37 {offsets = [0, 0], sizes = [512, 128], strides = [1, 1]} : vector<512x256xf32> to vector<512x128xf32>
    %logistic3A = arith.negf %slice3A : vector<512x128xf32>
    %logistic3A_38 = math.exp %logistic3A : vector<512x128xf32>
    %logistic3A_39 = arith.constant 1.000000e+00 : f32
    %logistic3A_40 = vector.broadcast %logistic3A_39 : f32 to vector<512x128xf32>
    %logistic3A_41 = arith.addf %logistic3A_40, %logistic3A_38 : vector<512x128xf32>
    %logistic3A_42 = arith.divf %logistic3A_40, %logistic3A_41 : vector<512x128xf32>
    %slice3A_43 = vector.extract_strided_slice %add3A_37 {offsets = [0, 128], sizes = [512, 128], strides = [1, 1]} : vector<512x256xf32> to vector<512x128xf32>
    %tanh3A = math.tanh %slice3A_43 : vector<512x128xf32>
    %get3A_44 = arith.constant 0 : index
    %get3A_45 = arith.constant 0 : index
    %get3A_46 = vector.load %arg3[%get3A_44, %get3A_45] : memref<512x128xf32, #tpu.memory_space<vmem>>, vector<512x128xf32>
    %mul3A_47 = arith.mulf %logistic3A_42, %get3A_46 : vector<512x128xf32>
    %sub3A = arith.constant 1.000000e+00 : f32
    %sub3A_48 = vector.broadcast %sub3A : f32 to vector<512x128xf32>
    %sub3A_49 = arith.subf %sub3A_48, %logistic3A_42 : vector<512x128xf32>
    %mul3A_50 = arith.mulf %sub3A_49, %tanh3A : vector<512x128xf32>
    %add3A_51 = arith.addf %mul3A_47, %mul3A_50 : vector<512x128xf32>
    %swap3A = arith.constant 0 : index
    %swap3A_52 = arith.constant 0 : index
    %swap3A_53 = vector.load %arg6[%swap3A, %swap3A_52] : memref<512x128xf32, #tpu.memory_space<vmem>>, vector<512x128xf32>
    tpu.vector_store %arg6[%swap3A, %swap3A_52], %add3A_51 {strides = array<i32>} : memref<512x128xf32, #tpu.memory_space<vmem>>, vector<512x128xf32>,
    return
  }
  func.func @transform_0(%arg0: i32) -> (i32, i32, i32) {
    %c0_i32 = arith.constant 0 : i32
    %c0_i32_0 = arith.constant 0 : i32
    %c0_i32_1 = arith.constant 0 : i32
    return %c0_i32, %arg0, %c0_i32_0 : i32, i32, i32
  }
  func.func @transform_1(%arg0: i32) -> (i32, i32, i32) {
    %c0_i32 = arith.constant 0 : i32
    %c0_i32_0 = arith.constant 0 : i32
    %c0_i32_1 = arith.constant 0 : i32
    return %c0_i32, %c0_i32_0, %arg0 : i32, i32, i32
  }
  func.func @transform_2(%arg0: i32) -> (i32, i32) {
    %c0_i32 = arith.constant 0 : i32
    %c0_i32_0 = arith.constant 0 : i32
    return %arg0, %c0_i32 : i32, i32
  }
  func.func @transform_3(%arg0: i32) -> (i32, i32) {
    %c0_i32 = arith.constant 0 : i32
    %c0_i32_0 = arith.constant 0 : i32
    %c0_i32_1 = arith.constant 0 : i32
    return %c0_i32, %c0_i32_0 : i32, i32
  }
  func.func @transform_4(%arg0: i32) -> (i32, i32) {
    %c0_i32 = arith.constant 0 : i32
    %c0_i32_0 = arith.constant 0 : i32
    %c0_i32_1 = arith.constant 0 : i32
    return %c0_i32, %c0_i32_0 : i32, i32
  }
  func.func @transform_5(%arg0: i32) -> (i32, i32) {
    %c0_i32 = arith.constant 0 : i32
    %c0_i32_0 = arith.constant 0 : i32
    return %arg0, %c0_i32 : i32, i32
  }
}

</mosaic_0001>

<sc_bundles>
// kernel: kernel.4.cloned.1.call-start
scs
__scs_entry_jumppad:
0x0: {  	(pc) =	sbr.rel $0x88, $3  }
0x1: {  	(tag) =	ssettag $0x0;
	lr =	simm.s32 $0x1  }
0x2: {  	[smem:$0x3F96] =	sst lr;
	_ =	strace $0xD0000000  }
0x3: {  	_ = 	snop  }
0x4: {  	_ = 	snop  }
0x5: {  	_ = 	snop  }
0x6: {  	_ = 	snop  }
0x7: {  	_ = 	snop  }
__scs_overlays_trampoline_lowered:
0x8: {  	[smem:$0x3FA5] =	sst s0  }
0x9: {  	[smem:$0x3FA6] =	sst s1  }
0xa: {  	[smem:$0x3FA7] =	sst s2  }
0xb: {  	[smem:$0x3FA8] =	sst s3  }
0xc: {  	[smem:$0x3FA9] =	sst s4  }
0xd: {  	[smem:$0x3FAA] =	sst s5  }
0xe: {  	[smem:$0x3FAB] =	sst s6  }
0xf: {  	[smem:$0x3FAC] =	sst s7  }
0x10: {  	[smem:$0x3FAD] =	sst s8  }
0x11: {  	[smem:$0x3FAE] =	sst s9;
	s0 =	simm.s32 @!p0 $0x0  }
0x12: {  	s1 =	sld [smem:$0x3F94];
	s0 =	simm.s32 @p0 $0x1  }
0x13: {  	[smem:$0x3FAF] =	sst s0;
	s0 =	simm.s32 @!p1 $0x0  }
0x14: {  	s2 =	sld [smem:$0x3F93];
	s0 =	simm.s32 @p1 $0x1  }
0x15: {  	[smem:$0x3FB0] =	sst s0;
	s0 =	simm.s32 @!p2 $0x0  }
0x16: {  	s3 =	sld [smem:$0x3FDB];
	s0 =	simm.s32 @p2 $0x1  }
0x17: {  	s4 =	simm.s32 $0x1BF5;
	[smem:$0x3FB2] =	sst s0  }
0x18: {  	s0 =	sld [smem:$0x3F95];
	_ =	swait.ge [sflag:s4], $0x0  }
0x19: {  	s7 =	sld [smem:$0x3F96]  }
0x1a: {  	s8 =	sadd.s32 $0xFFFFE003, lr  }
0x1b: {  	s9 =	sadd.s32 $0xFFFFFEF7, lr;
	s5 =	simm.s32 $0xFFFFFFFF;
	p2 =	slt.u32 s8, $0xFFFFF086  }
0x1c: {  	p1 =	slt.u32 s9, $0xF7A;
	s5 =	simm.s32 @!p2 $0x0  }
0x1d: {  	s5 =	simm.s32 @p1 $0x1;
	p0 =	seq.s32 s7, s2  }
0x1e: {  	s7 =	smul.u32 @!p0 $0xF7A, s2;
	p2 =	seq.s32 @!p0 s5, $0x0  }
0x1f: {  	s9 =	smul.u32 $0xF7A, s1;
	s8 =	simm.s32 @!p0 $0x1BF5;
	p2 =	por !p2, p0  }
0x20: {  	[sflag:s8] =	ssyncset.s32 @!p0 $0xFFFFF086;
	s6 =	sadd.s32 @!p0 s3, s7;
	s7 =	simm.s32 @!p0 $0x108  }
0x21: {  	s3 =	sadd.s32 s3, s9;
	s6 =	sadd.s32 @!p0 $0x88, s6;
	s7 =	simm.s32 @p2 $0x1082  }
0x22: {  	[simem:s7], [sflag:s8] =	dma.local @!p0 [hbm:s6], $0xF7A  }
0x23: {  	s9 =	sor.u32 $0xD0000000, s2;
	s6 =	simm.s32 $0x108;
	_ =	swait.ge @!p0 [sflag:s8], $0x0  }
0x24: {  	s3 =	sadd.s32 $0x88, s3;
	s6 =	simm.s32 @!p1 $0x1082;
	[sflag:s4] =	ssyncset.s32 $0xFFFFF086  }
0x25: {  	[simem:s6], [sflag:s4] =	dma.local [hbm:s3], $0xF7A  }
0x26: {  	[smem:$0x3F96] =	sst s1;
	(tag) =	ssettag s2;
	_ =	strace s9  }
0x27: {  	s1 =	sld [smem:$0x3FA6]  }
0x28: {  	s2 =	sld [smem:$0x3FA7]  }
0x29: {  	s4 =	sld [smem:$0x3FA9]  }
0x2a: {  	p0 =	seq.s32 s5, $0x0;
	s5 =	sld [smem:$0x3FAA]  }
0x2b: {  	s6 =	sld [smem:$0x3FAB]  }
0x2c: {  	s7 =	sld [smem:$0x3FAC]  }
0x2d: {  	s3 =	simm.s32 $0x108;
	s8 =	sld [smem:$0x3FAD]  }
0x2e: {  	s3 =	simm.s32 @!p0 $0x1082;
	s9 =	sld [smem:$0x3FAE]  }
0x2f: {  	lr =	sadd.s32 s0, s3;
	s0 =	sld [smem:$0x3FA5]  }
0x30: {  	s3 =	sld [smem:$0x3FA8]  }
0x31: {  	[smem:$0x3FB1] =	sst s10  }
0x32: {  	s10 =	sld [smem:$0x3FAF];
	_ =	sdelay $0x3  }
0x33: {  	p0 =	seq.s32 s10, $0x1;
	s10 =	sld [smem:$0x3FB1];
	_ =	sdelay $0x3  }
0x34: {  	[smem:$0x3FB1] =	sst s10  }
0x35: {  	s10 =	sld [smem:$0x3FB0];
	_ =	sdelay $0x3  }
0x36: {  	p1 =	seq.s32 s10, $0x1;
	s10 =	sld [smem:$0x3FB1];
	_ =	sdelay $0x3  }
0x37: {  	[smem:$0x3FB1] =	sst s10  }
0x38: {  	s10 =	sld [smem:$0x3FB2]  }
0x39: {  	_ = 	snop;
	(pc) =	sbr.ind lr, $3  }
0x3a: {  	_ = 	snop  }
0x3b: {  	_ = 	snop  }
0x3c: {  	p2 =	seq.s32 s10, $0x1;
	s10 =	sld [smem:$0x3FB1]  }
0x3d: {  	_ =	shalt  }
0x3e: {  	_ =	shalt  }
0x3f: {  	_ =	shalt  }
0x40: {  	_ =	shalt  }
0x41: {  	_ =	shalt  }
0x42: {  	_ =	shalt  }
0x43: {  	_ =	shalt  }
0x44: {  	_ =	shalt  }
0x45: {  	_ =	shalt  }
0x46: {  	_ =	shalt  }
0x47: {  	_ =	shalt  }
0x48: {  	_ =	shalt  }
0x49: {  	_ =	shalt  }
0x4a: {  	_ =	shalt  }
0x4b: {  	_ =	shalt  }
0x4c: {  	_ =	shalt  }
0x4d: {  	_ =	shalt  }
0x4e: {  	_ =	shalt  }
0x4f: {  	_ =	shalt  }
0x50: {  	_ =	shalt  }
0x51: {  	_ =	shalt  }
0x52: {  	_ =	shalt  }
0x53: {  	_ =	shalt  }
0x54: {  	_ =	shalt  }
0x55: {  	_ =	shalt  }
0x56: {  	_ =	shalt  }
0x57: {  	_ =	shalt  }
0x58: {  	_ =	shalt  }
0x59: {  	_ =	shalt  }
0x5a: {  	_ =	shalt  }
0x5b: {  	_ =	shalt  }
0x5c: {  	_ =	shalt  }
0x5d: {  	_ =	shalt  }
0x5e: {  	_ =	shalt  }
0x5f: {  	_ =	shalt  }
0x60: {  	_ =	shalt  }
0x61: {  	_ =	shalt  }
0x62: {  	_ =	shalt  }
0x63: {  	_ =	shalt  }
0x64: {  	_ =	shalt  }
0x65: {  	_ =	shalt  }
0x66: {  	_ =	shalt  }
0x67: {  	_ =	shalt  }
0x68: {  	_ =	shalt  }
0x69: {  	_ =	shalt  }
0x6a: {  	_ =	shalt  }
0x6b: {  	_ =	shalt  }
0x6c: {  	_ =	shalt  }
0x6d: {  	_ =	shalt  }
0x6e: {  	_ =	shalt  }
0x6f: {  	_ =	shalt  }
0x70: {  	_ =	shalt  }
0x71: {  	_ =	shalt  }
0x72: {  	_ =	shalt  }
0x73: {  	_ =	shalt  }
0x74: {  	_ =	shalt  }
0x75: {  	_ =	shalt  }
0x76: {  	_ =	shalt  }
0x77: {  	_ =	shalt  }
0x78: {  	_ =	shalt  }
0x79: {  	_ =	shalt  }
0x7a: {  	_ =	shalt  }
0x7b: {  	_ =	shalt  }
0x7c: {  	_ =	shalt  }
0x7d: {  	_ =	shalt  }
0x7e: {  	_ =	shalt  }
0x7f: {  	_ =	shalt  }
0x80: {  	_ =	shalt  }
0x81: {  	_ =	shalt  }
0x82: {  	_ =	shalt  }
0x83: {  	_ =	shalt  }
0x84: {  	_ =	shalt  }
0x85: {  	_ =	shalt  }
0x86: {  	_ =	shalt  }
0x87: {  	_ =	shalt  }
.Lfunc_end0:
.L_simem_size_0:
called_computation_lowered:
.L_overlay_start_0:
0x88: {  	s2 =	sld [smem:$0x3FD9]  }
0x89: {  	s3 =	sld [smem:$0x3FFE];
	_ =	sdelay $0x1  }
0x8a: {  	s1 =	srdreg.scid  }
0x8b: {  	s0 =	sand.u32 $0x1, s1  }
0x8c: {  	s17 =	sshll.u32 s0, $0xA;
	s2 =	sadd.s32 s3, s2  }
0x8d: {  	s2 =	sadd.s32 s2, s17  }
0x8e: {  	[smem:$0x3FBD] =	sst s2  }
0x8f: {  	_ = 	snop  }
0x90: {  	s2 =	sld [smem:$0x3FD0];
	(tm) =	ssettm $0x1  }
0x91: {  	s18 =	sld [smem:$0x3FFB];
	_ =	sdelay $0x3  }
0x92: {  	_ =	strace s18  }
0x93: {  	s3 =	sld [smem:$0x3FFC];
	_ =	sdelay $0x3  }
0x94: {  	_ =	strace s3  }
0x95: {  	s3 =	sld [smem:$0x3FFD];
	_ =	sdelay $0x3  }
0x96: {  	_ =	strace s3  }
0x97: {  	_ =	strace $0x8FFFFFFF  }
0x98: {  	s19 =	sld [smem:$0x3FDB];
	_ =	sdelay $0x1  }
0x99: {  	s4 =	simm.s32 $_scs_section_size  }
0x9a: {  	s5 =	simm.s32 $_size__tile_overlayer_lowered;
	s6 =	simm.s32 $_tile_overlayer_lowered  }
0x9b: {  	s22 =	simm.s32 $0x1BFF;
	s21 =	sshll.u32 s6, $0x1;
	s3 =	sadd.s32 s4, s19  }
0x9c: {  	s7 =	simm.s32 $0x0;
	s20 =	sshll.u32 s5, $0x1;
	s5 =	sadd.s32 s21, s3  }
0x9d: {  	[timem:s7], [sflag:s22] =	dma.local [hbm:s5], s20  }
0x9e: {  	_ =	swait.ge [sflag:s22], s20  }
0x9f: {  	s4 =	ssub.s32 $0x0, s20;
	[sflag:s22] =	ssyncset.done $0x0  }
0xa0: {  	[sflag:s22] =	ssyncadd.s32 s4;
	_ =	sdelay $0x1  }
0xa1: {  	s23 =	simm.s32 $0x1B8B  }
0xa2: {  	_ =	swait.ge [sflag:s23], $0x1  }
0xa3: {  	[sflag:s23] =	ssyncset.done $0x0  }
0xa4: {  	s25 =	simm.s32 $0x1B8E;
	s24 =	sld [smem:$0x3FFE];
	[sflag:s23] =	ssyncadd.s32 $0xFFFFFFFF  }
0xa5: {  	s26 =	simm.s32 $execute0_lowered;
	[smem:$0x3FD2] =	sst s25  }
0xa6: {  	s5 =	sshll.u32 s26, $0x1;
	_ =	strace $0x80000046;
	[dreg:$0x1] =	wrdreg $0xFFFFFFFF  }
0xa7: {  	s28 =	simm.s32 $_size_execute0_lowered;
	s3 =	sadd.s32 s3, s5;
	[dreg:$0x0] =	wrdreg $0x0  }
0xa8: {  	s5 =	sshll.u32 s28, $0x1;
	[dreg:$0x2] =	wrdreg s3  }
0xa9: {  	[dreg:$0x3] =	wrdreg s5  }
0xaa: {  	[dreg:$0x4] =	wrdreg $0xC0  }
0xab: {  	_ =	task [dreg:s7], $0x5FFFF  }
0xac: {  	[dreg:$0x1] =	wrdreg $0xFFFFFFFF  }
0xad: {  	[dreg:$0x0] =	wrdreg $0x60  }
0xae: {  	[dreg:$0x2] =	wrdreg s24  }
0xaf: {  	[dreg:$0x3] =	wrdreg s2  }
0xb0: {  	[dreg:$0x4] =	wrdreg $0x0  }
0xb1: {  	[dreg:$0x5] =	wrdreg $0x9  }
0xb2: {  	_ =	task.clear_ibuf [dreg:s7], $0x6FFFF;
	_ =	strace $0x90000046  }
0xb3: {  	s29 =	simm.s32 $0x9;
	_ =	strace $0x80000048  }
0xb4: {  	_ =	swait.ge [sflag:s29], $0x1  }
0xb5: {  	[sflag:s29] =	ssyncadd.s32 $0xFFFFFFFF  }
0xb6: {  	_ =	strace $0x90000048  }
0xb7: {  	_ =	sfence  }
0xb8: {  	s30 =	sld [smem:$0x0];
	_ =	sdelay $0x2  }
0xb9: {  	s31 =	sshll.u32 s1, $0xD;
	s1 =	sshrl.u32 s1, $0x2  }
0xba: {  	s3 =	sand.u32 $0x4000, s31;
	s1 =	sadd.s32 s1, s30  }
0xbb: {  	s0 =	sor.u32 s3, s0;
	s1 =	sshll.u32 s1, $0x11  }
0xbc: {  	s0 =	sor.u32 s1, s0  }
0xbd: {  	s0 =	sadd.s32 $0x8F2B, s0  }
0xbe: {  	[sflag:s0] =	ssyncadd.remote.s32 $0x1  }
0xbf: {  	_ =	sfence.sel $0xFFFF  }
0xc0: {  	[dreg:$0x0] =	wrdreg $0xFFFFFFFF;
	(pc) =	sbr.abs _section_cstart, $3  }
0xc1: {  	[dreg:$0x1] =	wrdreg $0xFFFFFFFF  }
0xc2: {  	_ =	task.clear_ibuf [dreg:s7], $0x2FFFF;
	_ =	strace $0x9FFFFFFF  }
0xc3: {  	(tm) =	ssettm $0x7FFFFFFF  }
tec
execute0_lowered:
.L_overlay_start_1:
0x0: {  	(tag) =	ssettag $0x1  }
0x1: {  	s5 =	rddreg [dreg:$0x0]  }
0x2: {  	s8 =	rddreg [dreg:$0x1];
	s0 =	srdreg.scid  }
0x3: {  	s2 =	rddreg [dreg:$0x2];
	s13 =	stileid.u32;
	s3 =	simm.s32 $0x0  }
0x4: {  	s14 =	simm.s32 $0x14080;
	s16 =	simm.s32 $0x14100;
	s17 =	simm.s32 $0x14180  }
0x5: {  	s18 =	simm.s32 $0x14200;
	s19 =	simm.s32 $0x14280;
	[smem:$0x7FF] =	sst s3  }
0x6: {  	s21 =	simm.s32 $0x14300;
	_ =	strace $0x80000047;
	[dreg:$0x5] =	wrdreg s14  }
0x7: {  	s9 =	sand.u32 $0x1, s0;
	s6 =	smul.u32 $0x14000, s13;
	[dreg:$0x6] =	wrdreg s16  }
0x8: {  	s4 =	sshrl.u32 s13, $0x3;
	s12 =	smul.u32 $0xA00, s13;
	[dreg:$0x7] =	wrdreg s17  }
0x9: {  	s7 =	sshll.u32 s13, $0x7;
	s13 =	smul.u32 $0x50000, s13;
	[dreg:$0x8] =	wrdreg s18  }
0xa: {  	s23 =	simm.s32 $0x14380;
	s0 =	smul.u32 $0x140000, s9;
	[dreg:$0x9] =	wrdreg s19  }
0xb: {  	s25 =	simm.s32 $0x15080;
	s1 =	smul.u32 $0x28000, s9;
	[dreg:$0xa] =	wrdreg s21  }
0xc: {  	s4 =	smul.u32 $0x14000, s4;
	s7 =	sand.u32 $0x380, s7;
	[dreg:$0xb] =	wrdreg s23  }
0xd: {  	s26 =	ssub.s32 $0x2, s9;
	[dreg:$0xc] =	wrdreg s25;
	s17 =	simm.s32 $0x14580  }
0xe: {  	s18 =	simm.s32 $0x15100;
	s19 =	simm.s32 $0x14600;
	[dreg:$0x10] =	wrdreg s17  }
0xf: {  	s25 =	simm.s32 $0x15180;
	s9 =	sshrl.u32 s26, $0x1;
	[dreg:$0x11] =	wrdreg s18  }
0x10: {  	s8 =	sadd.s32 s12, s8;
	s15 =	sshrl.u32 s13, $0x2;
	[dreg:$0x12] =	wrdreg s19  }
0x11: {  	s13 =	simm.s32 $0x14480;
	s14 =	sadd.s32 $0x4000, s6;
	[dreg:$0x16] =	wrdreg s25  }
0x12: {  	s21 =	sadd.s32 $0x8000, s6;
	s17 =	simm.s32 $0x14A80;
	[dreg:$0x4] =	wrdreg s8  }
0x13: {  	s18 =	simm.s32 $0x14B00;
	s25 =	simm.s32 $0x14D80;
	[dreg:$0xe] =	wrdreg s13  }
0x14: {  	s10 =	sadd.s32 s6, s0;
	s1 =	sadd.s32 s1, s4;
	[dreg:$0x1d] =	wrdreg s17  }
0x15: {  	s4 =	sadd.s32 $0x52600, s5;
	s9 =	ssub.s32 s26, s9;
	[dreg:$0x1e] =	wrdreg s18  }
0x16: {  	s16 =	sadd.s32 s14, s2;
	s23 =	sadd.s32 s21, s2;
	[smem:$0x7FB] =	sst s25  }
0x17: {  	s10 =	sshrl.u32 s10, $0x3;
	s7 =	sor.u32 s7, s1;
	[smem:$0x7EE] =	sst s16  }
0x18: {  	s9 =	smax.u32 s9, $0x1;
	[smem:$0x7F0] =	sst s23;
	s16 =	simm.s32 $0x14A00  }
0x19: {  	s23 =	simm.s32 $0x14C80;
	s1 =	sadd.s32 s10, s5;
	[smem:$0x7E8] =	sst s9  }
0x1a: {  	s11 =	sshrl.u32 s7, $0x3;
	s7 =	sadd.s32 $0xA0800, s5;
	[dreg:$0x1c] =	wrdreg s16  }
0x1b: {  	s9 =	sadd.s32 s0, s14;
	s14 =	simm.s32 $0x14980;
	[smem:$0x7F9] =	sst s23  }
0x1c: {  	s11 =	sadd.s32 s11, s5;
	s12 =	sadd.s32 s7, s10;
	[dreg:$0x1a] =	wrdreg s14  }
0x1d: {  	s5 =	sadd.s32 s15, s2;
	s15 =	simm.s32 $0x14500;
	[smem:$0x7ED] =	sst s12  }
0x1e: {  	s10 =	simm.s32 $0x14880;
	[dreg:$0xf] =	wrdreg s15  }
0x1f: {  	s1 =	sadd.s32 $0x2600, s1;
	[dreg:$0x18] =	wrdreg s10  }
0x20: {  	s28 =	simm.s32 $0x16400;
	s29 =	simm.s32 $0x17400;
	[smem:$0x7F8] =	sst s1  }
0x21: {  	s30 =	simm.s32 $0x18400;
	s11 =	sadd.s32 $0xF0800, s11;
	[smem:$0x7FD] =	sst s5  }
0x22: {  	s31 =	simm.s32 $0x19400;
	s20 =	sadd.s32 $0x4000, s5;
	[smem:$0x7E7] =	sst s11  }
0x23: {  	s25 =	simm.s32 $0x15000;
	s22 =	sadd.s32 $0x8000, s5;
	[smem:$0x7E9] =	sst s20  }
0x24: {  	s8 =	simm.s32 $0x80;
	s24 =	sadd.s32 $0xC000, s5;
	[smem:$0x7EA] =	sst s22  }
0x25: {  	s9 =	sshrl.u32 s9, $0x3;
	s26 =	sadd.s32 $0x10000, s5;
	[smem:$0x7EB] =	sst s24  }
0x26: {  	s17 =	simm.s32 $0x15380;
	s9 =	sadd.s32 s7, s9;
	[smem:$0x7EC] =	sst s26  }
0x27: {  	s18 =	simm.s32 $0x0;
	s12 =	simm.s32 $0x14900;
	[smem:$0x7EF] =	sst s9  }
0x28: {  	s23 =	simm.s32 $0x5;
	s15 =	simm.s32 $0x15200;
	[dreg:$0x19] =	wrdreg s12  }
0x29: {  	s16 =	simm.s32 $0x14F80;
	s11 =	simm.s32 $0x14400;
	[dreg:$0x1b] =	wrdreg s15  }
0x2a: {  	s14 =	simm.s32 $0x14E80;
	s20 =	simm.s32 $0x14680;
	[dreg:$0xd] =	wrdreg s11  }
0x2b: {  	s1 =	simm.s32 $0x1B400;
	s22 =	simm.s32 $0x14700;
	[dreg:$0x13] =	wrdreg s20  }
0x2c: {  	s10 =	simm.s32 $0x2;
	s24 =	simm.s32 $0x14780;
	[dreg:$0x14] =	wrdreg s22  }
0x2d: {  	s9 =	sadd.s32 s0, s21;
	s26 =	simm.s32 $0x14800;
	[dreg:$0x15] =	wrdreg s24  }
0x2e: {  	s21 =	simm.s32 $0x15280;
	s12 =	simm.s32 $0x4;
	[dreg:$0x17] =	wrdreg s26  }
0x2f: {  	s15 =	simm.s32 $0x14F00;
	s20 =	simm.s32 $0x14B80;
	[smem:$0x7F5] =	sst s21  }
0x30: {  	s9 =	sshrl.u32 s9, $0x3;
	s22 =	simm.s32 $0x14C00;
	[dreg:$0x1f] =	wrdreg s20  }
0x31: {  	s11 =	sadd.s32 $0xC000, s6;
	s24 =	simm.s32 $0x14D00;
	[smem:$0x7F7] =	sst s22  }
0x32: {  	s6 =	sadd.s32 $0x10000, s6;
	s26 =	simm.s32 $0x15300;
	[smem:$0x7FA] =	sst s24  }
0x33: {  	s9 =	sadd.s32 s7, s9;
	s13 =	sadd.s32 s11, s2;
	[smem:$0x7FC] =	sst s26  }
0x34: {  	s19 =	sadd.s32 s6, s2;
	s22 =	simm.s32 $0x15400;
	[smem:$0x7F1] =	sst s9  }
0x35: {  	s24 =	simm.s32 $0x14000;
	s26 =	simm.s32 $0x20;
	[smem:$0x7F2] =	sst s13  }
0x36: {  	s9 =	sadd.s32 s0, s11;
	[smem:$0x7F4] =	sst s19;
	s0 =	sadd.s32 s0, s6  }
0x37: {  	s6 =	simm.s32 $0x1C400;
	s11 =	simm.s32 $0x3;
	s9 =	sshrl.u32 s9, $0x3  }
0x38: {  	s13 =	simm.s32 $0x14E00;
	s0 =	sshrl.u32 s0, $0x3;
	s9 =	sadd.s32 s7, s9  }
0x39: {  	s0 =	sadd.s32 s7, s0;
	s7 =	simm.s32 $0x1;
	[smem:$0x7F3] =	sst s9  }
0x3a: {  	v0 =	vimm.f32 $0.0e+00;
	v1 =	vimm.f32 $1.000000000e+00;
	[smem:$0x7F6] =	sst s0;
	s0 =	simm.s32 $0x1A400;
	s9 =	simm.s32 $0x1D400  }
.LBB2_1:
0x3b: {  	s19 =	simm.s32 $0x0;
	s21 =	simm.s32 $0x200  }
.LBB2_2:
0x3c: {  	p0 =	sne.s32 s21, $0xFE00;
	[tilespmem:s19+$0x15470] =	vst v0  }
0x3d: {  	[tilespmem:s19+$0x15400] =	vst v0  }
0x3e: {  	[tilespmem:s19+$0x15410] =	vst v0  }
.Ltmp0:
0x3f: {  	[tilespmem:s19+$0x15420] =	vst v0;
	(pc) =	sbr.rel @p0 .LBB2_2-.Ltmp0, $4  }
0x40: {  	[tilespmem:s19+$0x15430] =	vst v0  }
0x41: {  	[tilespmem:s19+$0x15440] =	vst v0  }
0x42: {  	[tilespmem:s19+$0x15450] =	vst v0  }
0x43: {  	[tilespmem:s19+$0x15460] =	vst v0;
	s19 =	sshra.s32 s21, $0x2;
	s21 =	sadd.s32 $0x200, s21  }
0x44: {  	[tilespmem:s19+$0x15470] =	vst v0  }
0x45: {  	[tilespmem:s19+$0x15400] =	vst v0  }
0x46: {  	[tilespmem:s19+$0x15410] =	vst v0  }
0x47: {  	[tilespmem:s19+$0x15420] =	vst v0  }
0x48: {  	[tilespmem:s19+$0x15430] =	vst v0  }
0x49: {  	[tilespmem:s19+$0x15440] =	vst v0  }
0x4a: {  	[tilespmem:s19+$0x15450] =	vst v0  }
0x4b: {  	[tilespmem:s19+$0x15460] =	vst v0;
	s19 =	simm.s32 $0x40;
	s21 =	simm.s32 $0x0  }
.LBB2_4:
0x4c: {  	p0 =	sne.s32 s19, $0x9FC0;
	[tilespmem:s21+$0x1D400] =	vst v0;
	s21 =	smov.u32 s19;
	s19 =	sadd.s32 $0x40, s19  }
.Ltmp1:
0x4d: {  	(pc) =	sbr.rel @p0 .LBB2_4-.Ltmp1, $2  }
0x4e: {  	_ =	sdelay $0x2  }
0x4f: {  	s21 =	sshra.s32 s21, $0x2  }
0x50: {  	[tilespmem:s21+$0x1D400] =	vst v0  }
0x51: {  	[spmem:s5] =	stream.linear.scatter [tilespmem:s22], [sflag:$0x5], $0x4000, $0x38;
	[tilespmem:$0x1FC00] =	vst v63  }
0x52: {  	_ =	swait.ge [sflag:s23], $0x4000  }
0x53: {  	s21 =	sld [smem:$0x7E9]  }
0x54: {  	[sflag:s23] =	ssyncset.done $0x0  }
0x55: {  	[sflag:s23] =	ssyncadd.s32 $0xFFFFC000  }
0x56: {  	[spmem:s21] =	stream.linear.scatter [tilespmem:s22], [sflag:$0x5], $0x4000, $0x38;
	[tilespmem:$0x1FC00] =	vst v63  }
0x57: {  	_ =	swait.ge [sflag:s23], $0x4000  }
0x58: {  	s19 =	sld [smem:$0x7EA]  }
0x59: {  	[sflag:s23] =	ssyncset.done $0x0  }
0x5a: {  	[sflag:s23] =	ssyncadd.s32 $0xFFFFC000  }
0x5b: {  	[spmem:s19] =	stream.linear.scatter [tilespmem:s22], [sflag:$0x5], $0x4000, $0x38;
	[tilespmem:$0x1FC00] =	vst v63  }
0x5c: {  	_ =	swait.ge [sflag:s23], $0x4000  }
0x5d: {  	s20 =	sld [smem:$0x7EB]  }
0x5e: {  	[sflag:s23] =	ssyncset.done $0x0  }
0x5f: {  	[sflag:s23] =	ssyncadd.s32 $0xFFFFC000  }
0x60: {  	[spmem:s20] =	stream.linear.scatter [tilespmem:s22], [sflag:$0x5], $0x4000, $0x38;
	[tilespmem:$0x1FC00] =	vst v63  }
0x61: {  	_ =	swait.ge [sflag:s23], $0x4000  }
0x62: {  	s21 =	sld [smem:$0x7EC]  }
0x63: {  	[sflag:s23] =	ssyncset.done $0x0  }
0x64: {  	[sflag:s23] =	ssyncadd.s32 $0xFFFFC000  }
0x65: {  	[spmem:s21] =	stream.linear.scatter [tilespmem:s22], [sflag:$0x5], $0x4000, $0x38;
	[tilespmem:$0x1FC00] =	vst v63  }
0x66: {  	_ =	swait.ge [sflag:s23], $0x4000  }
0x67: {  	[sflag:s23] =	ssyncset.done $0x0  }
0x68: {  	[sflag:s23] =	ssyncadd.s32 $0xFFFFC000  }
0x69: {  	[bflag:$0x0] =	sbarrier.arrive $0xFFFF  }
0x6a: {  	s21 =	sld [smem:$0x7F8];
	_ =	sdelay $0x1  }
0x6b: {  	s19 =	simm.s32 $0x0  }
.LBB2_6:
0x6c: {  	[tilespmem:s24], [sflag:$0x5] =	stream.linear.gather [hbm4b:s21+s3], $0x1000, $0x38;
	[tilespmem:$0x1FC00] =	vst v63  }
0x6d: {  	_ =	swait.ge [sflag:s23], $0x1000  }
0x6e: {  	s20 =	rddreg [dreg:$0x4];
	[sflag:s23] =	ssyncset.done $0x0  }
0x6f: {  	[sflag:s23] =	ssyncadd.s32 $0xFFFFF000;
	s20 =	sadd.s32 s19, s20  }
0x70: {  	[tilespmem:s25], [sflag:$0x5] =	stream.linear.gather [hbm4b:s20+s3], $0x400, $0x38;
	[tilespmem:$0x1FC00] =	vst v63  }
0x71: {  	_ =	swait.ge [sflag:s23], $0x400  }
0x72: {  	[sflag:s23] =	ssyncset.done $0x0  }
0x73: {  	[sflag:s23] =	ssyncadd.s32 $0xFFFFFC00  }
0x74: {  	[tilespmem:s22], [sflag:$0x1] =	stream.indirect.gather [hbm4b:s4+s26], $0x80, s24, s26, $0xb8;
	[tilespmem:$0x1FC00] =	vst v63  }
0x75: {  	s20 =	rddreg [dreg:$0x5]  }
0x76: {  	[tilespmem:s28], [sflag:$0x1] =	stream.indirect.gather [hbm4b:s4+s26], $0x80, s20, s26, $0xb8;
	[tilespmem:$0x1FC00] =	vst v63  }
0x77: {  	s5 =	rddreg [dreg:$0x6]  }
0x78: {  	[tilespmem:s29], [sflag:$0x1] =	stream.indirect.gather [hbm4b:s4+s26], $0x80, s5, s26, $0xb8;
	[tilespmem:$0x1FC00] =	vst v63  }
0x79: {  	s20 =	rddreg [dreg:$0x7]  }
0x7a: {  	[tilespmem:s30], [sflag:$0x1] =	stream.indirect.gather [hbm4b:s4+s26], $0x80, s20, s26, $0xb8;
	[tilespmem:$0x1FC00] =	vst v63  }
0x7b: {  	s5 =	rddreg [dreg:$0x8]  }
0x7c: {  	[tilespmem:s31], [sflag:$0x2] =	stream.indirect.gather [hbm4b:s4+s26], $0x80, s5, s26, $0xb8;
	[tilespmem:$0x1FC00] =	vst v63  }
0x7d: {  	s20 =	rddreg [dreg:$0x9]  }
0x7e: {  	[tilespmem:s0], [sflag:$0x2] =	stream.indirect.gather [hbm4b:s4+s26], $0x80, s20, s26, $0xb8;
	[tilespmem:$0x1FC00] =	vst v63  }
0x7f: {  	s5 =	rddreg [dreg:$0xa]  }
0x80: {  	[tilespmem:s1], [sflag:$0x2] =	stream.indirect.gather [hbm4b:s4+s26], $0x80, s5, s26, $0xb8;
	[tilespmem:$0x1FC00] =	vst v63  }
0x81: {  	s20 =	rddreg [dreg:$0xb]  }
0x82: {  	[tilespmem:s6], [sflag:$0x2] =	stream.indirect.gather [hbm4b:s4+s26], $0x80, s20, s26, $0xb8;
	[tilespmem:$0x1FC00] =	vst v63  }
0x83: {  	_ =	swait.ge [sflag:s7], $0x1000  }
0x84: {  	[sflag:s7] =	ssyncset.done $0x0  }
0x85: {  	[sflag:s7] =	ssyncadd.s32 $0xFFFFF000  }
0x86: {  	_ =	swait.ge [sflag:s7], $0x1000  }
0x87: {  	[sflag:s7] =	ssyncset.done $0x0  }
0x88: {  	[sflag:s7] =	ssyncadd.s32 $0xFFFFF000  }
0x89: {  	_ =	swait.ge [sflag:s7], $0x1000  }
0x8a: {  	[sflag:s7] =	ssyncset.done $0x0  }
0x8b: {  	[sflag:s7] =	ssyncadd.s32 $0xFFFFF000  }
0x8c: {  	_ =	swait.ge [sflag:s7], $0x1000  }
0x8d: {  	[sflag:s7] =	ssyncset.done $0x0  }
0x8e: {  	[sflag:s7] =	ssyncadd.s32 $0xFFFFF000  }
0x8f: {  	[spmem:s2] =	stream.indirect.scatter.add.f32 [tilespmem:s22], [sflag:$0x3], $0x80, s25, s8, $0xb8;
	[tilespmem:$0x1FC00] =	vst v63  }
0x90: {  	v2 =	vld [tilespmem:$0x15000];
	_ =	sdelay $0x7  }
0x91: {  	[tilespmem:v2+s9+$0x0] =	vst.idx.add.f32.msk $0xffff, v1  }
0x92: {  	v2 =	vld [tilespmem:$0x15010];
	_ =	sdelay $0x7  }
0x93: {  	[tilespmem:v2+s9+$0x0] =	vst.idx.add.f32.msk $0xffff, v1  }
0x94: {  	v2 =	vld [tilespmem:$0x15020];
	_ =	sdelay $0x7  }
0x95: {  	[tilespmem:v2+s9+$0x0] =	vst.idx.add.f32.msk $0xffff, v1  }
0x96: {  	v2 =	vld [tilespmem:$0x15030];
	_ =	sdelay $0x7  }
0x97: {  	[tilespmem:v2+s9+$0x0] =	vst.idx.add.f32.msk $0xffff, v1  }
0x98: {  	v2 =	vld [tilespmem:$0x15040];
	_ =	sdelay $0x7  }
0x99: {  	[tilespmem:v2+s9+$0x0] =	vst.idx.add.f32.msk $0xffff, v1  }
0x9a: {  	v2 =	vld [tilespmem:$0x15050];
	_ =	sdelay $0x7  }
0x9b: {  	[tilespmem:v2+s9+$0x0] =	vst.idx.add.f32.msk $0xffff, v1  }
0x9c: {  	v2 =	vld [tilespmem:$0x15060];
	_ =	sdelay $0x7  }
0x9d: {  	[tilespmem:v2+s9+$0x0] =	vst.idx.add.f32.msk $0xffff, v1  }
0x9e: {  	v2 =	vld [tilespmem:$0x15070];
	_ =	sdelay $0x7  }
0x9f: {  	[tilespmem:v2+s9+$0x0] =	vst.idx.add.f32.msk $0xffff, v1  }
0xa0: {  	_ =	swait.ge [sflag:s10], $0x1000  }
0xa1: {  	[sflag:s10] =	ssyncset.done $0x0  }
0xa2: {  	[sflag:s10] =	ssyncadd.s32 $0xFFFFF000  }
0xa3: {  	_ =	swait.ge [sflag:s10], $0x1000  }
0xa4: {  	[sflag:s10] =	ssyncset.done $0x0  }
0xa5: {  	[sflag:s10] =	ssyncadd.s32 $0xFFFFF000  }
0xa6: {  	_ =	swait.ge [sflag:s10], $0x1000  }
0xa7: {  	[sflag:s10] =	ssyncset.done $0x0  }
0xa8: {  	[sflag:s10] =	ssyncadd.s32 $0xFFFFF000  }
0xa9: {  	_ =	swait.ge [sflag:s10], $0x1000  }
0xaa: {  	[sflag:s10] =	ssyncset.done $0x0  }
0xab: {  	s20 =	rddreg [dreg:$0xc];
	[sflag:s10] =	ssyncadd.s32 $0xFFFFF000  }
0xac: {  	[spmem:s2] =	stream.indirect.scatter.add.f32 [tilespmem:s31], [sflag:$0x4], $0x80, s20, s8, $0xb8;
	[tilespmem:$0x1FC00] =	vst v63  }
0xad: {  	v2 =	vld [tilespmem:$0x15080];
	_ =	sdelay $0x7  }
0xae: {  	[tilespmem:v2+s9+$0x0] =	vst.idx.add.f32.msk $0xffff, v1  }
0xaf: {  	v2 =	vld [tilespmem:$0x15090];
	_ =	sdelay $0x7  }
0xb0: {  	[tilespmem:v2+s9+$0x0] =	vst.idx.add.f32.msk $0xffff, v1  }
0xb1: {  	v2 =	vld [tilespmem:$0x150A0];
	_ =	sdelay $0x7  }
0xb2: {  	[tilespmem:v2+s9+$0x0] =	vst.idx.add.f32.msk $0xffff, v1  }
0xb3: {  	v2 =	vld [tilespmem:$0x150B0];
	_ =	sdelay $0x7  }
0xb4: {  	[tilespmem:v2+s9+$0x0] =	vst.idx.add.f32.msk $0xffff, v1  }
0xb5: {  	v2 =	vld [tilespmem:$0x150C0];
	_ =	sdelay $0x7  }
0xb6: {  	[tilespmem:v2+s9+$0x0] =	vst.idx.add.f32.msk $0xffff, v1  }
0xb7: {  	v2 =	vld [tilespmem:$0x150D0];
	_ =	sdelay $0x7  }
0xb8: {  	[tilespmem:v2+s9+$0x0] =	vst.idx.add.f32.msk $0xffff, v1  }
0xb9: {  	v2 =	vld [tilespmem:$0x150E0];
	_ =	sdelay $0x7  }
0xba: {  	[tilespmem:v2+s9+$0x0] =	vst.idx.add.f32.msk $0xffff, v1  }
0xbb: {  	v2 =	vld [tilespmem:$0x150F0];
	_ =	sdelay $0x7  }
0xbc: {  	[tilespmem:v2+s9+$0x0] =	vst.idx.add.f32.msk $0xffff, v1  }
0xbd: {  	_ =	swait.ge [sflag:s11], $0x4000  }
0xbe: {  	[sflag:s11] =	ssyncset.done $0x0  }
0xbf: {  	s5 =	rddreg [dreg:$0xd];
	[sflag:s11] =	ssyncadd.s32 $0xFFFFC000  }
0xc0: {  	[tilespmem:s22], [sflag:$0x1] =	stream.indirect.gather [hbm4b:s4+s26], $0x80, s5, s26, $0xb8;
	[tilespmem:$0x1FC00] =	vst v63  }
0xc1: {  	s20 =	rddreg [dreg:$0xe]  }
0xc2: {  	[tilespmem:s28], [sflag:$0x1] =	stream.indirect.gather [hbm4b:s4+s26], $0x80, s20, s26, $0xb8;
	[tilespmem:$0x1FC00] =	vst v63  }
0xc3: {  	s5 =	rddreg [dreg:$0xf]  }
0xc4: {  	[tilespmem:s29], [sflag:$0x1] =	stream.indirect.gather [hbm4b:s4+s26], $0x80, s5, s26, $0xb8;
	[tilespmem:$0x1FC00] =	vst v63  }
0xc5: {  	s20 =	rddreg [dreg:$0x10]  }
0xc6: {  	[tilespmem:s30], [sflag:$0x1] =	stream.indirect.gather [hbm4b:s4+s26], $0x80, s20, s26, $0xb8;
	[tilespmem:$0x1FC00] =	vst v63  }
0xc7: {  	_ =	swait.ge [sflag:s7], $0x1000  }
0xc8: {  	[sflag:s7] =	ssyncset.done $0x0  }
0xc9: {  	[sflag:s7] =	ssyncadd.s32 $0xFFFFF000  }
0xca: {  	_ =	swait.ge [sflag:s7], $0x1000  }
0xcb: {  	[sflag:s7] =	ssyncset.done $0x0  }
0xcc: {  	[sflag:s7] =	ssyncadd.s32 $0xFFFFF000  }
0xcd: {  	_ =	swait.ge [sflag:s7], $0x1000  }
0xce: {  	[sflag:s7] =	ssyncset.done $0x0  }
0xcf: {  	[sflag:s7] =	ssyncadd.s32 $0xFFFFF000  }
0xd0: {  	_ =	swait.ge [sflag:s7], $0x1000  }
0xd1: {  	[sflag:s7] =	ssyncset.done $0x0  }
0xd2: {  	s20 =	rddreg [dreg:$0x11];
	[sflag:s7] =	ssyncadd.s32 $0xFFFFF000  }
0xd3: {  	[spmem:s2] =	stream.indirect.scatter.add.f32 [tilespmem:s22], [sflag:$0x3], $0x80, s20, s8, $0xb8;
	[tilespmem:$0x1FC00] =	vst v63  }
0xd4: {  	v2 =	vld [tilespmem:$0x15100];
	_ =	sdelay $0x7  }
0xd5: {  	[tilespmem:v2+s9+$0x0] =	vst.idx.add.f32.msk $0xffff, v1  }
0xd6: {  	v2 =	vld [tilespmem:$0x15110];
	_ =	sdelay $0x7  }
0xd7: {  	[tilespmem:v2+s9+$0x0] =	vst.idx.add.f32.msk $0xffff, v1  }
0xd8: {  	v2 =	vld [tilespmem:$0x15120];
	_ =	sdelay $0x7  }
0xd9: {  	[tilespmem:v2+s9+$0x0] =	vst.idx.add.f32.msk $0xffff, v1  }
0xda: {  	v2 =	vld [tilespmem:$0x15130];
	_ =	sdelay $0x7  }
0xdb: {  	[tilespmem:v2+s9+$0x0] =	vst.idx.add.f32.msk $0xffff, v1  }
0xdc: {  	v2 =	vld [tilespmem:$0x15140];
	_ =	sdelay $0x7  }
0xdd: {  	[tilespmem:v2+s9+$0x0] =	vst.idx.add.f32.msk $0xffff, v1  }
0xde: {  	v2 =	vld [tilespmem:$0x15150];
	_ =	sdelay $0x7  }
0xdf: {  	[tilespmem:v2+s9+$0x0] =	vst.idx.add.f32.msk $0xffff, v1  }
0xe0: {  	v2 =	vld [tilespmem:$0x15160];
	_ =	sdelay $0x7  }
0xe1: {  	[tilespmem:v2+s9+$0x0] =	vst.idx.add.f32.msk $0xffff, v1  }
0xe2: {  	v2 =	vld [tilespmem:$0x15170];
	_ =	sdelay $0x7  }
0xe3: {  	[tilespmem:v2+s9+$0x0] =	vst.idx.add.f32.msk $0xffff, v1  }
0xe4: {  	_ =	swait.ge [sflag:s12], $0x4000  }
0xe5: {  	[sflag:s12] =	ssyncset.done $0x0  }
0xe6: {  	s5 =	rddreg [dreg:$0x12];
	[sflag:s12] =	ssyncadd.s32 $0xFFFFC000  }
0xe7: {  	[tilespmem:s31], [sflag:$0x2] =	stream.indirect.gather [hbm4b:s4+s26], $0x80, s5, s26, $0xb8;
	[tilespmem:$0x1FC00] =	vst v63  }
0xe8: {  	s20 =	rddreg [dreg:$0x13]  }
0xe9: {  	[tilespmem:s0], [sflag:$0x2] =	stream.indirect.gather [hbm4b:s4+s26], $0x80, s20, s26, $0xb8;
	[tilespmem:$0x1FC00] =	vst v63  }
0xea: {  	s5 =	rddreg [dreg:$0x14]  }
0xeb: {  	[tilespmem:s1], [sflag:$0x2] =	stream.indirect.gather [hbm4b:s4+s26], $0x80, s5, s26, $0xb8;
	[tilespmem:$0x1FC00] =	vst v63  }
0xec: {  	s20 =	rddreg [dreg:$0x15]  }
0xed: {  	[tilespmem:s6], [sflag:$0x2] =	stream.indirect.gather [hbm4b:s4+s26], $0x80, s20, s26, $0xb8;
	[tilespmem:$0x1FC00] =	vst v63  }
0xee: {  	_ =	swait.ge [sflag:s10], $0x1000  }
0xef: {  	[sflag:s10] =	ssyncset.done $0x0  }
0xf0: {  	[sflag:s10] =	ssyncadd.s32 $0xFFFFF000  }
0xf1: {  	_ =	swait.ge [sflag:s10], $0x1000  }
0xf2: {  	[sflag:s10] =	ssyncset.done $0x0  }
0xf3: {  	[sflag:s10] =	ssyncadd.s32 $0xFFFFF000  }
0xf4: {  	_ =	swait.ge [sflag:s10], $0x1000  }
0xf5: {  	[sflag:s10] =	ssyncset.done $0x0  }
0xf6: {  	[sflag:s10] =	ssyncadd.s32 $0xFFFFF000  }
0xf7: {  	_ =	swait.ge [sflag:s10], $0x1000  }
0xf8: {  	[sflag:s10] =	ssyncset.done $0x0  }
0xf9: {  	s20 =	rddreg [dreg:$0x16];
	[sflag:s10] =	ssyncadd.s32 $0xFFFFF000  }
0xfa: {  	[spmem:s2] =	stream.indirect.scatter.add.f32 [tilespmem:s31], [sflag:$0x4], $0x80, s20, s8, $0xb8;
	[tilespmem:$0x1FC00] =	vst v63  }
0xfb: {  	v2 =	vld [tilespmem:$0x15180];
	_ =	sdelay $0x7  }
0xfc: {  	[tilespmem:v2+s9+$0x0] =	vst.idx.add.f32.msk $0xffff, v1  }
0xfd: {  	v2 =	vld [tilespmem:$0x15190];
	_ =	sdelay $0x7  }
0xfe: {  	[tilespmem:v2+s9+$0x0] =	vst.idx.add.f32.msk $0xffff, v1  }
0xff: {  	v2 =	vld [tilespmem:$0x151A0];
	_ =	sdelay $0x7  }
0x100: {  	[tilespmem:v2+s9+$0x0] =	vst.idx.add.f32.msk $0xffff, v1  }
0x101: {  	v2 =	vld [tilespmem:$0x151B0];
	_ =	sdelay $0x7  }
0x102: {  	[tilespmem:v2+s9+$0x0] =	vst.idx.add.f32.msk $0xffff, v1  }
0x103: {  	v2 =	vld [tilespmem:$0x151C0];
	_ =	sdelay $0x7  }
0x104: {  	[tilespmem:v2+s9+$0x0] =	vst.idx.add.f32.msk $0xffff, v1  }
0x105: {  	v2 =	vld [tilespmem:$0x151D0];
	_ =	sdelay $0x7  }
0x106: {  	[tilespmem:v2+s9+$0x0] =	vst.idx.add.f32.msk $0xffff, v1  }
0x107: {  	v2 =	vld [tilespmem:$0x151E0];
	_ =	sdelay $0x7  }
0x108: {  	[tilespmem:v2+s9+$0x0] =	vst.idx.add.f32.msk $0xffff, v1  }
0x109: {  	v2 =	vld [tilespmem:$0x151F0];
	_ =	sdelay $0x7  }
0x10a: {  	[tilespmem:v2+s9+$0x0] =	vst.idx.add.f32.msk $0xffff, v1  }
0x10b: {  	_ =	swait.ge [sflag:s11], $0x4000  }
0x10c: {  	[sflag:s11] =	ssyncset.done $0x0  }
0x10d: {  	s5 =	rddreg [dreg:$0x17];
	[sflag:s11] =	ssyncadd.s32 $0xFFFFC000  }
0x10e: {  	[tilespmem:s22], [sflag:$0x1] =	stream.indirect.gather [hbm4b:s4+s26], $0x80, s5, s26, $0xb8;
	[tilespmem:$0x1FC00] =	vst v63  }
0x10f: {  	s20 =	rddreg [dreg:$0x18]  }
0x110: {  	[tilespmem:s28], [sflag:$0x1] =	stream.indirect.gather [hbm4b:s4+s26], $0x80, s20, s26, $0xb8;
	[tilespmem:$0x1FC00] =	vst v63  }
0x111: {  	s5 =	rddreg [dreg:$0x19]  }
0x112: {  	[tilespmem:s29], [sflag:$0x1] =	stream.indirect.gather [hbm4b:s4+s26], $0x80, s5, s26, $0xb8;
	[tilespmem:$0x1FC00] =	vst v63  }
0x113: {  	s20 =	rddreg [dreg:$0x1a]  }
0x114: {  	[tilespmem:s30], [sflag:$0x1] =	stream.indirect.gather [hbm4b:s4+s26], $0x80, s20, s26, $0xb8;
	[tilespmem:$0x1FC00] =	vst v63  }
0x115: {  	_ =	swait.ge [sflag:s7], $0x1000  }
0x116: {  	[sflag:s7] =	ssyncset.done $0x0  }
0x117: {  	[sflag:s7] =	ssyncadd.s32 $0xFFFFF000  }
0x118: {  	_ =	swait.ge [sflag:s7], $0x1000  }
0x119: {  	[sflag:s7] =	ssyncset.done $0x0  }
0x11a: {  	[sflag:s7] =	ssyncadd.s32 $0xFFFFF000  }
0x11b: {  	_ =	swait.ge [sflag:s7], $0x1000  }
0x11c: {  	[sflag:s7] =	ssyncset.done $0x0  }
0x11d: {  	[sflag:s7] =	ssyncadd.s32 $0xFFFFF000  }
0x11e: {  	_ =	swait.ge [sflag:s7], $0x1000  }
0x11f: {  	[sflag:s7] =	ssyncset.done $0x0  }
0x120: {  	s20 =	rddreg [dreg:$0x1b];
	[sflag:s7] =	ssyncadd.s32 $0xFFFFF000  }
0x121: {  	[spmem:s2] =	stream.indirect.scatter.add.f32 [tilespmem:s22], [sflag:$0x3], $0x80, s20, s8, $0xb8;
	[tilespmem:$0x1FC00] =	vst v63  }
0x122: {  	v2 =	vld [tilespmem:$0x15200];
	_ =	sdelay $0x7  }
0x123: {  	[tilespmem:v2+s9+$0x0] =	vst.idx.add.f32.msk $0xffff, v1  }
0x124: {  	v2 =	vld [tilespmem:$0x15210];
	_ =	sdelay $0x7  }
0x125: {  	[tilespmem:v2+s9+$0x0] =	vst.idx.add.f32.msk $0xffff, v1  }
0x126: {  	v2 =	vld [tilespmem:$0x15220];
	_ =	sdelay $0x7  }
0x127: {  	[tilespmem:v2+s9+$0x0] =	vst.idx.add.f32.msk $0xffff, v1  }
0x128: {  	v2 =	vld [tilespmem:$0x15230];
	_ =	sdelay $0x7  }
0x129: {  	[tilespmem:v2+s9+$0x0] =	vst.idx.add.f32.msk $0xffff, v1  }
0x12a: {  	v2 =	vld [tilespmem:$0x15240];
	_ =	sdelay $0x7  }
0x12b: {  	[tilespmem:v2+s9+$0x0] =	vst.idx.add.f32.msk $0xffff, v1  }
0x12c: {  	v2 =	vld [tilespmem:$0x15250];
	_ =	sdelay $0x7  }
0x12d: {  	[tilespmem:v2+s9+$0x0] =	vst.idx.add.f32.msk $0xffff, v1  }
0x12e: {  	v2 =	vld [tilespmem:$0x15260];
	_ =	sdelay $0x7  }
0x12f: {  	[tilespmem:v2+s9+$0x0] =	vst.idx.add.f32.msk $0xffff, v1  }
0x130: {  	v2 =	vld [tilespmem:$0x15270];
	_ =	sdelay $0x7  }
0x131: {  	[tilespmem:v2+s9+$0x0] =	vst.idx.add.f32.msk $0xffff, v1  }
0x132: {  	_ =	swait.ge [sflag:s12], $0x4000  }
0x133: {  	[sflag:s12] =	ssyncset.done $0x0  }
0x134: {  	s5 =	rddreg [dreg:$0x1c];
	[sflag:s12] =	ssyncadd.s32 $0xFFFFC000  }
0x135: {  	[tilespmem:s31], [sflag:$0x2] =	stream.indirect.gather [hbm4b:s4+s26], $0x80, s5, s26, $0xb8;
	[tilespmem:$0x1FC00] =	vst v63  }
0x136: {  	s20 =	rddreg [dreg:$0x1d]  }
0x137: {  	[tilespmem:s0], [sflag:$0x2] =	stream.indirect.gather [hbm4b:s4+s26], $0x80, s20, s26, $0xb8;
	[tilespmem:$0x1FC00] =	vst v63  }
0x138: {  	s5 =	rddreg [dreg:$0x1e]  }
0x139: {  	[tilespmem:s1], [sflag:$0x2] =	stream.indirect.gather [hbm4b:s4+s26], $0x80, s5, s26, $0xb8;
	[tilespmem:$0x1FC00] =	vst v63  }
0x13a: {  	s20 =	rddreg [dreg:$0x1f]  }
0x13b: {  	[tilespmem:s6], [sflag:$0x2] =	stream.indirect.gather [hbm4b:s4+s26], $0x80, s20, s26, $0xb8;
	[tilespmem:$0x1FC00] =	vst v63  }
0x13c: {  	_ =	swait.ge [sflag:s10], $0x1000  }
0x13d: {  	[sflag:s10] =	ssyncset.done $0x0  }
0x13e: {  	[sflag:s10] =	ssyncadd.s32 $0xFFFFF000  }
0x13f: {  	_ =	swait.ge [sflag:s10], $0x1000  }
0x140: {  	[sflag:s10] =	ssyncset.done $0x0  }
0x141: {  	[sflag:s10] =	ssyncadd.s32 $0xFFFFF000  }
0x142: {  	_ =	swait.ge [sflag:s10], $0x1000  }
0x143: {  	[sflag:s10] =	ssyncset.done $0x0  }
0x144: {  	[sflag:s10] =	ssyncadd.s32 $0xFFFFF000  }
0x145: {  	_ =	swait.ge [sflag:s10], $0x1000  }
0x146: {  	s20 =	sld [smem:$0x7F5]  }
0x147: {  	[sflag:s10] =	ssyncset.done $0x0  }
0x148: {  	[sflag:s10] =	ssyncadd.s32 $0xFFFFF000  }
0x149: {  	[spmem:s2] =	stream.indirect.scatter.add.f32 [tilespmem:s31], [sflag:$0x4], $0x80, s20, s8, $0xb8;
	[tilespmem:$0x1FC00] =	vst v63  }
0x14a: {  	v2 =	vld [tilespmem:$0x15280];
	_ =	sdelay $0x7  }
0x14b: {  	[tilespmem:v2+s9+$0x0] =	vst.idx.add.f32.msk $0xffff, v1  }
0x14c: {  	v2 =	vld [tilespmem:$0x15290];
	_ =	sdelay $0x7  }
0x14d: {  	[tilespmem:v2+s9+$0x0] =	vst.idx.add.f32.msk $0xffff, v1  }
0x14e: {  	v2 =	vld [tilespmem:$0x152A0];
	_ =	sdelay $0x7  }
0x14f: {  	[tilespmem:v2+s9+$0x0] =	vst.idx.add.f32.msk $0xffff, v1  }
0x150: {  	v2 =	vld [tilespmem:$0x152B0];
	_ =	sdelay $0x7  }
0x151: {  	[tilespmem:v2+s9+$0x0] =	vst.idx.add.f32.msk $0xffff, v1  }
0x152: {  	v2 =	vld [tilespmem:$0x152C0];
	_ =	sdelay $0x7  }
0x153: {  	[tilespmem:v2+s9+$0x0] =	vst.idx.add.f32.msk $0xffff, v1  }
0x154: {  	v2 =	vld [tilespmem:$0x152D0];
	_ =	sdelay $0x7  }
0x155: {  	[tilespmem:v2+s9+$0x0] =	vst.idx.add.f32.msk $0xffff, v1  }
0x156: {  	v2 =	vld [tilespmem:$0x152E0];
	_ =	sdelay $0x7  }
0x157: {  	[tilespmem:v2+s9+$0x0] =	vst.idx.add.f32.msk $0xffff, v1  }
0x158: {  	v2 =	vld [tilespmem:$0x152F0];
	_ =	sdelay $0x7  }
0x159: {  	[tilespmem:v2+s9+$0x0] =	vst.idx.add.f32.msk $0xffff, v1  }
0x15a: {  	_ =	swait.ge [sflag:s11], $0x4000  }
0x15b: {  	s5 =	sld [smem:$0x7F7]  }
0x15c: {  	[sflag:s11] =	ssyncset.done $0x0  }
0x15d: {  	s20 =	sld [smem:$0x7F9];
	[sflag:s11] =	ssyncadd.s32 $0xFFFFC000  }
0x15e: {  	[tilespmem:s22], [sflag:$0x1] =	stream.indirect.gather [hbm4b:s4+s26], $0x80, s5, s26, $0xb8;
	[tilespmem:$0x1FC00] =	vst v63  }
0x15f: {  	s5 =	sld [smem:$0x7FA]  }
0x160: {  	[tilespmem:s28], [sflag:$0x1] =	stream.indirect.gather [hbm4b:s4+s26], $0x80, s20, s26, $0xb8;
	[tilespmem:$0x1FC00] =	vst v63  }
0x161: {  	s20 =	sld [smem:$0x7FB]  }
0x162: {  	[tilespmem:s29], [sflag:$0x1] =	stream.indirect.gather [hbm4b:s4+s26], $0x80, s5, s26, $0xb8;
	[tilespmem:$0x1FC00] =	vst v63  }
0x163: {  	_ = 	snop  }
0x164: {  	[tilespmem:s30], [sflag:$0x1] =	stream.indirect.gather [hbm4b:s4+s26], $0x80, s20, s26, $0xb8;
	[tilespmem:$0x1FC00] =	vst v63  }
0x165: {  	_ =	swait.ge [sflag:s7], $0x1000  }
0x166: {  	[sflag:s7] =	ssyncset.done $0x0  }
0x167: {  	[sflag:s7] =	ssyncadd.s32 $0xFFFFF000  }
0x168: {  	_ =	swait.ge [sflag:s7], $0x1000  }
0x169: {  	[sflag:s7] =	ssyncset.done $0x0  }
0x16a: {  	[sflag:s7] =	ssyncadd.s32 $0xFFFFF000  }
0x16b: {  	_ =	swait.ge [sflag:s7], $0x1000  }
0x16c: {  	[sflag:s7] =	ssyncset.done $0x0  }
0x16d: {  	[sflag:s7] =	ssyncadd.s32 $0xFFFFF000  }
0x16e: {  	_ =	swait.ge [sflag:s7], $0x1000  }
0x16f: {  	s20 =	sld [smem:$0x7FC]  }
0x170: {  	[sflag:s7] =	ssyncset.done $0x0  }
0x171: {  	[sflag:s7] =	ssyncadd.s32 $0xFFFFF000  }
0x172: {  	[spmem:s2] =	stream.indirect.scatter.add.f32 [tilespmem:s22], [sflag:$0x3], $0x80, s20, s8, $0xb8;
	[tilespmem:$0x1FC00] =	vst v63  }
0x173: {  	v2 =	vld [tilespmem:$0x15300];
	_ =	sdelay $0x7  }
0x174: {  	[tilespmem:v2+s9+$0x0] =	vst.idx.add.f32.msk $0xffff, v1  }
0x175: {  	v2 =	vld [tilespmem:$0x15310];
	_ =	sdelay $0x7  }
0x176: {  	[tilespmem:v2+s9+$0x0] =	vst.idx.add.f32.msk $0xffff, v1  }
0x177: {  	v2 =	vld [tilespmem:$0x15320];
	_ =	sdelay $0x7  }
0x178: {  	[tilespmem:v2+s9+$0x0] =	vst.idx.add.f32.msk $0xffff, v1  }
0x179: {  	v2 =	vld [tilespmem:$0x15330];
	_ =	sdelay $0x7  }
0x17a: {  	[tilespmem:v2+s9+$0x0] =	vst.idx.add.f32.msk $0xffff, v1  }
0x17b: {  	v2 =	vld [tilespmem:$0x15340];
	_ =	sdelay $0x7  }
0x17c: {  	[tilespmem:v2+s9+$0x0] =	vst.idx.add.f32.msk $0xffff, v1  }
0x17d: {  	v2 =	vld [tilespmem:$0x15350];
	_ =	sdelay $0x7  }
0x17e: {  	[tilespmem:v2+s9+$0x0] =	vst.idx.add.f32.msk $0xffff, v1  }
0x17f: {  	v2 =	vld [tilespmem:$0x15360];
	_ =	sdelay $0x7  }
0x180: {  	[tilespmem:v2+s9+$0x0] =	vst.idx.add.f32.msk $0xffff, v1  }
0x181: {  	v2 =	vld [tilespmem:$0x15370];
	_ =	sdelay $0x7  }
0x182: {  	[tilespmem:v2+s9+$0x0] =	vst.idx.add.f32.msk $0xffff, v1  }
0x183: {  	_ =	swait.ge [sflag:s12], $0x4000  }
0x184: {  	[sflag:s12] =	ssyncset.done $0x0  }
0x185: {  	[sflag:s12] =	ssyncadd.s32 $0xFFFFC000  }
0x186: {  	[tilespmem:s31], [sflag:$0x2] =	stream.indirect.gather [hbm4b:s4+s26], $0x80, s13, s26, $0xb8;
	[tilespmem:$0x1FC00] =	vst v63  }
0x187: {  	_ = 	snop  }
0x188: {  	[tilespmem:s0], [sflag:$0x2] =	stream.indirect.gather [hbm4b:s4+s26], $0x80, s14, s26, $0xb8;
	[tilespmem:$0x1FC00] =	vst v63  }
0x189: {  	_ = 	snop  }
0x18a: {  	[tilespmem:s1], [sflag:$0x2] =	stream.indirect.gather [hbm4b:s4+s26], $0x80, s15, s26, $0xb8;
	[tilespmem:$0x1FC00] =	vst v63  }
0x18b: {  	_ = 	snop  }
0x18c: {  	[tilespmem:s6], [sflag:$0x2] =	stream.indirect.gather [hbm4b:s4+s26], $0x80, s16, s26, $0xb8;
	[tilespmem:$0x1FC00] =	vst v63  }
0x18d: {  	_ =	swait.ge [sflag:s10], $0x1000  }
0x18e: {  	[sflag:s10] =	ssyncset.done $0x0  }
0x18f: {  	[sflag:s10] =	ssyncadd.s32 $0xFFFFF000  }
0x190: {  	_ =	swait.ge [sflag:s10], $0x1000  }
0x191: {  	[sflag:s10] =	ssyncset.done $0x0  }
0x192: {  	[sflag:s10] =	ssyncadd.s32 $0xFFFFF000  }
0x193: {  	_ =	swait.ge [sflag:s10], $0x1000  }
0x194: {  	[sflag:s10] =	ssyncset.done $0x0  }
0x195: {  	[sflag:s10] =	ssyncadd.s32 $0xFFFFF000  }
0x196: {  	_ =	swait.ge [sflag:s10], $0x1000  }
0x197: {  	[sflag:s10] =	ssyncset.done $0x0  }
0x198: {  	[sflag:s10] =	ssyncadd.s32 $0xFFFFF000  }
0x199: {  	[spmem:s2] =	stream.indirect.scatter.add.f32 [tilespmem:s31], [sflag:$0x4], $0x80, s17, s8, $0xb8;
	[tilespmem:$0x1FC00] =	vst v63  }
0x19a: {  	v2 =	vld [tilespmem:$0x15380];
	_ =	sdelay $0x7  }
0x19b: {  	[tilespmem:v2+s9+$0x0] =	vst.idx.add.f32.msk $0xffff, v1  }
0x19c: {  	v2 =	vld [tilespmem:$0x15390];
	_ =	sdelay $0x7  }
0x19d: {  	[tilespmem:v2+s9+$0x0] =	vst.idx.add.f32.msk $0xffff, v1  }
0x19e: {  	v2 =	vld [tilespmem:$0x153A0];
	_ =	sdelay $0x7  }
0x19f: {  	[tilespmem:v2+s9+$0x0] =	vst.idx.add.f32.msk $0xffff, v1  }
0x1a0: {  	v2 =	vld [tilespmem:$0x153B0];
	_ =	sdelay $0x7  }
0x1a1: {  	[tilespmem:v2+s9+$0x0] =	vst.idx.add.f32.msk $0xffff, v1  }
0x1a2: {  	v2 =	vld [tilespmem:$0x153C0];
	_ =	sdelay $0x7  }
0x1a3: {  	[tilespmem:v2+s9+$0x0] =	vst.idx.add.f32.msk $0xffff, v1  }
0x1a4: {  	v2 =	vld [tilespmem:$0x153D0];
	_ =	sdelay $0x7  }
0x1a5: {  	[tilespmem:v2+s9+$0x0] =	vst.idx.add.f32.msk $0xffff, v1  }
0x1a6: {  	v2 =	vld [tilespmem:$0x153E0];
	_ =	sdelay $0x7  }
0x1a7: {  	[tilespmem:v2+s9+$0x0] =	vst.idx.add.f32.msk $0xffff, v1  }
0x1a8: {  	v2 =	vld [tilespmem:$0x153F0];
	_ =	sdelay $0x7  }
0x1a9: {  	[tilespmem:v2+s9+$0x0] =	vst.idx.add.f32.msk $0xffff, v1  }
0x1aa: {  	p0 =	sne.s32 s19, $0x980;
	_ =	swait.ge [sflag:s11], $0x4000  }
.Ltmp2:
0x1ab: {  	[sflag:s11] =	ssyncset.done $0x0;
	(pc) =	sbr.rel @p0 .LBB2_6-.Ltmp2, $4  }
0x1ac: {  	[sflag:s11] =	ssyncadd.s32 $0xFFFFC000  }
0x1ad: {  	_ =	swait.ge [sflag:s12], $0x4000  }
0x1ae: {  	[sflag:s12] =	ssyncset.done $0x0  }
0x1af: {  	s21 =	sadd.s32 $0x200, s21;
	s19 =	sadd.s32 $0x80, s19;
	[sflag:s12] =	ssyncadd.s32 $0xFFFFC000  }
0x1b0: {  	s5 =	sld [smem:$0x7E7];
	_ =	sdelay $0x1  }
0x1b1: {  	s19 =	simm.s32 $0x400  }
0x1b2: {  	[hbm4b:s5+s8] =	stream.strided.scatter [tilespmem:s9], [sflag:$0x5], $0x2800, s19, s8, $0x38;
	[tilespmem:$0x1FC00] =	vst v63  }
0x1b3: {  	_ =	swait.ge [sflag:s23], $0x2800  }
0x1b4: {  	[sflag:s23] =	ssyncset.done $0x0  }
0x1b5: {  	[sflag:s23] =	ssyncadd.s32 $0xFFFFD800  }
0x1b6: {  	[bflag:$0x0] =	sbarrier.arrive $0xFFFF  }
0x1b7: {  	s5 =	sld [smem:$0x7FD];
	_ =	sdelay $0x2  }
0x1b8: {  	[tilespmem:s22], [sflag:$0x5] =	stream.linear.gather [spmem:s5], $0x4000, $0x38;
	[tilespmem:$0x1FC00] =	vst v63  }
0x1b9: {  	_ =	swait.ge [sflag:s23], $0x4000  }
0x1ba: {  	s20 =	sld [smem:$0x7ED]  }
0x1bb: {  	[sflag:s23] =	ssyncset.done $0x0  }
0x1bc: {  	[sflag:s23] =	ssyncadd.s32 $0xFFFFC000  }
0x1bd: {  	[hbm4b:s20+s3] =	stream.linear.scatter [tilespmem:s22], [sflag:$0x5], $0x4000, $0x38;
	[tilespmem:$0x1FC00] =	vst v63  }
0x1be: {  	_ =	swait.ge [sflag:s23], $0x4000  }
0x1bf: {  	s21 =	sld [smem:$0x7EE]  }
0x1c0: {  	[sflag:s23] =	ssyncset.done $0x0  }
0x1c1: {  	[sflag:s23] =	ssyncadd.s32 $0xFFFFC000  }
0x1c2: {  	[tilespmem:s22], [sflag:$0x5] =	stream.linear.gather [spmem:s21], $0x4000, $0x38;
	[tilespmem:$0x1FC00] =	vst v63  }
0x1c3: {  	_ =	swait.ge [sflag:s23], $0x4000  }
0x1c4: {  	s20 =	sld [smem:$0x7EF]  }
0x1c5: {  	[sflag:s23] =	ssyncset.done $0x0  }
0x1c6: {  	[sflag:s23] =	ssyncadd.s32 $0xFFFFC000  }
0x1c7: {  	[hbm4b:s20+s3] =	stream.linear.scatter [tilespmem:s22], [sflag:$0x5], $0x4000, $0x38;
	[tilespmem:$0x1FC00] =	vst v63  }
0x1c8: {  	_ =	swait.ge [sflag:s23], $0x4000  }
0x1c9: {  	s21 =	sld [smem:$0x7F0]  }
0x1ca: {  	[sflag:s23] =	ssyncset.done $0x0  }
0x1cb: {  	[sflag:s23] =	ssyncadd.s32 $0xFFFFC000  }
0x1cc: {  	[tilespmem:s22], [sflag:$0x5] =	stream.linear.gather [spmem:s21], $0x4000, $0x38;
	[tilespmem:$0x1FC00] =	vst v63  }
0x1cd: {  	_ =	swait.ge [sflag:s23], $0x4000  }
0x1ce: {  	s20 =	sld [smem:$0x7F1]  }
0x1cf: {  	[sflag:s23] =	ssyncset.done $0x0  }
0x1d0: {  	[sflag:s23] =	ssyncadd.s32 $0xFFFFC000  }
0x1d1: {  	[hbm4b:s20+s3] =	stream.linear.scatter [tilespmem:s22], [sflag:$0x5], $0x4000, $0x38;
	[tilespmem:$0x1FC00] =	vst v63  }
0x1d2: {  	_ =	swait.ge [sflag:s23], $0x4000  }
0x1d3: {  	s21 =	sld [smem:$0x7F2]  }
0x1d4: {  	[sflag:s23] =	ssyncset.done $0x0  }
0x1d5: {  	[sflag:s23] =	ssyncadd.s32 $0xFFFFC000  }
0x1d6: {  	[tilespmem:s22], [sflag:$0x5] =	stream.linear.gather [spmem:s21], $0x4000, $0x38;
	[tilespmem:$0x1FC00] =	vst v63  }
0x1d7: {  	_ =	swait.ge [sflag:s23], $0x4000  }
0x1d8: {  	s20 =	sld [smem:$0x7F3]  }
0x1d9: {  	[sflag:s23] =	ssyncset.done $0x0  }
0x1da: {  	[sflag:s23] =	ssyncadd.s32 $0xFFFFC000  }
0x1db: {  	[hbm4b:s20+s3] =	stream.linear.scatter [tilespmem:s22], [sflag:$0x5], $0x4000, $0x38;
	[tilespmem:$0x1FC00] =	vst v63  }
0x1dc: {  	_ =	swait.ge [sflag:s23], $0x4000  }
0x1dd: {  	s21 =	sld [smem:$0x7F4]  }
0x1de: {  	[sflag:s23] =	ssyncset.done $0x0  }
0x1df: {  	[sflag:s23] =	ssyncadd.s32 $0xFFFFC000  }
0x1e0: {  	[tilespmem:s22], [sflag:$0x5] =	stream.linear.gather [spmem:s21], $0x4000, $0x38;
	[tilespmem:$0x1FC00] =	vst v63  }
0x1e1: {  	_ =	swait.ge [sflag:s23], $0x4000  }
0x1e2: {  	s20 =	sld [smem:$0x7F6]  }
0x1e3: {  	[sflag:s23] =	ssyncset.done $0x0  }
0x1e4: {  	[sflag:s23] =	ssyncadd.s32 $0xFFFFC000  }
0x1e5: {  	[hbm4b:s20+s3] =	stream.linear.scatter [tilespmem:s22], [sflag:$0x5], $0x4000, $0x38;
	[tilespmem:$0x1FC00] =	vst v63  }
0x1e6: {  	_ =	swait.ge [sflag:s23], $0x4000  }
0x1e7: {  	s21 =	sld [smem:$0x7E8];
	_ =	sdelay $0x1  }
0x1e8: {  	s18 =	sadd.s32 $0x1, s18  }
0x1e9: {  	p0 =	sne.s32 s18, s21  }
.Ltmp3:
0x1ea: {  	_ = 	snop;
	(pc) =	sbr.rel @p0 .LBB2_1-.Ltmp3, $3  }
0x1eb: {  	_ =	sdelay $0x1  }
0x1ec: {  	[sflag:s23] =	ssyncset.done $0x0  }
0x1ed: {  	[sflag:s23] =	ssyncadd.s32 $0xFFFFC000  }
0x1ee: {  	_ =	sfence.sel $0x180000  }
0x1ef: {  	[bflag:$0x0] =	sbarrier.arrive $0xFFFF  }
0x1f0: {  	_ =	strace $0x90000047  }
0x1f1: {  	s0 =	stileid.u32;
	[bflag:$0x2] =	sbarrier.arrive $0xFFFF  }
0x1f2: {  	p0 =	sne.s32 s0, $0x0;
	s0 =	rddreg [dreg:$0x3]  }
0x1f3: {  	s0 =	sadd.s32 @!p0 $0x100000, s0  }
0x1f4: {  	[sflag:s0] =	ssyncadd.tile.s32 @!p0 $0x1;
	_ =	shalt  }
.Lfunc_end2:
_tile_overlayer_lowered:
.L_overlay_start_2:
0x1f5: {  	(tag) =	ssettag $0x2  }
0x1f6: {  	s0 =	rddreg [dreg:$0x0];
	s2 =	stileid.u32  }
0x1f7: {  	s1 =	rddreg [dreg:$0x1];
	p0 =	sne.s32 s2, $0x0  }
0x1f8: {  	s3 =	rddreg [dreg:$0x2];
	[bflag:$0x3] =	sbarrier.arrive $0xFFFF;
	s2 =	simm.s32 @!p0 $0x1C05  }
0x1f9: {  	[timem:s3], [sflag:s2] =	dma.local @!p0 [hbm:s0], s1  }
0x1fa: {  	s0 =	simm.s32 @!p0 $0x5  }
0x1fb: {  	_ =	swait.ge @!p0 [sflag:s0], s1  }
0x1fc: {  	s1 =	ssub.s32 @!p0 $0x0, s1;
	[sflag:s0] =	ssyncset.done @!p0 $0x0  }
0x1fd: {  	[sflag:s0] =	ssyncadd.s32 @!p0 s1  }
0x1fe: {  	[bflag:$0x3] =	sbarrier.arrive $0xFFFF  }
0x1ff: {  	_ =	shalt  }

</sc_bundles>
